<compile_context>
chip_gen: v7x
topology: tpu7x:2x2x1
jax: 0.10.2.dev20260603
libtpu: 0.0.44.dev20260713+nightly
codegen_flags: <defaults>
</compile_context>

<pallas_src>
import functools
import math

import jax
import jax.numpy as jnp
from jax import lax
from jax.experimental import pallas as pl
from jax.experimental.pallas import tpu as pltpu
from jax.experimental.pallas import tpu_sc as plsc

_N = 10000
_IN = 128
_H = 64
_OUT = 128
_E = 320000
_BN_EPS = 1e-5

_NC = 2
_NS = 16
_NW = _NC * _NS
_CH = 128
_NCHUNK = 2560
_EP = _NCHUNK * _CH
_K = _NCHUNK // _NW
_SPARE = 640
_RPT = 624
_RLAST = _N - 15 * _RPT
_AGG_ROWS = _N + _SPARE
_ZPT = _AGG_ROWS // _NS

_BM = 1000


_NPOS = _E // 2 // _CH
_NREAL = _E // _CH
_KTAIL = _NREAL - (_NW - 1) * _K


def _sc_scatter_partials(table, ei):
    mesh = plsc.VectorSubcoreMesh(core_axis_name="c", subcore_axis_name="s")
    nbuf = 5

    @functools.partial(
        pl.kernel,
        out_type=jax.ShapeDtypeStruct((_NC, _N, 2 * _H), jnp.float32),
        mesh=mesh,
        scratch_types=[
            pltpu.VMEM((_K * _CH,), jnp.int32),
            pltpu.VMEM((_K * _CH,), jnp.int32),
            pltpu.VMEM((nbuf, _CH, _H), jnp.float32),
            pltpu.VMEM((340, _H), jnp.float32),
            pltpu.VMEM_SHARED((_AGG_ROWS, _H), jnp.float32),
            [pltpu.SemaphoreType.DMA] * nbuf,
            [pltpu.SemaphoreType.DMA] * nbuf,
            pltpu.SemaphoreType.DMA,
            pltpu.SemaphoreType.DMA,
        ],
        compiler_params=pltpu.CompilerParams(use_tc_tiling_on_sc=False),
    )
    def run(table_hbm, ei_hbm, out_hbm,
            src_v, tgt_v, rows, zbuf, agg, sem_g, sem_s, sem_i1, sem_i2):
        c = lax.axis_index("c")
        s = lax.axis_index("s")
        tid = c * _NS + s
        base = tid * _K

        @pl.when(tid < _NW - 1)
        def _():
            pltpu.async_copy(ei_hbm.at[0, pl.ds(base * _CH, _K * _CH)],
                             src_v, sem_i1)
            pltpu.async_copy(ei_hbm.at[1, pl.ds(base * _CH, _K * _CH)],
                             tgt_v, sem_i2)

        @pl.when(tid == _NW - 1)
        def _():
            pltpu.async_copy(ei_hbm.at[0, pl.ds(base * _CH, _KTAIL * _CH)],
                             src_v.at[pl.ds(0, _KTAIL * _CH)], sem_i1)
            pltpu.async_copy(ei_hbm.at[1, pl.ds(base * _CH, _KTAIL * _CH)],
                             tgt_v.at[pl.ds(0, _KTAIL * _CH)], sem_i2)

        zero = jnp.zeros((16,), jnp.float32)

        def zrow(i, carry):
            for q in range(_H // 16):
                zbuf[i, pl.ds(q * 16, 16)] = zero
            return carry

        lax.fori_loop(0, 340, zrow, 0)

        pltpu.sync_copy(zbuf, agg.at[pl.ds(s * _ZPT, 340)])
        pltpu.sync_copy(zbuf.at[pl.ds(0, _ZPT - 340)],
                        agg.at[pl.ds(s * _ZPT + 340, _ZPT - 340)])

        @pl.when(tid < _NW - 1)
        def _():
            pltpu.make_async_copy(ei_hbm.at[0, pl.ds(base * _CH, _K * _CH)],
                                  src_v, sem_i1).wait()
            pltpu.make_async_copy(ei_hbm.at[1, pl.ds(base * _CH, _K * _CH)],
                                  tgt_v, sem_i2).wait()

        @pl.when(tid == _NW - 1)
        def _():
            pltpu.make_async_copy(
                ei_hbm.at[0, pl.ds(base * _CH, _KTAIL * _CH)],
                src_v.at[pl.ds(0, _KTAIL * _CH)], sem_i1).wait()
            pltpu.make_async_copy(
                ei_hbm.at[1, pl.ds(base * _CH, _KTAIL * _CH)],
                tgt_v.at[pl.ds(0, _KTAIL * _CH)], sem_i2).wait()

        def trow(k, carry):
            g = base + k
            rel = jnp.where(g >= _NPOS, 1, 0).astype(jnp.int32)

            @pl.when(g < _NREAL)
            def _():
                for q in range(_CH // 16):
                    v = src_v[pl.ds(k * _CH + q * 16, 16)]
                    src_v[pl.ds(k * _CH + q * 16, 16)] = v + v + rel
            return carry

        lax.fori_loop(0, _K, trow, 0)

        lane = lax.iota(jnp.int32, 16)

        @pl.when(tid == _NW - 1)
        def _():
            def prow(k, r):
                for q in range(_CH // 16):
                    slot = (k - _KTAIL) * _CH + q * 16 + lane
                    src_v[pl.ds(k * _CH + q * 16, 16)] = slot * 2
                    tgt_v[pl.ds(k * _CH + q * 16, 16)] = (
                        _N + r * _CH + q * 16 + lane)
                return jnp.where(r == 4, 0, r + 1)

            lax.fori_loop(_KTAIL, _K, prow, 0)

        plsc.subcore_barrier()

        def quad(m, carry):
            j0 = nbuf * m

            @pl.when(m > 0)
            def _():
                for t in range(nbuf):
                    pltpu.make_async_copy(
                        rows.at[t],
                        agg.at[tgt_v.at[pl.ds((j0 + t) * _CH, _CH)]],
                        sem_s[t]).wait()

            gs = [pltpu.async_copy(
                      table_hbm.at[src_v.at[pl.ds((j0 + t) * _CH, _CH)]],
                      rows.at[t], sem_g[t])
                  for t in range(nbuf)]
            for t in range(nbuf):
                gs[t].wait()
                pltpu.async_copy(rows.at[t],
                                 agg.at[tgt_v.at[pl.ds((j0 + t) * _CH, _CH)]],
                                 sem_s[t], add=True)
            return carry

        lax.fori_loop(0, _K // nbuf, quad, 0)
        for t in range(nbuf):
            pltpu.make_async_copy(rows.at[t],
                                  agg.at[tgt_v.at[pl.ds(t * _CH, _CH)]],
                                  sem_s[t]).wait()
        plsc.subcore_barrier()

        @pl.when(s < _NS - 1)
        def _():
            pltpu.sync_copy(agg.at[pl.ds(s * _RPT, _RPT)],
                            out_hbm.at[c, pl.ds(s * _RPT, _RPT), pl.ds(0, _H)])

        @pl.when(s == _NS - 1)
        def _():
            pltpu.sync_copy(agg.at[pl.ds(15 * _RPT, _RLAST)],
                            out_hbm.at[c, pl.ds(15 * _RPT, _RLAST), pl.ds(0, _H)])

    return run(table, ei)


def _tc_mm3(x, w0, b0, w1, b1, ws, bs, combine=None):
    d_in = w0.shape[0]
    wcat = jnp.concatenate([w0, w1], axis=1)
    bcat = jnp.concatenate([b0, b1]).reshape(1, 2 * _H)

    def body(*refs):
        if combine is not None:
            p_ref, ys_ref, wc_ref, bc_ref, ws_ref, bs_ref, tab_ref, yso_ref = refs
            xb = jnp.tanh(p_ref[0][:, :_H] + p_ref[1][:, :_H] + ys_ref[...])
        else:
            x_ref, wc_ref, bc_ref, ws_ref, bs_ref, tab_ref, yso_ref = refs
            xb = x_ref[...]
        tab_ref[...] = jnp.dot(xb, wc_ref[...], preferred_element_type=jnp.float32) + bc_ref[...]
        yso_ref[...] = jnp.dot(xb, ws_ref[...], preferred_element_type=jnp.float32) + bs_ref[...]

    if combine is not None:
        parts, ys = combine
        lead_args = (parts, ys)
        lead_specs = [pl.BlockSpec((2, _BM, 2 * _H), lambda i: (0, i, 0)),
                      pl.BlockSpec((_BM, _H), lambda i: (i, 0))]
    else:
        lead_args = (x,)
        lead_specs = [pl.BlockSpec((_BM, d_in), lambda i: (i, 0))]

    return pl.pallas_call(
        body,
        grid=(_N // _BM,),
        in_specs=lead_specs + [pl.BlockSpec((d_in, 2 * _H), lambda i: (0, 0)),
                               pl.BlockSpec((1, 2 * _H), lambda i: (0, 0)),
                               pl.BlockSpec((d_in, _H), lambda i: (0, 0)),
                               pl.BlockSpec((1, _H), lambda i: (0, 0))],
        out_specs=[pl.BlockSpec((_BM, 2 * _H), lambda i: (i, 0)),
                   pl.BlockSpec((_BM, _H), lambda i: (i, 0))],
        out_shape=[jax.ShapeDtypeStruct((_N, 2 * _H), jnp.float32),
                   jax.ShapeDtypeStruct((_N, _H), jnp.float32)],
    )(*lead_args, wcat, bcat, ws, bs.reshape(1, _H))


def _tc_final(parts, ys, ww, wb, mw1, mb1, g1, be1, mw2, mb2, g2, be2, w3row, b3):
    bn_s = 1.0 / math.sqrt(1.0 + _BN_EPS)
    wb, mb1, g1, be1, mb2, g2, be2 = (a.reshape(1, _OUT) for a in
                                      (wb, mb1, g1, be1, mb2, g2, be2))
    b3 = b3.reshape(1, 1)

    def body(p_ref, ys_ref, ww_ref, wb_ref, mw1_ref, mb1_ref, g1_ref, be1_ref,
             mw2_ref, mb2_ref, g2_ref, be2_ref, w3_ref, b3_ref, z_ref, prob_ref):
        z2 = jnp.tanh(p_ref[0][:, :_H] + p_ref[1][:, :_H] + ys_ref[...])
        z = jnp.tanh(jnp.dot(z2, ww_ref[...], preferred_element_type=jnp.float32) + wb_ref[...])
        z_ref[...] = z
        h = jnp.dot(z, mw1_ref[...], preferred_element_type=jnp.float32) + mb1_ref[...]
        h = jnp.maximum(h * bn_s * g1_ref[...] + be1_ref[...], 0.0)
        h = jnp.dot(h, mw2_ref[...], preferred_element_type=jnp.float32) + mb2_ref[...]
        h = jnp.maximum(h * bn_s * g2_ref[...] + be2_ref[...], 0.0)
        logit = jnp.sum(h * w3_ref[...], axis=1, keepdims=True) + b3_ref[...]
        prob_ref[...] = jax.nn.sigmoid(logit)

    full = lambda a: pl.BlockSpec(a.shape, lambda i: tuple(0 for _ in a.shape))
    return pl.pallas_call(
        body,
        grid=(_N // _BM,),
        in_specs=[pl.BlockSpec((2, _BM, 2 * _H), lambda i: (0, i, 0)),
                  pl.BlockSpec((_BM, _H), lambda i: (i, 0)),
                  full(ww), full(wb), full(mw1), full(mb1), full(g1), full(be1),
                  full(mw2), full(mb2), full(g2), full(be2), full(w3row), full(b3)],
        out_specs=[pl.BlockSpec((_BM, _OUT), lambda i: (i, 0)),
                   pl.BlockSpec((_BM, 1), lambda i: (i, 0))],
        out_shape=[jax.ShapeDtypeStruct((_N, _OUT), jnp.float32),
                   jax.ShapeDtypeStruct((_N, 1), jnp.float32)],
    )(parts, ys, ww, wb, mw1, mb1, g1, be1, mw2, mb2, g2, be2, w3row, b3)


def kernel(init_emb, edge_index_s, params):
    p = params
    tab1, ys1 = _tc_mm3(init_emb, p['c1_w0'], p['c1_b0'], p['c1_w1'], p['c1_b1'],
                        p['c1_ws'], p['c1_bs'])
    part1 = _sc_scatter_partials(tab1.reshape(2 * _N, _H), edge_index_s)
    tab2, ys2 = _tc_mm3(None, p['c2_w0'], p['c2_b0'], p['c2_w1'], p['c2_b1'],
                        p['c2_ws'], p['c2_bs'], combine=(part1, ys1))
    part2 = _sc_scatter_partials(tab2.reshape(2 * _N, _H), edge_index_s)
    z, prob = _tc_final(part2, ys2, p['w_w'], p['w_b'],
                        p['m_w1'], p['m_b1'], p['m_g1'], p['m_be1'],
                        p['m_w2'], p['m_b2'], p['m_g2'], p['m_be2'],
                        p['m_w3'].reshape(1, _OUT), p['m_b3'])
    return (z, prob)

# --- scband reference (transcript-rebuilt; emitter-appended) ---
"""Pipeline reference for scband-aiger-50775103373990 (READ-ONLY COPY).

The authoritative reference and input builder live on the scoring server;
editing this copy changes nothing except your own understanding.
"""

import jax, jax.numpy as jnp
import numpy as np

N = 10000
IN_DIM = 128
OUT_DIM = 128
H = OUT_DIM // 2  # 64
E = 320000
BN_EPS = 1e-5


def _init_linear(key, fan_in, fan_out):
    kw, kb = jax.random.split(key)
    bound = 1.0 / np.sqrt(fan_in)
    w = jax.random.uniform(kw, (fan_in, fan_out), minval=-bound, maxval=bound, dtype=jnp.float32)
    b = jax.random.uniform(kb, (fan_out,), minval=-bound, maxval=bound, dtype=jnp.float32)
    return w, b


def setup_inputs(seed: int = 0) -> dict:
    key = jax.random.key(seed)
    ks = jax.random.split(key, 16)
    init_emb = jax.random.normal(ks[0], (N, IN_DIM), dtype=jnp.float32)
    edge_index_s = jax.random.randint(ks[1], (2, E), 0, N, dtype=jnp.int32)
    params = {}
    # conv1: 2 relation layers (IN_DIM -> H) + self-loop layer
    params['c1_w0'], params['c1_b0'] = _init_linear(ks[2], IN_DIM, H)
    params['c1_w1'], params['c1_b1'] = _init_linear(ks[3], IN_DIM, H)
    params['c1_ws'], params['c1_bs'] = _init_linear(ks[4], IN_DIM, H)
    # conv2 (layer_num=2 -> one extra conv): H -> H
    params['c2_w0'], params['c2_b0'] = _init_linear(ks[5], H, H)
    params['c2_w1'], params['c2_b1'] = _init_linear(ks[6], H, H)
    params['c2_ws'], params['c2_bs'] = _init_linear(ks[7], H, H)
    # self.weight: Linear(H -> OUT_DIM)
    params['w_w'], params['w_b'] = _init_linear(ks[8], H, OUT_DIM)
    # readout MLP: OUT_DIM -> OUT_DIM -> OUT_DIM -> 1 with batchnorm+relu (eval mode)
    params['m_w1'], params['m_b1'] = _init_linear(ks[9], OUT_DIM, OUT_DIM)
    params['m_g1'] = jnp.ones((OUT_DIM,), jnp.float32)
    params['m_be1'] = jnp.zeros((OUT_DIM,), jnp.float32)
    params['m_w2'], params['m_b2'] = _init_linear(ks[10], OUT_DIM, OUT_DIM)
    params['m_g2'] = jnp.ones((OUT_DIM,), jnp.float32)
    params['m_be2'] = jnp.zeros((OUT_DIM,), jnp.float32)
    params['m_w3'], params['m_b3'] = _init_linear(ks[11], OUT_DIM, 1)
    return {'init_emb': init_emb, 'edge_index_s': edge_index_s, 'params': params}


def _bn_eval(x, g, b):
    # eval-mode batchnorm with running_mean=0, running_var=1
    return (x / jnp.sqrt(1.0 + BN_EPS)) * g + b


def _aiger_conv(x, edge_indices, ws, bs, w_self, b_self):
    agg = jnp.zeros((x.shape[0], ws[0].shape[1]), dtype=x.dtype)
    for i in range(2):
        ei = edge_indices[i]
        src, tgt = ei[0], ei[1]
        messages = x[src] @ ws[i] + bs[i]  # gather + linear
        agg = agg + jnp.zeros((x.shape[0], messages.shape[1]), dtype=messages.dtype).at[tgt].add(messages)
    agg = agg + x @ w_self + b_self  # self loop
    return agg


def reference(init_emb, edge_index_s, params):
    # get_x_edge_index: split signed edge list into pos / neg relations
    pos_ei = edge_index_s[:, : E // 2]
    neg_ei = edge_index_s[:, E // 2 :]
    p = params
    z = jnp.tanh(_aiger_conv(init_emb, [pos_ei, neg_ei],
                             [p['c1_w0'], p['c1_w1']], [p['c1_b0'], p['c1_b1']],
                             p['c1_ws'], p['c1_bs']))
    z = jnp.tanh(_aiger_conv(z, [pos_ei, neg_ei],
                             [p['c2_w0'], p['c2_w1']], [p['c2_b0'], p['c2_b1']],
                             p['c2_ws'], p['c2_bs']))
    z = jnp.tanh(z @ p['w_w'] + p['w_b'])
    h = jax.nn.relu(_bn_eval(z @ p['m_w1'] + p['m_b1'], p['m_g1'], p['m_be1']))
    h = jax.nn.relu(_bn_eval(h @ p['m_w2'] + p['m_b2'], p['m_g2'], p['m_be2']))
    h = h @ p['m_w3'] + p['m_b3']
    prob = jax.nn.sigmoid(h)
    return (z, prob)

if __name__ == "__main__":
    import jax
    _d = setup_inputs()
    print(jax.jit(kernel)(*tuple(_d.values())))

</pallas_src>

<mosaic_0001>
#map = affine_map<(d0, d1) -> (0, 0)>
#map1 = affine_map<(d0, d1) -> (0, 0, 0)>
module attributes {stable_mosaic.version = 14 : i64} {
  func.func @run(%arg0: i32, %arg1: i32, %arg2: memref<20000x64xf32, #tpu.memory_space<hbm>>, %arg3: memref<2x320000xi32, #tpu.memory_space<hbm>>, %arg4: memref<2x10000x128xf32, #tpu.memory_space<hbm>>, %arg5: memref<10240xi32, #tpu.memory_space<vmem>>, %arg6: memref<10240xi32, #tpu.memory_space<vmem>>, %arg7: memref<5x128x64xf32, #tpu.memory_space<vmem>>, %arg8: memref<340x64xf32, #tpu.memory_space<vmem>>, %arg9: memref<10640x64xf32, #tpu.memory_space<vmem_shared>>, %arg10: memref<!tpu.dma_semaphore, #tpu.memory_space<semaphore_mem>>, %arg11: memref<!tpu.dma_semaphore, #tpu.memory_space<semaphore_mem>>, %arg12: memref<!tpu.dma_semaphore, #tpu.memory_space<semaphore_mem>>, %arg13: memref<!tpu.dma_semaphore, #tpu.memory_space<semaphore_mem>>, %arg14: memref<!tpu.dma_semaphore, #tpu.memory_space<semaphore_mem>>, %arg15: memref<!tpu.dma_semaphore, #tpu.memory_space<semaphore_mem>>, %arg16: memref<!tpu.dma_semaphore, #tpu.memory_space<semaphore_mem>>, %arg17: memref<!tpu.dma_semaphore, #tpu.memory_space<semaphore_mem>>, %arg18: memref<!tpu.dma_semaphore, #tpu.memory_space<semaphore_mem>>, %arg19: memref<!tpu.dma_semaphore, #tpu.memory_space<semaphore_mem>>, %arg20: memref<!tpu.dma_semaphore, #tpu.memory_space<semaphore_mem>>, %arg21: memref<!tpu.dma_semaphore, #tpu.memory_space<semaphore_mem>>) attributes {dimension_semantics = [#tpu.dimension_semantics<core_parallel>, #tpu.dimension_semantics<subcore_parallel>], iteration_bounds = array<i64: 2, 16>, scalar_prefetch = 0 : i64, scratch_operands = 17 : i64, tpu.core_type = #tpu.core_type<sc_vector_subcore>, window_params = [{transform_indices = #map}, {transform_indices = #map}, {transform_indices = #map1}]} {
    %mul3A = arith.constant 16 : i32
    %mul3A_0 = arith.muli %arg0, %mul3A : i32
    %add3A = arith.addi %mul3A_0, %arg1 : i32
    %mul3A_1 = arith.constant 80 : i32
    %mul3A_2 = arith.muli %add3A, %mul3A_1 : i32
    %lt3A = arith.constant 31 : i32
    %lt3A_3 = arith.cmpi slt, %add3A, %lt3A : i32
    %convert_element_type3A = arith.extui %lt3A_3 : i1 to i32
    %cond3A = arith.constant 0 : i32
    %cond3A_4 = arith.cmpi ne, %convert_element_type3A, %cond3A : i32
    scf.if %cond3A_4 {
      %mul3A_108 = arith.constant 128 : i32
      %mul3A_109 = arith.muli %mul3A_2, %mul3A_108 : i32
      %dma_start3A = arith.constant 0 : i32
      %dma_start3A_110 = tpu.memref_slice %arg3[%dma_start3A, %mul3A_109] : memref<2x320000xi32, #tpu.memory_space<hbm>> -> memref<1x10240xi32, #tpu.memory_space<hbm>>
      %dma_start3A_111 = tpu.memref_squeeze %dma_start3A_110 : memref<1x10240xi32, #tpu.memory_space<hbm>> -> memref<10240xi32, #tpu.memory_space<hbm>>
      %dma_start3A_112 = tpu.memref_slice %arg3[%dma_start3A, %mul3A_109] : memref<2x320000xi32, #tpu.memory_space<hbm>> -> memref<1x10240xi32, #tpu.memory_space<hbm>>
      %dma_start3A_113 = tpu.memref_squeeze %dma_start3A_112 : memref<1x10240xi32, #tpu.memory_space<hbm>> -> memref<10240xi32, #tpu.memory_space<hbm>>
      tpu.enqueue_dma source(%dma_start3A_113 : memref<10240xi32, #tpu.memory_space<hbm>>) target(%arg5 : memref<10240xi32, #tpu.memory_space<vmem>>) target_semaphore(%arg20 : memref<!tpu.dma_semaphore, #tpu.memory_space<semaphore_mem>>)
      %mul3A_114 = arith.constant 128 : i32
      %mul3A_115 = arith.muli %mul3A_2, %mul3A_114 : i32
      %dma_start3A_116 = arith.constant 1 : i32
      %dma_start3A_117 = tpu.memref_slice %arg3[%dma_start3A_116, %mul3A_115] : memref<2x320000xi32, #tpu.memory_space<hbm>> -> memref<1x10240xi32, #tpu.memory_space<hbm>>
      %dma_start3A_118 = tpu.memref_squeeze %dma_start3A_117 : memref<1x10240xi32, #tpu.memory_space<hbm>> -> memref<10240xi32, #tpu.memory_space<hbm>>
      %dma_start3A_119 = tpu.memref_slice %arg3[%dma_start3A_116, %mul3A_115] : memref<2x320000xi32, #tpu.memory_space<hbm>> -> memref<1x10240xi32, #tpu.memory_space<hbm>>
      %dma_start3A_120 = tpu.memref_squeeze %dma_start3A_119 : memref<1x10240xi32, #tpu.memory_space<hbm>> -> memref<10240xi32, #tpu.memory_space<hbm>>
      tpu.enqueue_dma source(%dma_start3A_120 : memref<10240xi32, #tpu.memory_space<hbm>>) target(%arg6 : memref<10240xi32, #tpu.memory_space<vmem>>) target_semaphore(%arg21 : memref<!tpu.dma_semaphore, #tpu.memory_space<semaphore_mem>>)
    } else {
    }
    %eq3A = arith.constant 31 : i32
    %eq3A_5 = arith.cmpi eq, %add3A, %eq3A : i32
    %convert_element_type3A_6 = arith.extui %eq3A_5 : i1 to i32
    %cond3A_7 = arith.constant 0 : i32
    %cond3A_8 = arith.cmpi ne, %convert_element_type3A_6, %cond3A_7 : i32
    scf.if %cond3A_8 {
      %mul3A_108 = arith.constant 128 : i32
      %mul3A_109 = arith.muli %mul3A_2, %mul3A_108 : i32
      %dma_start3A = arith.constant 0 : i32
      %dma_start3A_110 = arith.constant 0 : i32
      %dma_start3A_111 = tpu.memref_slice %arg5[%dma_start3A_110] : memref<10240xi32, #tpu.memory_space<vmem>> -> memref<2560xi32, #tpu.memory_space<vmem>>
      %dma_start3A_112 = tpu.memref_slice %arg3[%dma_start3A, %mul3A_109] : memref<2x320000xi32, #tpu.memory_space<hbm>> -> memref<1x2560xi32, #tpu.memory_space<hbm>>
      %dma_start3A_113 = tpu.memref_squeeze %dma_start3A_112 : memref<1x2560xi32, #tpu.memory_space<hbm>> -> memref<2560xi32, #tpu.memory_space<hbm>>
      %dma_start3A_114 = arith.constant 0 : i32
      %dma_start3A_115 = tpu.memref_slice %arg5[%dma_start3A_114] : memref<10240xi32, #tpu.memory_space<vmem>> -> memref<2560xi32, #tpu.memory_space<vmem>>
      %dma_start3A_116 = tpu.memref_slice %arg3[%dma_start3A, %mul3A_109] : memref<2x320000xi32, #tpu.memory_space<hbm>> -> memref<1x2560xi32, #tpu.memory_space<hbm>>
      %dma_start3A_117 = tpu.memref_squeeze %dma_start3A_116 : memref<1x2560xi32, #tpu.memory_space<hbm>> -> memref<2560xi32, #tpu.memory_space<hbm>>
      tpu.enqueue_dma source(%dma_start3A_117 : memref<2560xi32, #tpu.memory_space<hbm>>) target(%dma_start3A_115 : memref<2560xi32, #tpu.memory_space<vmem>>) target_semaphore(%arg20 : memref<!tpu.dma_semaphore, #tpu.memory_space<semaphore_mem>>)
      %mul3A_118 = arith.constant 128 : i32
      %mul3A_119 = arith.muli %mul3A_2, %mul3A_118 : i32
      %dma_start3A_120 = arith.constant 1 : i32
      %dma_start3A_121 = arith.constant 0 : i32
      %dma_start3A_122 = tpu.memref_slice %arg6[%dma_start3A_121] : memref<10240xi32, #tpu.memory_space<vmem>> -> memref<2560xi32, #tpu.memory_space<vmem>>
      %dma_start3A_123 = tpu.memref_slice %arg3[%dma_start3A_120, %mul3A_119] : memref<2x320000xi32, #tpu.memory_space<hbm>> -> memref<1x2560xi32, #tpu.memory_space<hbm>>
      %dma_start3A_124 = tpu.memref_squeeze %dma_start3A_123 : memref<1x2560xi32, #tpu.memory_space<hbm>> -> memref<2560xi32, #tpu.memory_space<hbm>>
      %dma_start3A_125 = arith.constant 0 : i32
      %dma_start3A_126 = tpu.memref_slice %arg6[%dma_start3A_125] : memref<10240xi32, #tpu.memory_space<vmem>> -> memref<2560xi32, #tpu.memory_space<vmem>>
      %dma_start3A_127 = tpu.memref_slice %arg3[%dma_start3A_120, %mul3A_119] : memref<2x320000xi32, #tpu.memory_space<hbm>> -> memref<1x2560xi32, #tpu.memory_space<hbm>>
      %dma_start3A_128 = tpu.memref_squeeze %dma_start3A_127 : memref<1x2560xi32, #tpu.memory_space<hbm>> -> memref<2560xi32, #tpu.memory_space<hbm>>
      tpu.enqueue_dma source(%dma_start3A_128 : memref<2560xi32, #tpu.memory_space<hbm>>) target(%dma_start3A_126 : memref<2560xi32, #tpu.memory_space<vmem>>) target_semaphore(%arg21 : memref<!tpu.dma_semaphore, #tpu.memory_space<semaphore_mem>>)
    } else {
    }
    %broadcast_in_dim3A = arith.constant 0.000000e+00 : f32
    %broadcast_in_dim3A_9 = vector.broadcast %broadcast_in_dim3A : f32 to vector<16xf32>
    %scan3A = arith.constant 0 : i32
    %scan3A_10 = arith.constant 0 : i32
    %scan3A_11 = arith.constant 340 : i32
    %scan3A_12 = arith.addi %scan3A_10, %scan3A_11 : i32
    %scan3A_13 = arith.constant 1 : i32
    scf.for %scan3A_108 = %scan3A_10 to %scan3A_12 step %scan3A_13  : i32 {
      %swap3A = arith.index_cast %scan3A_108 : i32 to index
      %swap3A_109 = arith.constant 0 : index
      %swap3A_110 = tpu.vector_load %arg8[%swap3A, %swap3A_109] {strides = array<i32>} : memref<340x64xf32, #tpu.memory_space<vmem>>, vector<1x16xf32>,
      %swap3A_111 = vector.shape_cast %swap3A_110 : vector<1x16xf32> to vector<16xf32>
      %swap3A_112 = vector.shape_cast %broadcast_in_dim3A_9 : vector<16xf32> to vector<1x16xf32>
      tpu.vector_store %arg8[%swap3A, %swap3A_109], %swap3A_112 {strides = array<i32>} : memref<340x64xf32, #tpu.memory_space<vmem>>, vector<1x16xf32>,
      %swap3A_113 = arith.index_cast %scan3A_108 : i32 to index
      %swap3A_114 = arith.constant 16 : index
      %swap3A_115 = tpu.vector_load %arg8[%swap3A_113, %swap3A_114] {strides = array<i32>} : memref<340x64xf32, #tpu.memory_space<vmem>>, vector<1x16xf32>,
      %swap3A_116 = vector.shape_cast %swap3A_115 : vector<1x16xf32> to vector<16xf32>
      %swap3A_117 = vector.shape_cast %broadcast_in_dim3A_9 : vector<16xf32> to vector<1x16xf32>
      tpu.vector_store %arg8[%swap3A_113, %swap3A_114], %swap3A_117 {strides = array<i32>} : memref<340x64xf32, #tpu.memory_space<vmem>>, vector<1x16xf32>,
      %swap3A_118 = arith.index_cast %scan3A_108 : i32 to index
      %swap3A_119 = arith.constant 32 : index
      %swap3A_120 = tpu.vector_load %arg8[%swap3A_118, %swap3A_119] {strides = array<i32>} : memref<340x64xf32, #tpu.memory_space<vmem>>, vector<1x16xf32>,
      %swap3A_121 = vector.shape_cast %swap3A_120 : vector<1x16xf32> to vector<16xf32>
      %swap3A_122 = vector.shape_cast %broadcast_in_dim3A_9 : vector<16xf32> to vector<1x16xf32>
      tpu.vector_store %arg8[%swap3A_118, %swap3A_119], %swap3A_122 {strides = array<i32>} : memref<340x64xf32, #tpu.memory_space<vmem>>, vector<1x16xf32>,
      %swap3A_123 = arith.index_cast %scan3A_108 : i32 to index
      %swap3A_124 = arith.constant 48 : index
      %swap3A_125 = tpu.vector_load %arg8[%swap3A_123, %swap3A_124] {strides = array<i32>} : memref<340x64xf32, #tpu.memory_space<vmem>>, vector<1x16xf32>,
      %swap3A_126 = vector.shape_cast %swap3A_125 : vector<1x16xf32> to vector<16xf32>
      %swap3A_127 = vector.shape_cast %broadcast_in_dim3A_9 : vector<16xf32> to vector<1x16xf32>
      tpu.vector_store %arg8[%swap3A_123, %swap3A_124], %swap3A_127 {strides = array<i32>} : memref<340x64xf32, #tpu.memory_space<vmem>>, vector<1x16xf32>,
    }
    %scan3A_14 = arith.constant 340 : i32
    %mul3A_15 = arith.constant 665 : i32
    %mul3A_16 = arith.muli %arg1, %mul3A_15 : i32
    "tpu.region"() ({
      %run_scoped3A = tpu.sem_alloc : memref<!tpu.dma_semaphore, #tpu.memory_space<semaphore_mem>>
      %dma_start3A = arith.constant 0 : i32
      %dma_start3A_108 = tpu.memref_slice %arg9[%mul3A_16, %dma_start3A] : memref<10640x64xf32, #tpu.memory_space<vmem_shared>> -> memref<340x64xf32, #tpu.memory_space<vmem_shared>>
      %dma_start3A_109 = arith.constant 0 : i32
      %dma_start3A_110 = tpu.memref_slice %arg9[%mul3A_16, %dma_start3A_109] : memref<10640x64xf32, #tpu.memory_space<vmem_shared>> -> memref<340x64xf32, #tpu.memory_space<vmem_shared>>
      tpu.enqueue_dma source(%arg8 : memref<340x64xf32, #tpu.memory_space<vmem>>) target(%dma_start3A_110 : memref<340x64xf32, #tpu.memory_space<vmem_shared>>) target_semaphore(%run_scoped3A : memref<!tpu.dma_semaphore, #tpu.memory_space<semaphore_mem>>)
      %dma_wait3A_111 = arith.constant 0 : i32
      %dma_wait3A_112 = tpu.memref_slice %arg9[%mul3A_16, %dma_wait3A_111] : memref<10640x64xf32, #tpu.memory_space<vmem_shared>> -> memref<340x64xf32, #tpu.memory_space<vmem_shared>>
      %dma_wait3A_113 = arith.constant 0 : i32
      %dma_wait3A_114 = tpu.memref_slice %arg9[%mul3A_16, %dma_wait3A_113] : memref<10640x64xf32, #tpu.memory_space<vmem_shared>> -> memref<340x64xf32, #tpu.memory_space<vmem_shared>>
      tpu.wait_dma2 semaphore(%run_scoped3A : memref<!tpu.dma_semaphore, #tpu.memory_space<semaphore_mem>>) src(%arg8 : memref<340x64xf32, #tpu.memory_space<vmem>>) dst(%dma_wait3A_114 : memref<340x64xf32, #tpu.memory_space<vmem_shared>>)
      tpu.yield
    }) : () -> ()
    %mul3A_17 = arith.constant 665 : i32
    %mul3A_18 = arith.muli %arg1, %mul3A_17 : i32
    %add3A_19 = arith.constant 340 : i32
    %add3A_20 = arith.addi %mul3A_18, %add3A_19 : i32
    "tpu.region"() ({
      %run_scoped3A = tpu.sem_alloc : memref<!tpu.dma_semaphore, #tpu.memory_space<semaphore_mem>>
      %dma_start3A = arith.constant 0 : i32
      %dma_start3A_108 = arith.constant 0 : i32
      %dma_start3A_109 = tpu.memref_slice %arg8[%dma_start3A, %dma_start3A_108] : memref<340x64xf32, #tpu.memory_space<vmem>> -> memref<325x64xf32, #tpu.memory_space<vmem>>
      %dma_start3A_110 = arith.constant 0 : i32
      %dma_start3A_111 = tpu.memref_slice %arg9[%add3A_20, %dma_start3A_110] : memref<10640x64xf32, #tpu.memory_space<vmem_shared>> -> memref<325x64xf32, #tpu.memory_space<vmem_shared>>
      %dma_start3A_112 = arith.constant 0 : i32
      %dma_start3A_113 = tpu.memref_slice %arg9[%add3A_20, %dma_start3A_112] : memref<10640x64xf32, #tpu.memory_space<vmem_shared>> -> memref<325x64xf32, #tpu.memory_space<vmem_shared>>
      %dma_start3A_114 = arith.constant 0 : i32
      %dma_start3A_115 = arith.constant 0 : i32
      %dma_start3A_116 = tpu.memref_slice %arg8[%dma_start3A_114, %dma_start3A_115] : memref<340x64xf32, #tpu.memory_space<vmem>> -> memref<325x64xf32, #tpu.memory_space<vmem>>
      tpu.enqueue_dma source(%dma_start3A_116 : memref<325x64xf32, #tpu.memory_space<vmem>>) target(%dma_start3A_113 : memref<325x64xf32, #tpu.memory_space<vmem_shared>>) target_semaphore(%run_scoped3A : memref<!tpu.dma_semaphore, #tpu.memory_space<semaphore_mem>>)
      %dma_wait3A_117 = arith.constant 0 : i32
      %dma_wait3A_118 = arith.constant 0 : i32
      %dma_wait3A_119 = tpu.memref_slice %arg8[%dma_wait3A_117, %dma_wait3A_118] : memref<340x64xf32, #tpu.memory_space<vmem>> -> memref<325x64xf32, #tpu.memory_space<vmem>>
      %dma_wait3A_120 = arith.constant 0 : i32
      %dma_wait3A_121 = tpu.memref_slice %arg9[%add3A_20, %dma_wait3A_120] : memref<10640x64xf32, #tpu.memory_space<vmem_shared>> -> memref<325x64xf32, #tpu.memory_space<vmem_shared>>
      %dma_wait3A_122 = arith.constant 0 : i32
      %dma_wait3A_123 = tpu.memref_slice %arg9[%add3A_20, %dma_wait3A_122] : memref<10640x64xf32, #tpu.memory_space<vmem_shared>> -> memref<325x64xf32, #tpu.memory_space<vmem_shared>>
      %dma_wait3A_124 = arith.constant 0 : i32
      %dma_wait3A_125 = arith.constant 0 : i32
      %dma_wait3A_126 = tpu.memref_slice %arg8[%dma_wait3A_124, %dma_wait3A_125] : memref<340x64xf32, #tpu.memory_space<vmem>> -> memref<325x64xf32, #tpu.memory_space<vmem>>
      tpu.wait_dma2 semaphore(%run_scoped3A : memref<!tpu.dma_semaphore, #tpu.memory_space<semaphore_mem>>) src(%dma_wait3A_126 : memref<325x64xf32, #tpu.memory_space<vmem>>) dst(%dma_wait3A_123 : memref<325x64xf32, #tpu.memory_space<vmem_shared>>)
      tpu.yield
    }) : () -> ()
    %lt3A_21 = arith.constant 31 : i32
    %lt3A_22 = arith.cmpi slt, %add3A, %lt3A_21 : i32
    %convert_element_type3A_23 = arith.extui %lt3A_22 : i1 to i32
    %cond3A_24 = arith.constant 0 : i32
    %cond3A_25 = arith.cmpi ne, %convert_element_type3A_23, %cond3A_24 : i32
    scf.if %cond3A_25 {
      %mul3A_108 = arith.constant 128 : i32
      %mul3A_109 = arith.muli %mul3A_2, %mul3A_108 : i32
      %dma_wait3A_110 = arith.constant 0 : i32
      %dma_wait3A_111 = tpu.memref_slice %arg3[%dma_wait3A_110, %mul3A_109] : memref<2x320000xi32, #tpu.memory_space<hbm>> -> memref<1x10240xi32, #tpu.memory_space<hbm>>
      %dma_wait3A_112 = tpu.memref_squeeze %dma_wait3A_111 : memref<1x10240xi32, #tpu.memory_space<hbm>> -> memref<10240xi32, #tpu.memory_space<hbm>>
      %dma_wait3A_113 = tpu.memref_slice %arg3[%dma_wait3A_110, %mul3A_109] : memref<2x320000xi32, #tpu.memory_space<hbm>> -> memref<1x10240xi32, #tpu.memory_space<hbm>>
      %dma_wait3A_114 = tpu.memref_squeeze %dma_wait3A_113 : memref<1x10240xi32, #tpu.memory_space<hbm>> -> memref<10240xi32, #tpu.memory_space<hbm>>
      tpu.wait_dma2 semaphore(%arg20 : memref<!tpu.dma_semaphore, #tpu.memory_space<semaphore_mem>>) src(%dma_wait3A_114 : memref<10240xi32, #tpu.memory_space<hbm>>) dst(%arg5 : memref<10240xi32, #tpu.memory_space<vmem>>)
      %mul3A_115 = arith.constant 128 : i32
      %mul3A_116 = arith.muli %mul3A_2, %mul3A_115 : i32
      %dma_wait3A_117 = arith.constant 1 : i32
      %dma_wait3A_118 = tpu.memref_slice %arg3[%dma_wait3A_117, %mul3A_116] : memref<2x320000xi32, #tpu.memory_space<hbm>> -> memref<1x10240xi32, #tpu.memory_space<hbm>>
      %dma_wait3A_119 = tpu.memref_squeeze %dma_wait3A_118 : memref<1x10240xi32, #tpu.memory_space<hbm>> -> memref<10240xi32, #tpu.memory_space<hbm>>
      %dma_wait3A_120 = tpu.memref_slice %arg3[%dma_wait3A_117, %mul3A_116] : memref<2x320000xi32, #tpu.memory_space<hbm>> -> memref<1x10240xi32, #tpu.memory_space<hbm>>
      %dma_wait3A_121 = tpu.memref_squeeze %dma_wait3A_120 : memref<1x10240xi32, #tpu.memory_space<hbm>> -> memref<10240xi32, #tpu.memory_space<hbm>>
      tpu.wait_dma2 semaphore(%arg21 : memref<!tpu.dma_semaphore, #tpu.memory_space<semaphore_mem>>) src(%dma_wait3A_121 : memref<10240xi32, #tpu.memory_space<hbm>>) dst(%arg6 : memref<10240xi32, #tpu.memory_space<vmem>>)
    } else {
    }
    %eq3A_26 = arith.constant 31 : i32
    %eq3A_27 = arith.cmpi eq, %add3A, %eq3A_26 : i32
    %convert_element_type3A_28 = arith.extui %eq3A_27 : i1 to i32
    %cond3A_29 = arith.constant 0 : i32
    %cond3A_30 = arith.cmpi ne, %convert_element_type3A_28, %cond3A_29 : i32
    scf.if %cond3A_30 {
      %mul3A_108 = arith.constant 128 : i32
      %mul3A_109 = arith.muli %mul3A_2, %mul3A_108 : i32
      %dma_wait3A_110 = arith.constant 0 : i32
      %dma_wait3A_111 = arith.constant 0 : i32
      %dma_wait3A_112 = tpu.memref_slice %arg5[%dma_wait3A_111] : memref<10240xi32, #tpu.memory_space<vmem>> -> memref<2560xi32, #tpu.memory_space<vmem>>
      %dma_wait3A_113 = tpu.memref_slice %arg3[%dma_wait3A_110, %mul3A_109] : memref<2x320000xi32, #tpu.memory_space<hbm>> -> memref<1x2560xi32, #tpu.memory_space<hbm>>
      %dma_wait3A_114 = tpu.memref_squeeze %dma_wait3A_113 : memref<1x2560xi32, #tpu.memory_space<hbm>> -> memref<2560xi32, #tpu.memory_space<hbm>>
      %dma_wait3A_115 = arith.constant 0 : i32
      %dma_wait3A_116 = tpu.memref_slice %arg5[%dma_wait3A_115] : memref<10240xi32, #tpu.memory_space<vmem>> -> memref<2560xi32, #tpu.memory_space<vmem>>
      %dma_wait3A_117 = tpu.memref_slice %arg3[%dma_wait3A_110, %mul3A_109] : memref<2x320000xi32, #tpu.memory_space<hbm>> -> memref<1x2560xi32, #tpu.memory_space<hbm>>
      %dma_wait3A_118 = tpu.memref_squeeze %dma_wait3A_117 : memref<1x2560xi32, #tpu.memory_space<hbm>> -> memref<2560xi32, #tpu.memory_space<hbm>>
      tpu.wait_dma2 semaphore(%arg20 : memref<!tpu.dma_semaphore, #tpu.memory_space<semaphore_mem>>) src(%dma_wait3A_118 : memref<2560xi32, #tpu.memory_space<hbm>>) dst(%dma_wait3A_116 : memref<2560xi32, #tpu.memory_space<vmem>>)
      %mul3A_119 = arith.constant 128 : i32
      %mul3A_120 = arith.muli %mul3A_2, %mul3A_119 : i32
      %dma_wait3A_121 = arith.constant 1 : i32
      %dma_wait3A_122 = arith.constant 0 : i32
      %dma_wait3A_123 = tpu.memref_slice %arg6[%dma_wait3A_122] : memref<10240xi32, #tpu.memory_space<vmem>> -> memref<2560xi32, #tpu.memory_space<vmem>>
      %dma_wait3A_124 = tpu.memref_slice %arg3[%dma_wait3A_121, %mul3A_120] : memref<2x320000xi32, #tpu.memory_space<hbm>> -> memref<1x2560xi32, #tpu.memory_space<hbm>>
      %dma_wait3A_125 = tpu.memref_squeeze %dma_wait3A_124 : memref<1x2560xi32, #tpu.memory_space<hbm>> -> memref<2560xi32, #tpu.memory_space<hbm>>
      %dma_wait3A_126 = arith.constant 0 : i32
      %dma_wait3A_127 = tpu.memref_slice %arg6[%dma_wait3A_126] : memref<10240xi32, #tpu.memory_space<vmem>> -> memref<2560xi32, #tpu.memory_space<vmem>>
      %dma_wait3A_128 = tpu.memref_slice %arg3[%dma_wait3A_121, %mul3A_120] : memref<2x320000xi32, #tpu.memory_space<hbm>> -> memref<1x2560xi32, #tpu.memory_space<hbm>>
      %dma_wait3A_129 = tpu.memref_squeeze %dma_wait3A_128 : memref<1x2560xi32, #tpu.memory_space<hbm>> -> memref<2560xi32, #tpu.memory_space<hbm>>
      tpu.wait_dma2 semaphore(%arg21 : memref<!tpu.dma_semaphore, #tpu.memory_space<semaphore_mem>>) src(%dma_wait3A_129 : memref<2560xi32, #tpu.memory_space<hbm>>) dst(%dma_wait3A_127 : memref<2560xi32, #tpu.memory_space<vmem>>)
    } else {
    }
    %scan3A_31 = arith.constant 0 : i32
    %scan3A_32 = arith.constant 0 : i32
    %scan3A_33 = arith.constant 80 : i32
    %scan3A_34 = arith.addi %scan3A_32, %scan3A_33 : i32
    %scan3A_35 = arith.constant 1 : i32
    scf.for %scan3A_108 = %scan3A_32 to %scan3A_34 step %scan3A_35  : i32 {
      %add3A_109 = arith.addi %mul3A_2, %scan3A_108 : i32
      %ge3A = arith.constant 1250 : i32
      %ge3A_110 = arith.cmpi sge, %add3A_109, %ge3A : i32
      %jit3A = arith.constant 1 : i32
      %jit3A_111 = arith.constant 0 : i32
      %select_n3A = arith.select %ge3A_110, %jit3A, %jit3A_111 : i32
      %lt3A_112 = arith.constant 2500 : i32
      %lt3A_113 = arith.cmpi slt, %add3A_109, %lt3A_112 : i32
      %convert_element_type3A_114 = arith.extui %lt3A_113 : i1 to i32
      %cond3A_115 = arith.constant 0 : i32
      %cond3A_116 = arith.cmpi ne, %convert_element_type3A_114, %cond3A_115 : i32
      scf.if %cond3A_116 {
        %mul3A_117 = arith.constant 128 : i32
        %mul3A_118 = arith.muli %scan3A_108, %mul3A_117 : i32
        %add3A_119 = arith.constant 0 : i32
        %add3A_120 = arith.addi %mul3A_118, %add3A_119 : i32
        %get3A = arith.index_cast %add3A_120 : i32 to index
        %get3A_121 = tpu.vector_load %arg5[%get3A] {strides = array<i32>} : memref<10240xi32, #tpu.memory_space<vmem>>, vector<16xi32>,
        %get3A_122 = vector.shape_cast %get3A_121 : vector<16xi32> to vector<16xi32>
        %add3A_123 = arith.addi %get3A_122, %get3A_122 : vector<16xi32>
        %add3A_124 = vector.broadcast %select_n3A : i32 to vector<16xi32>
        %add3A_125 = arith.addi %add3A_123, %add3A_124 : vector<16xi32>
        %mul3A_126 = arith.constant 128 : i32
        %mul3A_127 = arith.muli %scan3A_108, %mul3A_126 : i32
        %add3A_128 = arith.constant 0 : i32
        %add3A_129 = arith.addi %mul3A_127, %add3A_128 : i32
        %swap3A = arith.index_cast %add3A_129 : i32 to index
        %swap3A_130 = tpu.vector_load %arg5[%swap3A] {strides = array<i32>} : memref<10240xi32, #tpu.memory_space<vmem>>, vector<16xi32>,
        %swap3A_131 = vector.shape_cast %swap3A_130 : vector<16xi32> to vector<16xi32>
        %swap3A_132 = vector.shape_cast %add3A_125 : vector<16xi32> to vector<16xi32>
        tpu.vector_store %arg5[%swap3A], %swap3A_132 {strides = array<i32>} : memref<10240xi32, #tpu.memory_space<vmem>>, vector<16xi32>,
        %mul3A_133 = arith.constant 128 : i32
        %mul3A_134 = arith.muli %scan3A_108, %mul3A_133 : i32
        %add3A_135 = arith.constant 16 : i32
        %add3A_136 = arith.addi %mul3A_134, %add3A_135 : i32
        %get3A_137 = arith.index_cast %add3A_136 : i32 to index
        %get3A_138 = tpu.vector_load %arg5[%get3A_137] {strides = array<i32>} : memref<10240xi32, #tpu.memory_space<vmem>>, vector<16xi32>,
        %get3A_139 = vector.shape_cast %get3A_138 : vector<16xi32> to vector<16xi32>
        %add3A_140 = arith.addi %get3A_139, %get3A_139 : vector<16xi32>
        %add3A_141 = vector.broadcast %select_n3A : i32 to vector<16xi32>
        %add3A_142 = arith.addi %add3A_140, %add3A_141 : vector<16xi32>
        %mul3A_143 = arith.constant 128 : i32
        %mul3A_144 = arith.muli %scan3A_108, %mul3A_143 : i32
        %add3A_145 = arith.constant 16 : i32
        %add3A_146 = arith.addi %mul3A_144, %add3A_145 : i32
        %swap3A_147 = arith.index_cast %add3A_146 : i32 to index
        %swap3A_148 = tpu.vector_load %arg5[%swap3A_147] {strides = array<i32>} : memref<10240xi32, #tpu.memory_space<vmem>>, vector<16xi32>,
        %swap3A_149 = vector.shape_cast %swap3A_148 : vector<16xi32> to vector<16xi32>
        %swap3A_150 = vector.shape_cast %add3A_142 : vector<16xi32> to vector<16xi32>
        tpu.vector_store %arg5[%swap3A_147], %swap3A_150 {strides = array<i32>} : memref<10240xi32, #tpu.memory_space<vmem>>, vector<16xi32>,
        %mul3A_151 = arith.constant 128 : i32
        %mul3A_152 = arith.muli %scan3A_108, %mul3A_151 : i32
        %add3A_153 = arith.constant 32 : i32
        %add3A_154 = arith.addi %mul3A_152, %add3A_153 : i32
        %get3A_155 = arith.index_cast %add3A_154 : i32 to index
        %get3A_156 = tpu.vector_load %arg5[%get3A_155] {strides = array<i32>} : memref<10240xi32, #tpu.memory_space<vmem>>, vector<16xi32>,
        %get3A_157 = vector.shape_cast %get3A_156 : vector<16xi32> to vector<16xi32>
        %add3A_158 = arith.addi %get3A_157, %get3A_157 : vector<16xi32>
        %add3A_159 = vector.broadcast %select_n3A : i32 to vector<16xi32>
        %add3A_160 = arith.addi %add3A_158, %add3A_159 : vector<16xi32>
        %mul3A_161 = arith.constant 128 : i32
        %mul3A_162 = arith.muli %scan3A_108, %mul3A_161 : i32
        %add3A_163 = arith.constant 32 : i32
        %add3A_164 = arith.addi %mul3A_162, %add3A_163 : i32
        %swap3A_165 = arith.index_cast %add3A_164 : i32 to index
        %swap3A_166 = tpu.vector_load %arg5[%swap3A_165] {strides = array<i32>} : memref<10240xi32, #tpu.memory_space<vmem>>, vector<16xi32>,
        %swap3A_167 = vector.shape_cast %swap3A_166 : vector<16xi32> to vector<16xi32>
        %swap3A_168 = vector.shape_cast %add3A_160 : vector<16xi32> to vector<16xi32>
        tpu.vector_store %arg5[%swap3A_165], %swap3A_168 {strides = array<i32>} : memref<10240xi32, #tpu.memory_space<vmem>>, vector<16xi32>,
        %mul3A_169 = arith.constant 128 : i32
        %mul3A_170 = arith.muli %scan3A_108, %mul3A_169 : i32
        %add3A_171 = arith.constant 48 : i32
        %add3A_172 = arith.addi %mul3A_170, %add3A_171 : i32
        %get3A_173 = arith.index_cast %add3A_172 : i32 to index
        %get3A_174 = tpu.vector_load %arg5[%get3A_173] {strides = array<i32>} : memref<10240xi32, #tpu.memory_space<vmem>>, vector<16xi32>,
        %get3A_175 = vector.shape_cast %get3A_174 : vector<16xi32> to vector<16xi32>
        %add3A_176 = arith.addi %get3A_175, %get3A_175 : vector<16xi32>
        %add3A_177 = vector.broadcast %select_n3A : i32 to vector<16xi32>
        %add3A_178 = arith.addi %add3A_176, %add3A_177 : vector<16xi32>
        %mul3A_179 = arith.constant 128 : i32
        %mul3A_180 = arith.muli %scan3A_108, %mul3A_179 : i32
        %add3A_181 = arith.constant 48 : i32
        %add3A_182 = arith.addi %mul3A_180, %add3A_181 : i32
        %swap3A_183 = arith.index_cast %add3A_182 : i32 to index
        %swap3A_184 = tpu.vector_load %arg5[%swap3A_183] {strides = array<i32>} : memref<10240xi32, #tpu.memory_space<vmem>>, vector<16xi32>,
        %swap3A_185 = vector.shape_cast %swap3A_184 : vector<16xi32> to vector<16xi32>
        %swap3A_186 = vector.shape_cast %add3A_178 : vector<16xi32> to vector<16xi32>
        tpu.vector_store %arg5[%swap3A_183], %swap3A_186 {strides = array<i32>} : memref<10240xi32, #tpu.memory_space<vmem>>, vector<16xi32>,
        %mul3A_187 = arith.constant 128 : i32
        %mul3A_188 = arith.muli %scan3A_108, %mul3A_187 : i32
        %add3A_189 = arith.constant 64 : i32
        %add3A_190 = arith.addi %mul3A_188, %add3A_189 : i32
        %get3A_191 = arith.index_cast %add3A_190 : i32 to index
        %get3A_192 = tpu.vector_load %arg5[%get3A_191] {strides = array<i32>} : memref<10240xi32, #tpu.memory_space<vmem>>, vector<16xi32>,
        %get3A_193 = vector.shape_cast %get3A_192 : vector<16xi32> to vector<16xi32>
        %add3A_194 = arith.addi %get3A_193, %get3A_193 : vector<16xi32>
        %add3A_195 = vector.broadcast %select_n3A : i32 to vector<16xi32>
        %add3A_196 = arith.addi %add3A_194, %add3A_195 : vector<16xi32>
        %mul3A_197 = arith.constant 128 : i32
        %mul3A_198 = arith.muli %scan3A_108, %mul3A_197 : i32
        %add3A_199 = arith.constant 64 : i32
        %add3A_200 = arith.addi %mul3A_198, %add3A_199 : i32
        %swap3A_201 = arith.index_cast %add3A_200 : i32 to index
        %swap3A_202 = tpu.vector_load %arg5[%swap3A_201] {strides = array<i32>} : memref<10240xi32, #tpu.memory_space<vmem>>, vector<16xi32>,
        %swap3A_203 = vector.shape_cast %swap3A_202 : vector<16xi32> to vector<16xi32>
        %swap3A_204 = vector.shape_cast %add3A_196 : vector<16xi32> to vector<16xi32>
        tpu.vector_store %arg5[%swap3A_201], %swap3A_204 {strides = array<i32>} : memref<10240xi32, #tpu.memory_space<vmem>>, vector<16xi32>,
        %mul3A_205 = arith.constant 128 : i32
        %mul3A_206 = arith.muli %scan3A_108, %mul3A_205 : i32
        %add3A_207 = arith.constant 80 : i32
        %add3A_208 = arith.addi %mul3A_206, %add3A_207 : i32
        %get3A_209 = arith.index_cast %add3A_208 : i32 to index
        %get3A_210 = tpu.vector_load %arg5[%get3A_209] {strides = array<i32>} : memref<10240xi32, #tpu.memory_space<vmem>>, vector<16xi32>,
        %get3A_211 = vector.shape_cast %get3A_210 : vector<16xi32> to vector<16xi32>
        %add3A_212 = arith.addi %get3A_211, %get3A_211 : vector<16xi32>
        %add3A_213 = vector.broadcast %select_n3A : i32 to vector<16xi32>
        %add3A_214 = arith.addi %add3A_212, %add3A_213 : vector<16xi32>
        %mul3A_215 = arith.constant 128 : i32
        %mul3A_216 = arith.muli %scan3A_108, %mul3A_215 : i32
        %add3A_217 = arith.constant 80 : i32
        %add3A_218 = arith.addi %mul3A_216, %add3A_217 : i32
        %swap3A_219 = arith.index_cast %add3A_218 : i32 to index
        %swap3A_220 = tpu.vector_load %arg5[%swap3A_219] {strides = array<i32>} : memref<10240xi32, #tpu.memory_space<vmem>>, vector<16xi32>,
        %swap3A_221 = vector.shape_cast %swap3A_220 : vector<16xi32> to vector<16xi32>
        %swap3A_222 = vector.shape_cast %add3A_214 : vector<16xi32> to vector<16xi32>
        tpu.vector_store %arg5[%swap3A_219], %swap3A_222 {strides = array<i32>} : memref<10240xi32, #tpu.memory_space<vmem>>, vector<16xi32>,
        %mul3A_223 = arith.constant 128 : i32
        %mul3A_224 = arith.muli %scan3A_108, %mul3A_223 : i32
        %add3A_225 = arith.constant 96 : i32
        %add3A_226 = arith.addi %mul3A_224, %add3A_225 : i32
        %get3A_227 = arith.index_cast %add3A_226 : i32 to index
        %get3A_228 = tpu.vector_load %arg5[%get3A_227] {strides = array<i32>} : memref<10240xi32, #tpu.memory_space<vmem>>, vector<16xi32>,
        %get3A_229 = vector.shape_cast %get3A_228 : vector<16xi32> to vector<16xi32>
        %add3A_230 = arith.addi %get3A_229, %get3A_229 : vector<16xi32>
        %add3A_231 = vector.broadcast %select_n3A : i32 to vector<16xi32>
        %add3A_232 = arith.addi %add3A_230, %add3A_231 : vector<16xi32>
        %mul3A_233 = arith.constant 128 : i32
        %mul3A_234 = arith.muli %scan3A_108, %mul3A_233 : i32
        %add3A_235 = arith.constant 96 : i32
        %add3A_236 = arith.addi %mul3A_234, %add3A_235 : i32
        %swap3A_237 = arith.index_cast %add3A_236 : i32 to index
        %swap3A_238 = tpu.vector_load %arg5[%swap3A_237] {strides = array<i32>} : memref<10240xi32, #tpu.memory_space<vmem>>, vector<16xi32>,
        %swap3A_239 = vector.shape_cast %swap3A_238 : vector<16xi32> to vector<16xi32>
        %swap3A_240 = vector.shape_cast %add3A_232 : vector<16xi32> to vector<16xi32>
        tpu.vector_store %arg5[%swap3A_237], %swap3A_240 {strides = array<i32>} : memref<10240xi32, #tpu.memory_space<vmem>>, vector<16xi32>,
        %mul3A_241 = arith.constant 128 : i32
        %mul3A_242 = arith.muli %scan3A_108, %mul3A_241 : i32
        %add3A_243 = arith.constant 112 : i32
        %add3A_244 = arith.addi %mul3A_242, %add3A_243 : i32
        %get3A_245 = arith.index_cast %add3A_244 : i32 to index
        %get3A_246 = tpu.vector_load %arg5[%get3A_245] {strides = array<i32>} : memref<10240xi32, #tpu.memory_space<vmem>>, vector<16xi32>,
        %get3A_247 = vector.shape_cast %get3A_246 : vector<16xi32> to vector<16xi32>
        %add3A_248 = arith.addi %get3A_247, %get3A_247 : vector<16xi32>
        %add3A_249 = vector.broadcast %select_n3A : i32 to vector<16xi32>
        %add3A_250 = arith.addi %add3A_248, %add3A_249 : vector<16xi32>
        %mul3A_251 = arith.constant 128 : i32
        %mul3A_252 = arith.muli %scan3A_108, %mul3A_251 : i32
        %add3A_253 = arith.constant 112 : i32
        %add3A_254 = arith.addi %mul3A_252, %add3A_253 : i32
        %swap3A_255 = arith.index_cast %add3A_254 : i32 to index
        %swap3A_256 = tpu.vector_load %arg5[%swap3A_255] {strides = array<i32>} : memref<10240xi32, #tpu.memory_space<vmem>>, vector<16xi32>,
        %swap3A_257 = vector.shape_cast %swap3A_256 : vector<16xi32> to vector<16xi32>
        %swap3A_258 = vector.shape_cast %add3A_250 : vector<16xi32> to vector<16xi32>
        tpu.vector_store %arg5[%swap3A_255], %swap3A_258 {strides = array<i32>} : memref<10240xi32, #tpu.memory_space<vmem>>, vector<16xi32>,
      } else {
      }
    }
    %scan3A_36 = arith.constant 80 : i32
    %iota3A = tpu.iota {dimensions = array<i32: 0>} : vector<16xi32>
    %eq3A_37 = arith.constant 31 : i32
    %eq3A_38 = arith.cmpi eq, %add3A, %eq3A_37 : i32
    %convert_element_type3A_39 = arith.extui %eq3A_38 : i1 to i32
    %cond3A_40 = arith.constant 0 : i32
    %cond3A_41 = arith.cmpi ne, %convert_element_type3A_39, %cond3A_40 : i32
    scf.if %cond3A_41 {
      %scan3A_108 = arith.constant 0 : i32
      %scan3A_109 = arith.constant 20 : i32
      %scan3A_110 = arith.constant 60 : i32
      %scan3A_111 = arith.addi %scan3A_109, %scan3A_110 : i32
      %scan3A_112 = arith.constant 1 : i32
      %scan3A_113 = scf.for %scan3A_115 = %scan3A_109 to %scan3A_111 step %scan3A_112 iter_args(%scan3A_116 = %scan3A_108) -> (i32)  : i32 {
        %sub3A = arith.constant 20 : i32
        %sub3A_117 = arith.subi %scan3A_115, %sub3A : i32
        %mul3A_118 = arith.constant 128 : i32
        %mul3A_119 = arith.muli %sub3A_117, %mul3A_118 : i32
        %add3A_120 = arith.constant 0 : i32
        %add3A_121 = arith.addi %mul3A_119, %add3A_120 : i32
        %add3A_122 = vector.broadcast %add3A_121 : i32 to vector<16xi32>
        %add3A_123 = arith.addi %add3A_122, %iota3A : vector<16xi32>
        %mul3A_124 = arith.constant 2 : i32
        %mul3A_125 = vector.broadcast %mul3A_124 : i32 to vector<16xi32>
        %mul3A_126 = arith.muli %add3A_123, %mul3A_125 : vector<16xi32>
        %mul3A_127 = arith.constant 128 : i32
        %mul3A_128 = arith.muli %scan3A_115, %mul3A_127 : i32
        %add3A_129 = arith.constant 0 : i32
        %add3A_130 = arith.addi %mul3A_128, %add3A_129 : i32
        %swap3A = arith.index_cast %add3A_130 : i32 to index
        %swap3A_131 = tpu.vector_load %arg5[%swap3A] {strides = array<i32>} : memref<10240xi32, #tpu.memory_space<vmem>>, vector<16xi32>,
        %swap3A_132 = vector.shape_cast %swap3A_131 : vector<16xi32> to vector<16xi32>
        %swap3A_133 = vector.shape_cast %mul3A_126 : vector<16xi32> to vector<16xi32>
        tpu.vector_store %arg5[%swap3A], %swap3A_133 {strides = array<i32>} : memref<10240xi32, #tpu.memory_space<vmem>>, vector<16xi32>,
        %mul3A_134 = arith.constant 128 : i32
        %mul3A_135 = arith.muli %scan3A_116, %mul3A_134 : i32
        %add3A_136 = arith.constant 10000 : i32
        %add3A_137 = arith.addi %add3A_136, %mul3A_135 : i32
        %add3A_138 = arith.constant 0 : i32
        %add3A_139 = arith.addi %add3A_137, %add3A_138 : i32
        %add3A_140 = vector.broadcast %add3A_139 : i32 to vector<16xi32>
        %add3A_141 = arith.addi %add3A_140, %iota3A : vector<16xi32>
        %mul3A_142 = arith.constant 128 : i32
        %mul3A_143 = arith.muli %scan3A_115, %mul3A_142 : i32
        %add3A_144 = arith.constant 0 : i32
        %add3A_145 = arith.addi %mul3A_143, %add3A_144 : i32
        %swap3A_146 = arith.index_cast %add3A_145 : i32 to index
        %swap3A_147 = tpu.vector_load %arg6[%swap3A_146] {strides = array<i32>} : memref<10240xi32, #tpu.memory_space<vmem>>, vector<16xi32>,
        %swap3A_148 = vector.shape_cast %swap3A_147 : vector<16xi32> to vector<16xi32>
        %swap3A_149 = vector.shape_cast %add3A_141 : vector<16xi32> to vector<16xi32>
        tpu.vector_store %arg6[%swap3A_146], %swap3A_149 {strides = array<i32>} : memref<10240xi32, #tpu.memory_space<vmem>>, vector<16xi32>,
        %sub3A_150 = arith.constant 20 : i32
        %sub3A_151 = arith.subi %scan3A_115, %sub3A_150 : i32
        %mul3A_152 = arith.constant 128 : i32
        %mul3A_153 = arith.muli %sub3A_151, %mul3A_152 : i32
        %add3A_154 = arith.constant 16 : i32
        %add3A_155 = arith.addi %mul3A_153, %add3A_154 : i32
        %add3A_156 = vector.broadcast %add3A_155 : i32 to vector<16xi32>
        %add3A_157 = arith.addi %add3A_156, %iota3A : vector<16xi32>
        %mul3A_158 = arith.constant 2 : i32
        %mul3A_159 = vector.broadcast %mul3A_158 : i32 to vector<16xi32>
        %mul3A_160 = arith.muli %add3A_157, %mul3A_159 : vector<16xi32>
        %mul3A_161 = arith.constant 128 : i32
        %mul3A_162 = arith.muli %scan3A_115, %mul3A_161 : i32
        %add3A_163 = arith.constant 16 : i32
        %add3A_164 = arith.addi %mul3A_162, %add3A_163 : i32
        %swap3A_165 = arith.index_cast %add3A_164 : i32 to index
        %swap3A_166 = tpu.vector_load %arg5[%swap3A_165] {strides = array<i32>} : memref<10240xi32, #tpu.memory_space<vmem>>, vector<16xi32>,
        %swap3A_167 = vector.shape_cast %swap3A_166 : vector<16xi32> to vector<16xi32>
        %swap3A_168 = vector.shape_cast %mul3A_160 : vector<16xi32> to vector<16xi32>
        tpu.vector_store %arg5[%swap3A_165], %swap3A_168 {strides = array<i32>} : memref<10240xi32, #tpu.memory_space<vmem>>, vector<16xi32>,
        %mul3A_169 = arith.constant 128 : i32
        %mul3A_170 = arith.muli %scan3A_116, %mul3A_169 : i32
        %add3A_171 = arith.constant 10000 : i32
        %add3A_172 = arith.addi %add3A_171, %mul3A_170 : i32
        %add3A_173 = arith.constant 16 : i32
        %add3A_174 = arith.addi %add3A_172, %add3A_173 : i32
        %add3A_175 = vector.broadcast %add3A_174 : i32 to vector<16xi32>
        %add3A_176 = arith.addi %add3A_175, %iota3A : vector<16xi32>
        %mul3A_177 = arith.constant 128 : i32
        %mul3A_178 = arith.muli %scan3A_115, %mul3A_177 : i32
        %add3A_179 = arith.constant 16 : i32
        %add3A_180 = arith.addi %mul3A_178, %add3A_179 : i32
        %swap3A_181 = arith.index_cast %add3A_180 : i32 to index
        %swap3A_182 = tpu.vector_load %arg6[%swap3A_181] {strides = array<i32>} : memref<10240xi32, #tpu.memory_space<vmem>>, vector<16xi32>,
        %swap3A_183 = vector.shape_cast %swap3A_182 : vector<16xi32> to vector<16xi32>
        %swap3A_184 = vector.shape_cast %add3A_176 : vector<16xi32> to vector<16xi32>
        tpu.vector_store %arg6[%swap3A_181], %swap3A_184 {strides = array<i32>} : memref<10240xi32, #tpu.memory_space<vmem>>, vector<16xi32>,
        %sub3A_185 = arith.constant 20 : i32
        %sub3A_186 = arith.subi %scan3A_115, %sub3A_185 : i32
        %mul3A_187 = arith.constant 128 : i32
        %mul3A_188 = arith.muli %sub3A_186, %mul3A_187 : i32
        %add3A_189 = arith.constant 32 : i32
        %add3A_190 = arith.addi %mul3A_188, %add3A_189 : i32
        %add3A_191 = vector.broadcast %add3A_190 : i32 to vector<16xi32>
        %add3A_192 = arith.addi %add3A_191, %iota3A : vector<16xi32>
        %mul3A_193 = arith.constant 2 : i32
        %mul3A_194 = vector.broadcast %mul3A_193 : i32 to vector<16xi32>
        %mul3A_195 = arith.muli %add3A_192, %mul3A_194 : vector<16xi32>
        %mul3A_196 = arith.constant 128 : i32
        %mul3A_197 = arith.muli %scan3A_115, %mul3A_196 : i32
        %add3A_198 = arith.constant 32 : i32
        %add3A_199 = arith.addi %mul3A_197, %add3A_198 : i32
        %swap3A_200 = arith.index_cast %add3A_199 : i32 to index
        %swap3A_201 = tpu.vector_load %arg5[%swap3A_200] {strides = array<i32>} : memref<10240xi32, #tpu.memory_space<vmem>>, vector<16xi32>,
        %swap3A_202 = vector.shape_cast %swap3A_201 : vector<16xi32> to vector<16xi32>
        %swap3A_203 = vector.shape_cast %mul3A_195 : vector<16xi32> to vector<16xi32>
        tpu.vector_store %arg5[%swap3A_200], %swap3A_203 {strides = array<i32>} : memref<10240xi32, #tpu.memory_space<vmem>>, vector<16xi32>,
        %mul3A_204 = arith.constant 128 : i32
        %mul3A_205 = arith.muli %scan3A_116, %mul3A_204 : i32
        %add3A_206 = arith.constant 10000 : i32
        %add3A_207 = arith.addi %add3A_206, %mul3A_205 : i32
        %add3A_208 = arith.constant 32 : i32
        %add3A_209 = arith.addi %add3A_207, %add3A_208 : i32
        %add3A_210 = vector.broadcast %add3A_209 : i32 to vector<16xi32>
        %add3A_211 = arith.addi %add3A_210, %iota3A : vector<16xi32>
        %mul3A_212 = arith.constant 128 : i32
        %mul3A_213 = arith.muli %scan3A_115, %mul3A_212 : i32
        %add3A_214 = arith.constant 32 : i32
        %add3A_215 = arith.addi %mul3A_213, %add3A_214 : i32
        %swap3A_216 = arith.index_cast %add3A_215 : i32 to index
        %swap3A_217 = tpu.vector_load %arg6[%swap3A_216] {strides = array<i32>} : memref<10240xi32, #tpu.memory_space<vmem>>, vector<16xi32>,
        %swap3A_218 = vector.shape_cast %swap3A_217 : vector<16xi32> to vector<16xi32>
        %swap3A_219 = vector.shape_cast %add3A_211 : vector<16xi32> to vector<16xi32>
        tpu.vector_store %arg6[%swap3A_216], %swap3A_219 {strides = array<i32>} : memref<10240xi32, #tpu.memory_space<vmem>>, vector<16xi32>,
        %sub3A_220 = arith.constant 20 : i32
        %sub3A_221 = arith.subi %scan3A_115, %sub3A_220 : i32
        %mul3A_222 = arith.constant 128 : i32
        %mul3A_223 = arith.muli %sub3A_221, %mul3A_222 : i32
        %add3A_224 = arith.constant 48 : i32
        %add3A_225 = arith.addi %mul3A_223, %add3A_224 : i32
        %add3A_226 = vector.broadcast %add3A_225 : i32 to vector<16xi32>
        %add3A_227 = arith.addi %add3A_226, %iota3A : vector<16xi32>
        %mul3A_228 = arith.constant 2 : i32
        %mul3A_229 = vector.broadcast %mul3A_228 : i32 to vector<16xi32>
        %mul3A_230 = arith.muli %add3A_227, %mul3A_229 : vector<16xi32>
        %mul3A_231 = arith.constant 128 : i32
        %mul3A_232 = arith.muli %scan3A_115, %mul3A_231 : i32
        %add3A_233 = arith.constant 48 : i32
        %add3A_234 = arith.addi %mul3A_232, %add3A_233 : i32
        %swap3A_235 = arith.index_cast %add3A_234 : i32 to index
        %swap3A_236 = tpu.vector_load %arg5[%swap3A_235] {strides = array<i32>} : memref<10240xi32, #tpu.memory_space<vmem>>, vector<16xi32>,
        %swap3A_237 = vector.shape_cast %swap3A_236 : vector<16xi32> to vector<16xi32>
        %swap3A_238 = vector.shape_cast %mul3A_230 : vector<16xi32> to vector<16xi32>
        tpu.vector_store %arg5[%swap3A_235], %swap3A_238 {strides = array<i32>} : memref<10240xi32, #tpu.memory_space<vmem>>, vector<16xi32>,
        %mul3A_239 = arith.constant 128 : i32
        %mul3A_240 = arith.muli %scan3A_116, %mul3A_239 : i32
        %add3A_241 = arith.constant 10000 : i32
        %add3A_242 = arith.addi %add3A_241, %mul3A_240 : i32
        %add3A_243 = arith.constant 48 : i32
        %add3A_244 = arith.addi %add3A_242, %add3A_243 : i32
        %add3A_245 = vector.broadcast %add3A_244 : i32 to vector<16xi32>
        %add3A_246 = arith.addi %add3A_245, %iota3A : vector<16xi32>
        %mul3A_247 = arith.constant 128 : i32
        %mul3A_248 = arith.muli %scan3A_115, %mul3A_247 : i32
        %add3A_249 = arith.constant 48 : i32
        %add3A_250 = arith.addi %mul3A_248, %add3A_249 : i32
        %swap3A_251 = arith.index_cast %add3A_250 : i32 to index
        %swap3A_252 = tpu.vector_load %arg6[%swap3A_251] {strides = array<i32>} : memref<10240xi32, #tpu.memory_space<vmem>>, vector<16xi32>,
        %swap3A_253 = vector.shape_cast %swap3A_252 : vector<16xi32> to vector<16xi32>
        %swap3A_254 = vector.shape_cast %add3A_246 : vector<16xi32> to vector<16xi32>
        tpu.vector_store %arg6[%swap3A_251], %swap3A_254 {strides = array<i32>} : memref<10240xi32, #tpu.memory_space<vmem>>, vector<16xi32>,
        %sub3A_255 = arith.constant 20 : i32
        %sub3A_256 = arith.subi %scan3A_115, %sub3A_255 : i32
        %mul3A_257 = arith.constant 128 : i32
        %mul3A_258 = arith.muli %sub3A_256, %mul3A_257 : i32
        %add3A_259 = arith.constant 64 : i32
        %add3A_260 = arith.addi %mul3A_258, %add3A_259 : i32
        %add3A_261 = vector.broadcast %add3A_260 : i32 to vector<16xi32>
        %add3A_262 = arith.addi %add3A_261, %iota3A : vector<16xi32>
        %mul3A_263 = arith.constant 2 : i32
        %mul3A_264 = vector.broadcast %mul3A_263 : i32 to vector<16xi32>
        %mul3A_265 = arith.muli %add3A_262, %mul3A_264 : vector<16xi32>
        %mul3A_266 = arith.constant 128 : i32
        %mul3A_267 = arith.muli %scan3A_115, %mul3A_266 : i32
        %add3A_268 = arith.constant 64 : i32
        %add3A_269 = arith.addi %mul3A_267, %add3A_268 : i32
        %swap3A_270 = arith.index_cast %add3A_269 : i32 to index
        %swap3A_271 = tpu.vector_load %arg5[%swap3A_270] {strides = array<i32>} : memref<10240xi32, #tpu.memory_space<vmem>>, vector<16xi32>,
        %swap3A_272 = vector.shape_cast %swap3A_271 : vector<16xi32> to vector<16xi32>
        %swap3A_273 = vector.shape_cast %mul3A_265 : vector<16xi32> to vector<16xi32>
        tpu.vector_store %arg5[%swap3A_270], %swap3A_273 {strides = array<i32>} : memref<10240xi32, #tpu.memory_space<vmem>>, vector<16xi32>,
        %mul3A_274 = arith.constant 128 : i32
        %mul3A_275 = arith.muli %scan3A_116, %mul3A_274 : i32
        %add3A_276 = arith.constant 10000 : i32
        %add3A_277 = arith.addi %add3A_276, %mul3A_275 : i32
        %add3A_278 = arith.constant 64 : i32
        %add3A_279 = arith.addi %add3A_277, %add3A_278 : i32
        %add3A_280 = vector.broadcast %add3A_279 : i32 to vector<16xi32>
        %add3A_281 = arith.addi %add3A_280, %iota3A : vector<16xi32>
        %mul3A_282 = arith.constant 128 : i32
        %mul3A_283 = arith.muli %scan3A_115, %mul3A_282 : i32
        %add3A_284 = arith.constant 64 : i32
        %add3A_285 = arith.addi %mul3A_283, %add3A_284 : i32
        %swap3A_286 = arith.index_cast %add3A_285 : i32 to index
        %swap3A_287 = tpu.vector_load %arg6[%swap3A_286] {strides = array<i32>} : memref<10240xi32, #tpu.memory_space<vmem>>, vector<16xi32>,
        %swap3A_288 = vector.shape_cast %swap3A_287 : vector<16xi32> to vector<16xi32>
        %swap3A_289 = vector.shape_cast %add3A_281 : vector<16xi32> to vector<16xi32>
        tpu.vector_store %arg6[%swap3A_286], %swap3A_289 {strides = array<i32>} : memref<10240xi32, #tpu.memory_space<vmem>>, vector<16xi32>,
        %sub3A_290 = arith.constant 20 : i32
        %sub3A_291 = arith.subi %scan3A_115, %sub3A_290 : i32
        %mul3A_292 = arith.constant 128 : i32
        %mul3A_293 = arith.muli %sub3A_291, %mul3A_292 : i32
        %add3A_294 = arith.constant 80 : i32
        %add3A_295 = arith.addi %mul3A_293, %add3A_294 : i32
        %add3A_296 = vector.broadcast %add3A_295 : i32 to vector<16xi32>
        %add3A_297 = arith.addi %add3A_296, %iota3A : vector<16xi32>
        %mul3A_298 = arith.constant 2 : i32
        %mul3A_299 = vector.broadcast %mul3A_298 : i32 to vector<16xi32>
        %mul3A_300 = arith.muli %add3A_297, %mul3A_299 : vector<16xi32>
        %mul3A_301 = arith.constant 128 : i32
        %mul3A_302 = arith.muli %scan3A_115, %mul3A_301 : i32
        %add3A_303 = arith.constant 80 : i32
        %add3A_304 = arith.addi %mul3A_302, %add3A_303 : i32
        %swap3A_305 = arith.index_cast %add3A_304 : i32 to index
        %swap3A_306 = tpu.vector_load %arg5[%swap3A_305] {strides = array<i32>} : memref<10240xi32, #tpu.memory_space<vmem>>, vector<16xi32>,
        %swap3A_307 = vector.shape_cast %swap3A_306 : vector<16xi32> to vector<16xi32>
        %swap3A_308 = vector.shape_cast %mul3A_300 : vector<16xi32> to vector<16xi32>
        tpu.vector_store %arg5[%swap3A_305], %swap3A_308 {strides = array<i32>} : memref<10240xi32, #tpu.memory_space<vmem>>, vector<16xi32>,
        %mul3A_309 = arith.constant 128 : i32
        %mul3A_310 = arith.muli %scan3A_116, %mul3A_309 : i32
        %add3A_311 = arith.constant 10000 : i32
        %add3A_312 = arith.addi %add3A_311, %mul3A_310 : i32
        %add3A_313 = arith.constant 80 : i32
        %add3A_314 = arith.addi %add3A_312, %add3A_313 : i32
        %add3A_315 = vector.broadcast %add3A_314 : i32 to vector<16xi32>
        %add3A_316 = arith.addi %add3A_315, %iota3A : vector<16xi32>
        %mul3A_317 = arith.constant 128 : i32
        %mul3A_318 = arith.muli %scan3A_115, %mul3A_317 : i32
        %add3A_319 = arith.constant 80 : i32
        %add3A_320 = arith.addi %mul3A_318, %add3A_319 : i32
        %swap3A_321 = arith.index_cast %add3A_320 : i32 to index
        %swap3A_322 = tpu.vector_load %arg6[%swap3A_321] {strides = array<i32>} : memref<10240xi32, #tpu.memory_space<vmem>>, vector<16xi32>,
        %swap3A_323 = vector.shape_cast %swap3A_322 : vector<16xi32> to vector<16xi32>
        %swap3A_324 = vector.shape_cast %add3A_316 : vector<16xi32> to vector<16xi32>
        tpu.vector_store %arg6[%swap3A_321], %swap3A_324 {strides = array<i32>} : memref<10240xi32, #tpu.memory_space<vmem>>, vector<16xi32>,
        %sub3A_325 = arith.constant 20 : i32
        %sub3A_326 = arith.subi %scan3A_115, %sub3A_325 : i32
        %mul3A_327 = arith.constant 128 : i32
        %mul3A_328 = arith.muli %sub3A_326, %mul3A_327 : i32
        %add3A_329 = arith.constant 96 : i32
        %add3A_330 = arith.addi %mul3A_328, %add3A_329 : i32
        %add3A_331 = vector.broadcast %add3A_330 : i32 to vector<16xi32>
        %add3A_332 = arith.addi %add3A_331, %iota3A : vector<16xi32>
        %mul3A_333 = arith.constant 2 : i32
        %mul3A_334 = vector.broadcast %mul3A_333 : i32 to vector<16xi32>
        %mul3A_335 = arith.muli %add3A_332, %mul3A_334 : vector<16xi32>
        %mul3A_336 = arith.constant 128 : i32
        %mul3A_337 = arith.muli %scan3A_115, %mul3A_336 : i32
        %add3A_338 = arith.constant 96 : i32
        %add3A_339 = arith.addi %mul3A_337, %add3A_338 : i32
        %swap3A_340 = arith.index_cast %add3A_339 : i32 to index
        %swap3A_341 = tpu.vector_load %arg5[%swap3A_340] {strides = array<i32>} : memref<10240xi32, #tpu.memory_space<vmem>>, vector<16xi32>,
        %swap3A_342 = vector.shape_cast %swap3A_341 : vector<16xi32> to vector<16xi32>
        %swap3A_343 = vector.shape_cast %mul3A_335 : vector<16xi32> to vector<16xi32>
        tpu.vector_store %arg5[%swap3A_340], %swap3A_343 {strides = array<i32>} : memref<10240xi32, #tpu.memory_space<vmem>>, vector<16xi32>,
        %mul3A_344 = arith.constant 128 : i32
        %mul3A_345 = arith.muli %scan3A_116, %mul3A_344 : i32
        %add3A_346 = arith.constant 10000 : i32
        %add3A_347 = arith.addi %add3A_346, %mul3A_345 : i32
        %add3A_348 = arith.constant 96 : i32
        %add3A_349 = arith.addi %add3A_347, %add3A_348 : i32
        %add3A_350 = vector.broadcast %add3A_349 : i32 to vector<16xi32>
        %add3A_351 = arith.addi %add3A_350, %iota3A : vector<16xi32>
        %mul3A_352 = arith.constant 128 : i32
        %mul3A_353 = arith.muli %scan3A_115, %mul3A_352 : i32
        %add3A_354 = arith.constant 96 : i32
        %add3A_355 = arith.addi %mul3A_353, %add3A_354 : i32
        %swap3A_356 = arith.index_cast %add3A_355 : i32 to index
        %swap3A_357 = tpu.vector_load %arg6[%swap3A_356] {strides = array<i32>} : memref<10240xi32, #tpu.memory_space<vmem>>, vector<16xi32>,
        %swap3A_358 = vector.shape_cast %swap3A_357 : vector<16xi32> to vector<16xi32>
        %swap3A_359 = vector.shape_cast %add3A_351 : vector<16xi32> to vector<16xi32>
        tpu.vector_store %arg6[%swap3A_356], %swap3A_359 {strides = array<i32>} : memref<10240xi32, #tpu.memory_space<vmem>>, vector<16xi32>,
        %sub3A_360 = arith.constant 20 : i32
        %sub3A_361 = arith.subi %scan3A_115, %sub3A_360 : i32
        %mul3A_362 = arith.constant 128 : i32
        %mul3A_363 = arith.muli %sub3A_361, %mul3A_362 : i32
        %add3A_364 = arith.constant 112 : i32
        %add3A_365 = arith.addi %mul3A_363, %add3A_364 : i32
        %add3A_366 = vector.broadcast %add3A_365 : i32 to vector<16xi32>
        %add3A_367 = arith.addi %add3A_366, %iota3A : vector<16xi32>
        %mul3A_368 = arith.constant 2 : i32
        %mul3A_369 = vector.broadcast %mul3A_368 : i32 to vector<16xi32>
        %mul3A_370 = arith.muli %add3A_367, %mul3A_369 : vector<16xi32>
        %mul3A_371 = arith.constant 128 : i32
        %mul3A_372 = arith.muli %scan3A_115, %mul3A_371 : i32
        %add3A_373 = arith.constant 112 : i32
        %add3A_374 = arith.addi %mul3A_372, %add3A_373 : i32
        %swap3A_375 = arith.index_cast %add3A_374 : i32 to index
        %swap3A_376 = tpu.vector_load %arg5[%swap3A_375] {strides = array<i32>} : memref<10240xi32, #tpu.memory_space<vmem>>, vector<16xi32>,
        %swap3A_377 = vector.shape_cast %swap3A_376 : vector<16xi32> to vector<16xi32>
        %swap3A_378 = vector.shape_cast %mul3A_370 : vector<16xi32> to vector<16xi32>
        tpu.vector_store %arg5[%swap3A_375], %swap3A_378 {strides = array<i32>} : memref<10240xi32, #tpu.memory_space<vmem>>, vector<16xi32>,
        %mul3A_379 = arith.constant 128 : i32
        %mul3A_380 = arith.muli %scan3A_116, %mul3A_379 : i32
        %add3A_381 = arith.constant 10000 : i32
        %add3A_382 = arith.addi %add3A_381, %mul3A_380 : i32
        %add3A_383 = arith.constant 112 : i32
        %add3A_384 = arith.addi %add3A_382, %add3A_383 : i32
        %add3A_385 = vector.broadcast %add3A_384 : i32 to vector<16xi32>
        %add3A_386 = arith.addi %add3A_385, %iota3A : vector<16xi32>
        %mul3A_387 = arith.constant 128 : i32
        %mul3A_388 = arith.muli %scan3A_115, %mul3A_387 : i32
        %add3A_389 = arith.constant 112 : i32
        %add3A_390 = arith.addi %mul3A_388, %add3A_389 : i32
        %swap3A_391 = arith.index_cast %add3A_390 : i32 to index
        %swap3A_392 = tpu.vector_load %arg6[%swap3A_391] {strides = array<i32>} : memref<10240xi32, #tpu.memory_space<vmem>>, vector<16xi32>,
        %swap3A_393 = vector.shape_cast %swap3A_392 : vector<16xi32> to vector<16xi32>
        %swap3A_394 = vector.shape_cast %add3A_386 : vector<16xi32> to vector<16xi32>
        tpu.vector_store %arg6[%swap3A_391], %swap3A_394 {strides = array<i32>} : memref<10240xi32, #tpu.memory_space<vmem>>, vector<16xi32>,
        %eq3A_395 = arith.constant 4 : i32
        %eq3A_396 = arith.cmpi eq, %scan3A_116, %eq3A_395 : i32
        %add3A_397 = arith.constant 1 : i32
        %add3A_398 = arith.addi %scan3A_116, %add3A_397 : i32
        %jit3A = arith.constant 0 : i32
        %select_n3A = arith.select %eq3A_396, %jit3A, %add3A_398 : i32
        scf.yield %select_n3A : i32
      }
      %scan3A_114 = arith.constant 60 : i32
    } else {
    }
    %barrier3A = arith.constant 0 : index
    tpu.barrier barrier_id(%barrier3A)
    %scan3A_42 = arith.constant 0 : i32
    %scan3A_43 = arith.constant 0 : i32
    %scan3A_44 = arith.constant 16 : i32
    %scan3A_45 = arith.addi %scan3A_43, %scan3A_44 : i32
    %scan3A_46 = arith.constant 1 : i32
    scf.for %scan3A_108 = %scan3A_43 to %scan3A_45 step %scan3A_46  : i32 {
      %mul3A_109 = arith.constant 5 : i32
      %mul3A_110 = arith.muli %mul3A_109, %scan3A_108 : i32
      %gt3A = arith.constant 0 : i32
      %gt3A_111 = arith.cmpi sgt, %scan3A_108, %gt3A : i32
      %convert_element_type3A_112 = arith.extui %gt3A_111 : i1 to i32
      %cond3A_113 = arith.constant 0 : i32
      %cond3A_114 = arith.cmpi ne, %convert_element_type3A_112, %cond3A_113 : i32
      scf.if %cond3A_114 {
        %add3A_289 = arith.constant 0 : i32
        %add3A_290 = arith.addi %mul3A_110, %add3A_289 : i32
        %mul3A_291 = arith.constant 128 : i32
        %mul3A_292 = arith.muli %add3A_290, %mul3A_291 : i32
        %dma_wait3A_293 = arith.constant 0 : i32
        %dma_wait3A_294 = arith.constant 0 : i32
        %dma_wait3A_295 = arith.constant 0 : i32
        %dma_wait3A_296 = tpu.memref_slice %arg7[%dma_wait3A_293, %dma_wait3A_294, %dma_wait3A_295] : memref<5x128x64xf32, #tpu.memory_space<vmem>> -> memref<1x128x64xf32, #tpu.memory_space<vmem>>
        %dma_wait3A_297 = tpu.memref_squeeze %dma_wait3A_296 : memref<1x128x64xf32, #tpu.memory_space<vmem>> -> memref<128x64xf32, #tpu.memory_space<vmem>>
        %dma_wait3A_298 = tpu.memref_slice %arg6[%mul3A_292] : memref<10240xi32, #tpu.memory_space<vmem>> -> memref<128xi32, #tpu.memory_space<vmem>>
        %dma_wait3A_299 = arith.constant 0 : i32
        %dma_wait3A_300 = arith.constant 0 : i32
        %dma_wait3A_301 = tpu.memref_slice %arg9[%dma_wait3A_299, %dma_wait3A_300] : memref<10640x64xf32, #tpu.memory_space<vmem_shared>> -> memref<10640x64xf32, #tpu.memory_space<vmem_shared>>
        tpu.wait_indirect_dma semaphore(%arg15 : memref<!tpu.dma_semaphore, #tpu.memory_space<semaphore_mem>>) src(%dma_wait3A_297 : memref<128x64xf32, #tpu.memory_space<vmem>>) dst(%dma_wait3A_301 : memref<10640x64xf32, #tpu.memory_space<vmem_shared>>)
        %add3A_302 = arith.constant 1 : i32
        %add3A_303 = arith.addi %mul3A_110, %add3A_302 : i32
        %mul3A_304 = arith.constant 128 : i32
        %mul3A_305 = arith.muli %add3A_303, %mul3A_304 : i32
        %dma_wait3A_306 = arith.constant 1 : i32
        %dma_wait3A_307 = arith.constant 0 : i32
        %dma_wait3A_308 = arith.constant 0 : i32
        %dma_wait3A_309 = tpu.memref_slice %arg7[%dma_wait3A_306, %dma_wait3A_307, %dma_wait3A_308] : memref<5x128x64xf32, #tpu.memory_space<vmem>> -> memref<1x128x64xf32, #tpu.memory_space<vmem>>
        %dma_wait3A_310 = tpu.memref_squeeze %dma_wait3A_309 : memref<1x128x64xf32, #tpu.memory_space<vmem>> -> memref<128x64xf32, #tpu.memory_space<vmem>>
        %dma_wait3A_311 = tpu.memref_slice %arg6[%mul3A_305] : memref<10240xi32, #tpu.memory_space<vmem>> -> memref<128xi32, #tpu.memory_space<vmem>>
        %dma_wait3A_312 = arith.constant 0 : i32
        %dma_wait3A_313 = arith.constant 0 : i32
        %dma_wait3A_314 = tpu.memref_slice %arg9[%dma_wait3A_312, %dma_wait3A_313] : memref<10640x64xf32, #tpu.memory_space<vmem_shared>> -> memref<10640x64xf32, #tpu.memory_space<vmem_shared>>
        tpu.wait_indirect_dma semaphore(%arg16 : memref<!tpu.dma_semaphore, #tpu.memory_space<semaphore_mem>>) src(%dma_wait3A_310 : memref<128x64xf32, #tpu.memory_space<vmem>>) dst(%dma_wait3A_314 : memref<10640x64xf32, #tpu.memory_space<vmem_shared>>)
        %add3A_315 = arith.constant 2 : i32
        %add3A_316 = arith.addi %mul3A_110, %add3A_315 : i32
        %mul3A_317 = arith.constant 128 : i32
        %mul3A_318 = arith.muli %add3A_316, %mul3A_317 : i32
        %dma_wait3A_319 = arith.constant 2 : i32
        %dma_wait3A_320 = arith.constant 0 : i32
        %dma_wait3A_321 = arith.constant 0 : i32
        %dma_wait3A_322 = tpu.memref_slice %arg7[%dma_wait3A_319, %dma_wait3A_320, %dma_wait3A_321] : memref<5x128x64xf32, #tpu.memory_space<vmem>> -> memref<1x128x64xf32, #tpu.memory_space<vmem>>
        %dma_wait3A_323 = tpu.memref_squeeze %dma_wait3A_322 : memref<1x128x64xf32, #tpu.memory_space<vmem>> -> memref<128x64xf32, #tpu.memory_space<vmem>>
        %dma_wait3A_324 = tpu.memref_slice %arg6[%mul3A_318] : memref<10240xi32, #tpu.memory_space<vmem>> -> memref<128xi32, #tpu.memory_space<vmem>>
        %dma_wait3A_325 = arith.constant 0 : i32
        %dma_wait3A_326 = arith.constant 0 : i32
        %dma_wait3A_327 = tpu.memref_slice %arg9[%dma_wait3A_325, %dma_wait3A_326] : memref<10640x64xf32, #tpu.memory_space<vmem_shared>> -> memref<10640x64xf32, #tpu.memory_space<vmem_shared>>
        tpu.wait_indirect_dma semaphore(%arg17 : memref<!tpu.dma_semaphore, #tpu.memory_space<semaphore_mem>>) src(%dma_wait3A_323 : memref<128x64xf32, #tpu.memory_space<vmem>>) dst(%dma_wait3A_327 : memref<10640x64xf32, #tpu.memory_space<vmem_shared>>)
        %add3A_328 = arith.constant 3 : i32
        %add3A_329 = arith.addi %mul3A_110, %add3A_328 : i32
        %mul3A_330 = arith.constant 128 : i32
        %mul3A_331 = arith.muli %add3A_329, %mul3A_330 : i32
        %dma_wait3A_332 = arith.constant 3 : i32
        %dma_wait3A_333 = arith.constant 0 : i32
        %dma_wait3A_334 = arith.constant 0 : i32
        %dma_wait3A_335 = tpu.memref_slice %arg7[%dma_wait3A_332, %dma_wait3A_333, %dma_wait3A_334] : memref<5x128x64xf32, #tpu.memory_space<vmem>> -> memref<1x128x64xf32, #tpu.memory_space<vmem>>
        %dma_wait3A_336 = tpu.memref_squeeze %dma_wait3A_335 : memref<1x128x64xf32, #tpu.memory_space<vmem>> -> memref<128x64xf32, #tpu.memory_space<vmem>>
        %dma_wait3A_337 = tpu.memref_slice %arg6[%mul3A_331] : memref<10240xi32, #tpu.memory_space<vmem>> -> memref<128xi32, #tpu.memory_space<vmem>>
        %dma_wait3A_338 = arith.constant 0 : i32
        %dma_wait3A_339 = arith.constant 0 : i32
        %dma_wait3A_340 = tpu.memref_slice %arg9[%dma_wait3A_338, %dma_wait3A_339] : memref<10640x64xf32, #tpu.memory_space<vmem_shared>> -> memref<10640x64xf32, #tpu.memory_space<vmem_shared>>
        tpu.wait_indirect_dma semaphore(%arg18 : memref<!tpu.dma_semaphore, #tpu.memory_space<semaphore_mem>>) src(%dma_wait3A_336 : memref<128x64xf32, #tpu.memory_space<vmem>>) dst(%dma_wait3A_340 : memref<10640x64xf32, #tpu.memory_space<vmem_shared>>)
        %add3A_341 = arith.constant 4 : i32
        %add3A_342 = arith.addi %mul3A_110, %add3A_341 : i32
        %mul3A_343 = arith.constant 128 : i32
        %mul3A_344 = arith.muli %add3A_342, %mul3A_343 : i32
        %dma_wait3A_345 = arith.constant 4 : i32
        %dma_wait3A_346 = arith.constant 0 : i32
        %dma_wait3A_347 = arith.constant 0 : i32
        %dma_wait3A_348 = tpu.memref_slice %arg7[%dma_wait3A_345, %dma_wait3A_346, %dma_wait3A_347] : memref<5x128x64xf32, #tpu.memory_space<vmem>> -> memref<1x128x64xf32, #tpu.memory_space<vmem>>
        %dma_wait3A_349 = tpu.memref_squeeze %dma_wait3A_348 : memref<1x128x64xf32, #tpu.memory_space<vmem>> -> memref<128x64xf32, #tpu.memory_space<vmem>>
        %dma_wait3A_350 = tpu.memref_slice %arg6[%mul3A_344] : memref<10240xi32, #tpu.memory_space<vmem>> -> memref<128xi32, #tpu.memory_space<vmem>>
        %dma_wait3A_351 = arith.constant 0 : i32
        %dma_wait3A_352 = arith.constant 0 : i32
        %dma_wait3A_353 = tpu.memref_slice %arg9[%dma_wait3A_351, %dma_wait3A_352] : memref<10640x64xf32, #tpu.memory_space<vmem_shared>> -> memref<10640x64xf32, #tpu.memory_space<vmem_shared>>
        tpu.wait_indirect_dma semaphore(%arg19 : memref<!tpu.dma_semaphore, #tpu.memory_space<semaphore_mem>>) src(%dma_wait3A_349 : memref<128x64xf32, #tpu.memory_space<vmem>>) dst(%dma_wait3A_353 : memref<10640x64xf32, #tpu.memory_space<vmem_shared>>)
      } else {
      }
      %add3A_115 = arith.constant 0 : i32
      %add3A_116 = arith.addi %mul3A_110, %add3A_115 : i32
      %mul3A_117 = arith.constant 128 : i32
      %mul3A_118 = arith.muli %add3A_116, %mul3A_117 : i32
      %dma_start3A = arith.constant 0 : i32
      %dma_start3A_119 = arith.constant 0 : i32
      %dma_start3A_120 = arith.constant 0 : i32
      %dma_start3A_121 = tpu.memref_slice %arg7[%dma_start3A, %dma_start3A_119, %dma_start3A_120] : memref<5x128x64xf32, #tpu.memory_space<vmem>> -> memref<1x128x64xf32, #tpu.memory_space<vmem>>
      %dma_start3A_122 = tpu.memref_squeeze %dma_start3A_121 : memref<1x128x64xf32, #tpu.memory_space<vmem>> -> memref<128x64xf32, #tpu.memory_space<vmem>>
      %dma_start3A_123 = tpu.memref_slice %arg5[%mul3A_118] : memref<10240xi32, #tpu.memory_space<vmem>> -> memref<128xi32, #tpu.memory_space<vmem>>
      %dma_start3A_124 = arith.constant 0 : i32
      %dma_start3A_125 = arith.constant 0 : i32
      %dma_start3A_126 = tpu.memref_slice %arg2[%dma_start3A_124, %dma_start3A_125] : memref<20000x64xf32, #tpu.memory_space<hbm>> -> memref<20000x64xf32, #tpu.memory_space<hbm>>
      tpu.enqueue_indirect_dma source(%dma_start3A_126 : memref<20000x64xf32, #tpu.memory_space<hbm>>) target(%dma_start3A_122 : memref<128x64xf32, #tpu.memory_space<vmem>>) offsets(%dma_start3A_123 : memref<128xi32, #tpu.memory_space<vmem>>) semaphore(%arg10 : memref<!tpu.dma_semaphore, #tpu.memory_space<semaphore_mem>>)
      %add3A_127 = arith.constant 1 : i32
      %add3A_128 = arith.addi %mul3A_110, %add3A_127 : i32
      %mul3A_129 = arith.constant 128 : i32
      %mul3A_130 = arith.muli %add3A_128, %mul3A_129 : i32
      %dma_start3A_131 = arith.constant 1 : i32
      %dma_start3A_132 = arith.constant 0 : i32
      %dma_start3A_133 = arith.constant 0 : i32
      %dma_start3A_134 = tpu.memref_slice %arg7[%dma_start3A_131, %dma_start3A_132, %dma_start3A_133] : memref<5x128x64xf32, #tpu.memory_space<vmem>> -> memref<1x128x64xf32, #tpu.memory_space<vmem>>
      %dma_start3A_135 = tpu.memref_squeeze %dma_start3A_134 : memref<1x128x64xf32, #tpu.memory_space<vmem>> -> memref<128x64xf32, #tpu.memory_space<vmem>>
      %dma_start3A_136 = tpu.memref_slice %arg5[%mul3A_130] : memref<10240xi32, #tpu.memory_space<vmem>> -> memref<128xi32, #tpu.memory_space<vmem>>
      %dma_start3A_137 = arith.constant 0 : i32
      %dma_start3A_138 = arith.constant 0 : i32
      %dma_start3A_139 = tpu.memref_slice %arg2[%dma_start3A_137, %dma_start3A_138] : memref<20000x64xf32, #tpu.memory_space<hbm>> -> memref<20000x64xf32, #tpu.memory_space<hbm>>
      tpu.enqueue_indirect_dma source(%dma_start3A_139 : memref<20000x64xf32, #tpu.memory_space<hbm>>) target(%dma_start3A_135 : memref<128x64xf32, #tpu.memory_space<vmem>>) offsets(%dma_start3A_136 : memref<128xi32, #tpu.memory_space<vmem>>) semaphore(%arg11 : memref<!tpu.dma_semaphore, #tpu.memory_space<semaphore_mem>>)
      %add3A_140 = arith.constant 2 : i32
      %add3A_141 = arith.addi %mul3A_110, %add3A_140 : i32
      %mul3A_142 = arith.constant 128 : i32
      %mul3A_143 = arith.muli %add3A_141, %mul3A_142 : i32
      %dma_start3A_144 = arith.constant 2 : i32
      %dma_start3A_145 = arith.constant 0 : i32
      %dma_start3A_146 = arith.constant 0 : i32
      %dma_start3A_147 = tpu.memref_slice %arg7[%dma_start3A_144, %dma_start3A_145, %dma_start3A_146] : memref<5x128x64xf32, #tpu.memory_space<vmem>> -> memref<1x128x64xf32, #tpu.memory_space<vmem>>
      %dma_start3A_148 = tpu.memref_squeeze %dma_start3A_147 : memref<1x128x64xf32, #tpu.memory_space<vmem>> -> memref<128x64xf32, #tpu.memory_space<vmem>>
      %dma_start3A_149 = tpu.memref_slice %arg5[%mul3A_143] : memref<10240xi32, #tpu.memory_space<vmem>> -> memref<128xi32, #tpu.memory_space<vmem>>
      %dma_start3A_150 = arith.constant 0 : i32
      %dma_start3A_151 = arith.constant 0 : i32
      %dma_start3A_152 = tpu.memref_slice %arg2[%dma_start3A_150, %dma_start3A_151] : memref<20000x64xf32, #tpu.memory_space<hbm>> -> memref<20000x64xf32, #tpu.memory_space<hbm>>
      tpu.enqueue_indirect_dma source(%dma_start3A_152 : memref<20000x64xf32, #tpu.memory_space<hbm>>) target(%dma_start3A_148 : memref<128x64xf32, #tpu.memory_space<vmem>>) offsets(%dma_start3A_149 : memref<128xi32, #tpu.memory_space<vmem>>) semaphore(%arg12 : memref<!tpu.dma_semaphore, #tpu.memory_space<semaphore_mem>>)
      %add3A_153 = arith.constant 3 : i32
      %add3A_154 = arith.addi %mul3A_110, %add3A_153 : i32
      %mul3A_155 = arith.constant 128 : i32
      %mul3A_156 = arith.muli %add3A_154, %mul3A_155 : i32
      %dma_start3A_157 = arith.constant 3 : i32
      %dma_start3A_158 = arith.constant 0 : i32
      %dma_start3A_159 = arith.constant 0 : i32
      %dma_start3A_160 = tpu.memref_slice %arg7[%dma_start3A_157, %dma_start3A_158, %dma_start3A_159] : memref<5x128x64xf32, #tpu.memory_space<vmem>> -> memref<1x128x64xf32, #tpu.memory_space<vmem>>
      %dma_start3A_161 = tpu.memref_squeeze %dma_start3A_160 : memref<1x128x64xf32, #tpu.memory_space<vmem>> -> memref<128x64xf32, #tpu.memory_space<vmem>>
      %dma_start3A_162 = tpu.memref_slice %arg5[%mul3A_156] : memref<10240xi32, #tpu.memory_space<vmem>> -> memref<128xi32, #tpu.memory_space<vmem>>
      %dma_start3A_163 = arith.constant 0 : i32
      %dma_start3A_164 = arith.constant 0 : i32
      %dma_start3A_165 = tpu.memref_slice %arg2[%dma_start3A_163, %dma_start3A_164] : memref<20000x64xf32, #tpu.memory_space<hbm>> -> memref<20000x64xf32, #tpu.memory_space<hbm>>
      tpu.enqueue_indirect_dma source(%dma_start3A_165 : memref<20000x64xf32, #tpu.memory_space<hbm>>) target(%dma_start3A_161 : memref<128x64xf32, #tpu.memory_space<vmem>>) offsets(%dma_start3A_162 : memref<128xi32, #tpu.memory_space<vmem>>) semaphore(%arg13 : memref<!tpu.dma_semaphore, #tpu.memory_space<semaphore_mem>>)
      %add3A_166 = arith.constant 4 : i32
      %add3A_167 = arith.addi %mul3A_110, %add3A_166 : i32
      %mul3A_168 = arith.constant 128 : i32
      %mul3A_169 = arith.muli %add3A_167, %mul3A_168 : i32
      %dma_start3A_170 = arith.constant 4 : i32
      %dma_start3A_171 = arith.constant 0 : i32
      %dma_start3A_172 = arith.constant 0 : i32
      %dma_start3A_173 = tpu.memref_slice %arg7[%dma_start3A_170, %dma_start3A_171, %dma_start3A_172] : memref<5x128x64xf32, #tpu.memory_space<vmem>> -> memref<1x128x64xf32, #tpu.memory_space<vmem>>
      %dma_start3A_174 = tpu.memref_squeeze %dma_start3A_173 : memref<1x128x64xf32, #tpu.memory_space<vmem>> -> memref<128x64xf32, #tpu.memory_space<vmem>>
      %dma_start3A_175 = tpu.memref_slice %arg5[%mul3A_169] : memref<10240xi32, #tpu.memory_space<vmem>> -> memref<128xi32, #tpu.memory_space<vmem>>
      %dma_start3A_176 = arith.constant 0 : i32
      %dma_start3A_177 = arith.constant 0 : i32
      %dma_start3A_178 = tpu.memref_slice %arg2[%dma_start3A_176, %dma_start3A_177] : memref<20000x64xf32, #tpu.memory_space<hbm>> -> memref<20000x64xf32, #tpu.memory_space<hbm>>
      tpu.enqueue_indirect_dma source(%dma_start3A_178 : memref<20000x64xf32, #tpu.memory_space<hbm>>) target(%dma_start3A_174 : memref<128x64xf32, #tpu.memory_space<vmem>>) offsets(%dma_start3A_175 : memref<128xi32, #tpu.memory_space<vmem>>) semaphore(%arg14 : memref<!tpu.dma_semaphore, #tpu.memory_space<semaphore_mem>>)
      %dma_wait3A_179 = arith.constant 0 : i32
      %dma_wait3A_180 = arith.constant 0 : i32
      %dma_wait3A_181 = arith.constant 0 : i32
      %dma_wait3A_182 = tpu.memref_slice %arg7[%dma_wait3A_179, %dma_wait3A_180, %dma_wait3A_181] : memref<5x128x64xf32, #tpu.memory_space<vmem>> -> memref<1x128x64xf32, #tpu.memory_space<vmem>>
      %dma_wait3A_183 = tpu.memref_squeeze %dma_wait3A_182 : memref<1x128x64xf32, #tpu.memory_space<vmem>> -> memref<128x64xf32, #tpu.memory_space<vmem>>
      %dma_wait3A_184 = tpu.memref_slice %arg5[%mul3A_118] : memref<10240xi32, #tpu.memory_space<vmem>> -> memref<128xi32, #tpu.memory_space<vmem>>
      %dma_wait3A_185 = arith.constant 0 : i32
      %dma_wait3A_186 = arith.constant 0 : i32
      %dma_wait3A_187 = tpu.memref_slice %arg2[%dma_wait3A_185, %dma_wait3A_186] : memref<20000x64xf32, #tpu.memory_space<hbm>> -> memref<20000x64xf32, #tpu.memory_space<hbm>>
      tpu.wait_indirect_dma semaphore(%arg10 : memref<!tpu.dma_semaphore, #tpu.memory_space<semaphore_mem>>) src(%dma_wait3A_187 : memref<20000x64xf32, #tpu.memory_space<hbm>>) dst(%dma_wait3A_183 : memref<128x64xf32, #tpu.memory_space<vmem>>)
      %add3A_188 = arith.constant 0 : i32
      %add3A_189 = arith.addi %mul3A_110, %add3A_188 : i32
      %mul3A_190 = arith.constant 128 : i32
      %mul3A_191 = arith.muli %add3A_189, %mul3A_190 : i32
      %dma_start3A_192 = arith.constant 0 : i32
      %dma_start3A_193 = arith.constant 0 : i32
      %dma_start3A_194 = arith.constant 0 : i32
      %dma_start3A_195 = tpu.memref_slice %arg7[%dma_start3A_192, %dma_start3A_193, %dma_start3A_194] : memref<5x128x64xf32, #tpu.memory_space<vmem>> -> memref<1x128x64xf32, #tpu.memory_space<vmem>>
      %dma_start3A_196 = tpu.memref_squeeze %dma_start3A_195 : memref<1x128x64xf32, #tpu.memory_space<vmem>> -> memref<128x64xf32, #tpu.memory_space<vmem>>
      %dma_start3A_197 = tpu.memref_slice %arg6[%mul3A_191] : memref<10240xi32, #tpu.memory_space<vmem>> -> memref<128xi32, #tpu.memory_space<vmem>>
      %dma_start3A_198 = arith.constant 0 : i32
      %dma_start3A_199 = arith.constant 0 : i32
      %dma_start3A_200 = tpu.memref_slice %arg9[%dma_start3A_198, %dma_start3A_199] : memref<10640x64xf32, #tpu.memory_space<vmem_shared>> -> memref<10640x64xf32, #tpu.memory_space<vmem_shared>>
      tpu.enqueue_indirect_dma source(%dma_start3A_196 : memref<128x64xf32, #tpu.memory_space<vmem>>) target(%dma_start3A_200 : memref<10640x64xf32, #tpu.memory_space<vmem_shared>>) offsets(%dma_start3A_197 : memref<128xi32, #tpu.memory_space<vmem>>) semaphore(%arg15 : memref<!tpu.dma_semaphore, #tpu.memory_space<semaphore_mem>>) {add = true}
      %dma_wait3A_201 = arith.constant 1 : i32
      %dma_wait3A_202 = arith.constant 0 : i32
      %dma_wait3A_203 = arith.constant 0 : i32
      %dma_wait3A_204 = tpu.memref_slice %arg7[%dma_wait3A_201, %dma_wait3A_202, %dma_wait3A_203] : memref<5x128x64xf32, #tpu.memory_space<vmem>> -> memref<1x128x64xf32, #tpu.memory_space<vmem>>
      %dma_wait3A_205 = tpu.memref_squeeze %dma_wait3A_204 : memref<1x128x64xf32, #tpu.memory_space<vmem>> -> memref<128x64xf32, #tpu.memory_space<vmem>>
      %dma_wait3A_206 = tpu.memref_slice %arg5[%mul3A_130] : memref<10240xi32, #tpu.memory_space<vmem>> -> memref<128xi32, #tpu.memory_space<vmem>>
      %dma_wait3A_207 = arith.constant 0 : i32
      %dma_wait3A_208 = arith.constant 0 : i32
      %dma_wait3A_209 = tpu.memref_slice %arg2[%dma_wait3A_207, %dma_wait3A_208] : memref<20000x64xf32, #tpu.memory_space<hbm>> -> memref<20000x64xf32, #tpu.memory_space<hbm>>
      tpu.wait_indirect_dma semaphore(%arg11 : memref<!tpu.dma_semaphore, #tpu.memory_space<semaphore_mem>>) src(%dma_wait3A_209 : memref<20000x64xf32, #tpu.memory_space<hbm>>) dst(%dma_wait3A_205 : memref<128x64xf32, #tpu.memory_space<vmem>>)
      %add3A_210 = arith.constant 1 : i32
      %add3A_211 = arith.addi %mul3A_110, %add3A_210 : i32
      %mul3A_212 = arith.constant 128 : i32
      %mul3A_213 = arith.muli %add3A_211, %mul3A_212 : i32
      %dma_start3A_214 = arith.constant 1 : i32
      %dma_start3A_215 = arith.constant 0 : i32
      %dma_start3A_216 = arith.constant 0 : i32
      %dma_start3A_217 = tpu.memref_slice %arg7[%dma_start3A_214, %dma_start3A_215, %dma_start3A_216] : memref<5x128x64xf32, #tpu.memory_space<vmem>> -> memref<1x128x64xf32, #tpu.memory_space<vmem>>
      %dma_start3A_218 = tpu.memref_squeeze %dma_start3A_217 : memref<1x128x64xf32, #tpu.memory_space<vmem>> -> memref<128x64xf32, #tpu.memory_space<vmem>>
      %dma_start3A_219 = tpu.memref_slice %arg6[%mul3A_213] : memref<10240xi32, #tpu.memory_space<vmem>> -> memref<128xi32, #tpu.memory_space<vmem>>
      %dma_start3A_220 = arith.constant 0 : i32
      %dma_start3A_221 = arith.constant 0 : i32
      %dma_start3A_222 = tpu.memref_slice %arg9[%dma_start3A_220, %dma_start3A_221] : memref<10640x64xf32, #tpu.memory_space<vmem_shared>> -> memref<10640x64xf32, #tpu.memory_space<vmem_shared>>
      tpu.enqueue_indirect_dma source(%dma_start3A_218 : memref<128x64xf32, #tpu.memory_space<vmem>>) target(%dma_start3A_222 : memref<10640x64xf32, #tpu.memory_space<vmem_shared>>) offsets(%dma_start3A_219 : memref<128xi32, #tpu.memory_space<vmem>>) semaphore(%arg16 : memref<!tpu.dma_semaphore, #tpu.memory_space<semaphore_mem>>) {add = true}
      %dma_wait3A_223 = arith.constant 2 : i32
      %dma_wait3A_224 = arith.constant 0 : i32
      %dma_wait3A_225 = arith.constant 0 : i32
      %dma_wait3A_226 = tpu.memref_slice %arg7[%dma_wait3A_223, %dma_wait3A_224, %dma_wait3A_225] : memref<5x128x64xf32, #tpu.memory_space<vmem>> -> memref<1x128x64xf32, #tpu.memory_space<vmem>>
      %dma_wait3A_227 = tpu.memref_squeeze %dma_wait3A_226 : memref<1x128x64xf32, #tpu.memory_space<vmem>> -> memref<128x64xf32, #tpu.memory_space<vmem>>
      %dma_wait3A_228 = tpu.memref_slice %arg5[%mul3A_143] : memref<10240xi32, #tpu.memory_space<vmem>> -> memref<128xi32, #tpu.memory_space<vmem>>
      %dma_wait3A_229 = arith.constant 0 : i32
      %dma_wait3A_230 = arith.constant 0 : i32
      %dma_wait3A_231 = tpu.memref_slice %arg2[%dma_wait3A_229, %dma_wait3A_230] : memref<20000x64xf32, #tpu.memory_space<hbm>> -> memref<20000x64xf32, #tpu.memory_space<hbm>>
      tpu.wait_indirect_dma semaphore(%arg12 : memref<!tpu.dma_semaphore, #tpu.memory_space<semaphore_mem>>) src(%dma_wait3A_231 : memref<20000x64xf32, #tpu.memory_space<hbm>>) dst(%dma_wait3A_227 : memref<128x64xf32, #tpu.memory_space<vmem>>)
      %add3A_232 = arith.constant 2 : i32
      %add3A_233 = arith.addi %mul3A_110, %add3A_232 : i32
      %mul3A_234 = arith.constant 128 : i32
      %mul3A_235 = arith.muli %add3A_233, %mul3A_234 : i32
      %dma_start3A_236 = arith.constant 2 : i32
      %dma_start3A_237 = arith.constant 0 : i32
      %dma_start3A_238 = arith.constant 0 : i32
      %dma_start3A_239 = tpu.memref_slice %arg7[%dma_start3A_236, %dma_start3A_237, %dma_start3A_238] : memref<5x128x64xf32, #tpu.memory_space<vmem>> -> memref<1x128x64xf32, #tpu.memory_space<vmem>>
      %dma_start3A_240 = tpu.memref_squeeze %dma_start3A_239 : memref<1x128x64xf32, #tpu.memory_space<vmem>> -> memref<128x64xf32, #tpu.memory_space<vmem>>
      %dma_start3A_241 = tpu.memref_slice %arg6[%mul3A_235] : memref<10240xi32, #tpu.memory_space<vmem>> -> memref<128xi32, #tpu.memory_space<vmem>>
      %dma_start3A_242 = arith.constant 0 : i32
      %dma_start3A_243 = arith.constant 0 : i32
      %dma_start3A_244 = tpu.memref_slice %arg9[%dma_start3A_242, %dma_start3A_243] : memref<10640x64xf32, #tpu.memory_space<vmem_shared>> -> memref<10640x64xf32, #tpu.memory_space<vmem_shared>>
      tpu.enqueue_indirect_dma source(%dma_start3A_240 : memref<128x64xf32, #tpu.memory_space<vmem>>) target(%dma_start3A_244 : memref<10640x64xf32, #tpu.memory_space<vmem_shared>>) offsets(%dma_start3A_241 : memref<128xi32, #tpu.memory_space<vmem>>) semaphore(%arg17 : memref<!tpu.dma_semaphore, #tpu.memory_space<semaphore_mem>>) {add = true}
      %dma_wait3A_245 = arith.constant 3 : i32
      %dma_wait3A_246 = arith.constant 0 : i32
      %dma_wait3A_247 = arith.constant 0 : i32
      %dma_wait3A_248 = tpu.memref_slice %arg7[%dma_wait3A_245, %dma_wait3A_246, %dma_wait3A_247] : memref<5x128x64xf32, #tpu.memory_space<vmem>> -> memref<1x128x64xf32, #tpu.memory_space<vmem>>
      %dma_wait3A_249 = tpu.memref_squeeze %dma_wait3A_248 : memref<1x128x64xf32, #tpu.memory_space<vmem>> -> memref<128x64xf32, #tpu.memory_space<vmem>>
      %dma_wait3A_250 = tpu.memref_slice %arg5[%mul3A_156] : memref<10240xi32, #tpu.memory_space<vmem>> -> memref<128xi32, #tpu.memory_space<vmem>>
      %dma_wait3A_251 = arith.constant 0 : i32
      %dma_wait3A_252 = arith.constant 0 : i32
      %dma_wait3A_253 = tpu.memref_slice %arg2[%dma_wait3A_251, %dma_wait3A_252] : memref<20000x64xf32, #tpu.memory_space<hbm>> -> memref<20000x64xf32, #tpu.memory_space<hbm>>
      tpu.wait_indirect_dma semaphore(%arg13 : memref<!tpu.dma_semaphore, #tpu.memory_space<semaphore_mem>>) src(%dma_wait3A_253 : memref<20000x64xf32, #tpu.memory_space<hbm>>) dst(%dma_wait3A_249 : memref<128x64xf32, #tpu.memory_space<vmem>>)
      %add3A_254 = arith.constant 3 : i32
      %add3A_255 = arith.addi %mul3A_110, %add3A_254 : i32
      %mul3A_256 = arith.constant 128 : i32
      %mul3A_257 = arith.muli %add3A_255, %mul3A_256 : i32
      %dma_start3A_258 = arith.constant 3 : i32
      %dma_start3A_259 = arith.constant 0 : i32
      %dma_start3A_260 = arith.constant 0 : i32
      %dma_start3A_261 = tpu.memref_slice %arg7[%dma_start3A_258, %dma_start3A_259, %dma_start3A_260] : memref<5x128x64xf32, #tpu.memory_space<vmem>> -> memref<1x128x64xf32, #tpu.memory_space<vmem>>
      %dma_start3A_262 = tpu.memref_squeeze %dma_start3A_261 : memref<1x128x64xf32, #tpu.memory_space<vmem>> -> memref<128x64xf32, #tpu.memory_space<vmem>>
      %dma_start3A_263 = tpu.memref_slice %arg6[%mul3A_257] : memref<10240xi32, #tpu.memory_space<vmem>> -> memref<128xi32, #tpu.memory_space<vmem>>
      %dma_start3A_264 = arith.constant 0 : i32
      %dma_start3A_265 = arith.constant 0 : i32
      %dma_start3A_266 = tpu.memref_slice %arg9[%dma_start3A_264, %dma_start3A_265] : memref<10640x64xf32, #tpu.memory_space<vmem_shared>> -> memref<10640x64xf32, #tpu.memory_space<vmem_shared>>
      tpu.enqueue_indirect_dma source(%dma_start3A_262 : memref<128x64xf32, #tpu.memory_space<vmem>>) target(%dma_start3A_266 : memref<10640x64xf32, #tpu.memory_space<vmem_shared>>) offsets(%dma_start3A_263 : memref<128xi32, #tpu.memory_space<vmem>>) semaphore(%arg18 : memref<!tpu.dma_semaphore, #tpu.memory_space<semaphore_mem>>) {add = true}
      %dma_wait3A_267 = arith.constant 4 : i32
      %dma_wait3A_268 = arith.constant 0 : i32
      %dma_wait3A_269 = arith.constant 0 : i32
      %dma_wait3A_270 = tpu.memref_slice %arg7[%dma_wait3A_267, %dma_wait3A_268, %dma_wait3A_269] : memref<5x128x64xf32, #tpu.memory_space<vmem>> -> memref<1x128x64xf32, #tpu.memory_space<vmem>>
      %dma_wait3A_271 = tpu.memref_squeeze %dma_wait3A_270 : memref<1x128x64xf32, #tpu.memory_space<vmem>> -> memref<128x64xf32, #tpu.memory_space<vmem>>
      %dma_wait3A_272 = tpu.memref_slice %arg5[%mul3A_169] : memref<10240xi32, #tpu.memory_space<vmem>> -> memref<128xi32, #tpu.memory_space<vmem>>
      %dma_wait3A_273 = arith.constant 0 : i32
      %dma_wait3A_274 = arith.constant 0 : i32
      %dma_wait3A_275 = tpu.memref_slice %arg2[%dma_wait3A_273, %dma_wait3A_274] : memref<20000x64xf32, #tpu.memory_space<hbm>> -> memref<20000x64xf32, #tpu.memory_space<hbm>>
      tpu.wait_indirect_dma semaphore(%arg14 : memref<!tpu.dma_semaphore, #tpu.memory_space<semaphore_mem>>) src(%dma_wait3A_275 : memref<20000x64xf32, #tpu.memory_space<hbm>>) dst(%dma_wait3A_271 : memref<128x64xf32, #tpu.memory_space<vmem>>)
      %add3A_276 = arith.constant 4 : i32
      %add3A_277 = arith.addi %mul3A_110, %add3A_276 : i32
      %mul3A_278 = arith.constant 128 : i32
      %mul3A_279 = arith.muli %add3A_277, %mul3A_278 : i32
      %dma_start3A_280 = arith.constant 4 : i32
      %dma_start3A_281 = arith.constant 0 : i32
      %dma_start3A_282 = arith.constant 0 : i32
      %dma_start3A_283 = tpu.memref_slice %arg7[%dma_start3A_280, %dma_start3A_281, %dma_start3A_282] : memref<5x128x64xf32, #tpu.memory_space<vmem>> -> memref<1x128x64xf32, #tpu.memory_space<vmem>>
      %dma_start3A_284 = tpu.memref_squeeze %dma_start3A_283 : memref<1x128x64xf32, #tpu.memory_space<vmem>> -> memref<128x64xf32, #tpu.memory_space<vmem>>
      %dma_start3A_285 = tpu.memref_slice %arg6[%mul3A_279] : memref<10240xi32, #tpu.memory_space<vmem>> -> memref<128xi32, #tpu.memory_space<vmem>>
      %dma_start3A_286 = arith.constant 0 : i32
      %dma_start3A_287 = arith.constant 0 : i32
      %dma_start3A_288 = tpu.memref_slice %arg9[%dma_start3A_286, %dma_start3A_287] : memref<10640x64xf32, #tpu.memory_space<vmem_shared>> -> memref<10640x64xf32, #tpu.memory_space<vmem_shared>>
      tpu.enqueue_indirect_dma source(%dma_start3A_284 : memref<128x64xf32, #tpu.memory_space<vmem>>) target(%dma_start3A_288 : memref<10640x64xf32, #tpu.memory_space<vmem_shared>>) offsets(%dma_start3A_285 : memref<128xi32, #tpu.memory_space<vmem>>) semaphore(%arg19 : memref<!tpu.dma_semaphore, #tpu.memory_space<semaphore_mem>>) {add = true}
    }
    %scan3A_47 = arith.constant 16 : i32
    %dma_wait3A = arith.constant 0 : i32
    %dma_wait3A_48 = arith.constant 0 : i32
    %dma_wait3A_49 = arith.constant 0 : i32
    %dma_wait3A_50 = tpu.memref_slice %arg7[%dma_wait3A, %dma_wait3A_48, %dma_wait3A_49] : memref<5x128x64xf32, #tpu.memory_space<vmem>> -> memref<1x128x64xf32, #tpu.memory_space<vmem>>
    %dma_wait3A_51 = tpu.memref_squeeze %dma_wait3A_50 : memref<1x128x64xf32, #tpu.memory_space<vmem>> -> memref<128x64xf32, #tpu.memory_space<vmem>>
    %dma_wait3A_52 = arith.constant 0 : i32
    %dma_wait3A_53 = tpu.memref_slice %arg6[%dma_wait3A_52] : memref<10240xi32, #tpu.memory_space<vmem>> -> memref<128xi32, #tpu.memory_space<vmem>>
    %dma_wait3A_54 = arith.constant 0 : i32
    %dma_wait3A_55 = arith.constant 0 : i32
    %dma_wait3A_56 = tpu.memref_slice %arg9[%dma_wait3A_54, %dma_wait3A_55] : memref<10640x64xf32, #tpu.memory_space<vmem_shared>> -> memref<10640x64xf32, #tpu.memory_space<vmem_shared>>
    tpu.wait_indirect_dma semaphore(%arg15 : memref<!tpu.dma_semaphore, #tpu.memory_space<semaphore_mem>>) src(%dma_wait3A_51 : memref<128x64xf32, #tpu.memory_space<vmem>>) dst(%dma_wait3A_56 : memref<10640x64xf32, #tpu.memory_space<vmem_shared>>)
    %dma_wait3A_57 = arith.constant 1 : i32
    %dma_wait3A_58 = arith.constant 0 : i32
    %dma_wait3A_59 = arith.constant 0 : i32
    %dma_wait3A_60 = tpu.memref_slice %arg7[%dma_wait3A_57, %dma_wait3A_58, %dma_wait3A_59] : memref<5x128x64xf32, #tpu.memory_space<vmem>> -> memref<1x128x64xf32, #tpu.memory_space<vmem>>
    %dma_wait3A_61 = tpu.memref_squeeze %dma_wait3A_60 : memref<1x128x64xf32, #tpu.memory_space<vmem>> -> memref<128x64xf32, #tpu.memory_space<vmem>>
    %dma_wait3A_62 = arith.constant 128 : i32
    %dma_wait3A_63 = tpu.memref_slice %arg6[%dma_wait3A_62] : memref<10240xi32, #tpu.memory_space<vmem>> -> memref<128xi32, #tpu.memory_space<vmem>>
    %dma_wait3A_64 = arith.constant 0 : i32
    %dma_wait3A_65 = arith.constant 0 : i32
    %dma_wait3A_66 = tpu.memref_slice %arg9[%dma_wait3A_64, %dma_wait3A_65] : memref<10640x64xf32, #tpu.memory_space<vmem_shared>> -> memref<10640x64xf32, #tpu.memory_space<vmem_shared>>
    tpu.wait_indirect_dma semaphore(%arg16 : memref<!tpu.dma_semaphore, #tpu.memory_space<semaphore_mem>>) src(%dma_wait3A_61 : memref<128x64xf32, #tpu.memory_space<vmem>>) dst(%dma_wait3A_66 : memref<10640x64xf32, #tpu.memory_space<vmem_shared>>)
    %dma_wait3A_67 = arith.constant 2 : i32
    %dma_wait3A_68 = arith.constant 0 : i32
    %dma_wait3A_69 = arith.constant 0 : i32
    %dma_wait3A_70 = tpu.memref_slice %arg7[%dma_wait3A_67, %dma_wait3A_68, %dma_wait3A_69] : memref<5x128x64xf32, #tpu.memory_space<vmem>> -> memref<1x128x64xf32, #tpu.memory_space<vmem>>
    %dma_wait3A_71 = tpu.memref_squeeze %dma_wait3A_70 : memref<1x128x64xf32, #tpu.memory_space<vmem>> -> memref<128x64xf32, #tpu.memory_space<vmem>>
    %dma_wait3A_72 = arith.constant 256 : i32
    %dma_wait3A_73 = tpu.memref_slice %arg6[%dma_wait3A_72] : memref<10240xi32, #tpu.memory_space<vmem>> -> memref<128xi32, #tpu.memory_space<vmem>>
    %dma_wait3A_74 = arith.constant 0 : i32
    %dma_wait3A_75 = arith.constant 0 : i32
    %dma_wait3A_76 = tpu.memref_slice %arg9[%dma_wait3A_74, %dma_wait3A_75] : memref<10640x64xf32, #tpu.memory_space<vmem_shared>> -> memref<10640x64xf32, #tpu.memory_space<vmem_shared>>
    tpu.wait_indirect_dma semaphore(%arg17 : memref<!tpu.dma_semaphore, #tpu.memory_space<semaphore_mem>>) src(%dma_wait3A_71 : memref<128x64xf32, #tpu.memory_space<vmem>>) dst(%dma_wait3A_76 : memref<10640x64xf32, #tpu.memory_space<vmem_shared>>)
    %dma_wait3A_77 = arith.constant 3 : i32
    %dma_wait3A_78 = arith.constant 0 : i32
    %dma_wait3A_79 = arith.constant 0 : i32
    %dma_wait3A_80 = tpu.memref_slice %arg7[%dma_wait3A_77, %dma_wait3A_78, %dma_wait3A_79] : memref<5x128x64xf32, #tpu.memory_space<vmem>> -> memref<1x128x64xf32, #tpu.memory_space<vmem>>
    %dma_wait3A_81 = tpu.memref_squeeze %dma_wait3A_80 : memref<1x128x64xf32, #tpu.memory_space<vmem>> -> memref<128x64xf32, #tpu.memory_space<vmem>>
    %dma_wait3A_82 = arith.constant 384 : i32
    %dma_wait3A_83 = tpu.memref_slice %arg6[%dma_wait3A_82] : memref<10240xi32, #tpu.memory_space<vmem>> -> memref<128xi32, #tpu.memory_space<vmem>>
    %dma_wait3A_84 = arith.constant 0 : i32
    %dma_wait3A_85 = arith.constant 0 : i32
    %dma_wait3A_86 = tpu.memref_slice %arg9[%dma_wait3A_84, %dma_wait3A_85] : memref<10640x64xf32, #tpu.memory_space<vmem_shared>> -> memref<10640x64xf32, #tpu.memory_space<vmem_shared>>
    tpu.wait_indirect_dma semaphore(%arg18 : memref<!tpu.dma_semaphore, #tpu.memory_space<semaphore_mem>>) src(%dma_wait3A_81 : memref<128x64xf32, #tpu.memory_space<vmem>>) dst(%dma_wait3A_86 : memref<10640x64xf32, #tpu.memory_space<vmem_shared>>)
    %dma_wait3A_87 = arith.constant 4 : i32
    %dma_wait3A_88 = arith.constant 0 : i32
    %dma_wait3A_89 = arith.constant 0 : i32
    %dma_wait3A_90 = tpu.memref_slice %arg7[%dma_wait3A_87, %dma_wait3A_88, %dma_wait3A_89] : memref<5x128x64xf32, #tpu.memory_space<vmem>> -> memref<1x128x64xf32, #tpu.memory_space<vmem>>
    %dma_wait3A_91 = tpu.memref_squeeze %dma_wait3A_90 : memref<1x128x64xf32, #tpu.memory_space<vmem>> -> memref<128x64xf32, #tpu.memory_space<vmem>>
    %dma_wait3A_92 = arith.constant 512 : i32
    %dma_wait3A_93 = tpu.memref_slice %arg6[%dma_wait3A_92] : memref<10240xi32, #tpu.memory_space<vmem>> -> memref<128xi32, #tpu.memory_space<vmem>>
    %dma_wait3A_94 = arith.constant 0 : i32
    %dma_wait3A_95 = arith.constant 0 : i32
    %dma_wait3A_96 = tpu.memref_slice %arg9[%dma_wait3A_94, %dma_wait3A_95] : memref<10640x64xf32, #tpu.memory_space<vmem_shared>> -> memref<10640x64xf32, #tpu.memory_space<vmem_shared>>
    tpu.wait_indirect_dma semaphore(%arg19 : memref<!tpu.dma_semaphore, #tpu.memory_space<semaphore_mem>>) src(%dma_wait3A_91 : memref<128x64xf32, #tpu.memory_space<vmem>>) dst(%dma_wait3A_96 : memref<10640x64xf32, #tpu.memory_space<vmem_shared>>)
    %barrier3A_97 = arith.constant 0 : index
    tpu.barrier barrier_id(%barrier3A_97)
    %lt3A_98 = arith.constant 15 : i32
    %lt3A_99 = arith.cmpi slt, %arg1, %lt3A_98 : i32
    %convert_element_type3A_100 = arith.extui %lt3A_99 : i1 to i32
    %cond3A_101 = arith.constant 0 : i32
    %cond3A_102 = arith.cmpi ne, %convert_element_type3A_100, %cond3A_101 : i32
    scf.if %cond3A_102 {
      %mul3A_108 = arith.constant 624 : i32
      %mul3A_109 = arith.muli %arg1, %mul3A_108 : i32
      %mul3A_110 = arith.constant 624 : i32
      %mul3A_111 = arith.muli %arg1, %mul3A_110 : i32
      "tpu.region"() ({
        %run_scoped3A = tpu.sem_alloc : memref<!tpu.dma_semaphore, #tpu.memory_space<semaphore_mem>>
        %dma_start3A = arith.constant 0 : i32
        %dma_start3A_112 = tpu.memref_slice %arg4[%arg0, %mul3A_111, %dma_start3A] : memref<2x10000x128xf32, #tpu.memory_space<hbm>> -> memref<1x624x64xf32, #tpu.memory_space<hbm>>
        %dma_start3A_113 = tpu.memref_squeeze %dma_start3A_112 : memref<1x624x64xf32, #tpu.memory_space<hbm>> -> memref<624x64xf32, #tpu.memory_space<hbm>>
        %dma_start3A_114 = arith.constant 0 : i32
        %dma_start3A_115 = tpu.memref_slice %arg9[%mul3A_109, %dma_start3A_114] : memref<10640x64xf32, #tpu.memory_space<vmem_shared>> -> memref<624x64xf32, #tpu.memory_space<vmem_shared>>
        tpu.enqueue_dma source(%dma_start3A_115 : memref<624x64xf32, #tpu.memory_space<vmem_shared>>) target(%dma_start3A_113 : memref<624x64xf32, #tpu.memory_space<hbm>>) target_semaphore(%run_scoped3A : memref<!tpu.dma_semaphore, #tpu.memory_space<semaphore_mem>>)
        %dma_wait3A_116 = arith.constant 0 : i32
        %dma_wait3A_117 = tpu.memref_slice %arg4[%arg0, %mul3A_111, %dma_wait3A_116] : memref<2x10000x128xf32, #tpu.memory_space<hbm>> -> memref<1x624x64xf32, #tpu.memory_space<hbm>>
        %dma_wait3A_118 = tpu.memref_squeeze %dma_wait3A_117 : memref<1x624x64xf32, #tpu.memory_space<hbm>> -> memref<624x64xf32, #tpu.memory_space<hbm>>
        %dma_wait3A_119 = arith.constant 0 : i32
        %dma_wait3A_120 = tpu.memref_slice %arg9[%mul3A_109, %dma_wait3A_119] : memref<10640x64xf32, #tpu.memory_space<vmem_shared>> -> memref<624x64xf32, #tpu.memory_space<vmem_shared>>
        tpu.wait_dma2 semaphore(%run_scoped3A : memref<!tpu.dma_semaphore, #tpu.memory_space<semaphore_mem>>) src(%dma_wait3A_120 : memref<624x64xf32, #tpu.memory_space<vmem_shared>>) dst(%dma_wait3A_118 : memref<624x64xf32, #tpu.memory_space<hbm>>)
        tpu.yield
      }) : () -> ()
    } else {
    }
    %eq3A_103 = arith.constant 15 : i32
    %eq3A_104 = arith.cmpi eq, %arg1, %eq3A_103 : i32
    %convert_element_type3A_105 = arith.extui %eq3A_104 : i1 to i32
    %cond3A_106 = arith.constant 0 : i32
    %cond3A_107 = arith.cmpi ne, %convert_element_type3A_105, %cond3A_106 : i32
    scf.if %cond3A_107 {
      "tpu.region"() ({
        %run_scoped3A = tpu.sem_alloc : memref<!tpu.dma_semaphore, #tpu.memory_space<semaphore_mem>>
        %dma_start3A = arith.constant 9360 : i32
        %dma_start3A_108 = arith.constant 0 : i32
        %dma_start3A_109 = tpu.memref_slice %arg4[%arg0, %dma_start3A, %dma_start3A_108] : memref<2x10000x128xf32, #tpu.memory_space<hbm>> -> memref<1x640x64xf32, #tpu.memory_space<hbm>>
        %dma_start3A_110 = tpu.memref_squeeze %dma_start3A_109 : memref<1x640x64xf32, #tpu.memory_space<hbm>> -> memref<640x64xf32, #tpu.memory_space<hbm>>
        %dma_start3A_111 = arith.constant 9360 : i32
        %dma_start3A_112 = arith.constant 0 : i32
        %dma_start3A_113 = tpu.memref_slice %arg9[%dma_start3A_111, %dma_start3A_112] : memref<10640x64xf32, #tpu.memory_space<vmem_shared>> -> memref<640x64xf32, #tpu.memory_space<vmem_shared>>
        tpu.enqueue_dma source(%dma_start3A_113 : memref<640x64xf32, #tpu.memory_space<vmem_shared>>) target(%dma_start3A_110 : memref<640x64xf32, #tpu.memory_space<hbm>>) target_semaphore(%run_scoped3A : memref<!tpu.dma_semaphore, #tpu.memory_space<semaphore_mem>>)
        %dma_wait3A_114 = arith.constant 9360 : i32
        %dma_wait3A_115 = arith.constant 0 : i32
        %dma_wait3A_116 = tpu.memref_slice %arg4[%arg0, %dma_wait3A_114, %dma_wait3A_115] : memref<2x10000x128xf32, #tpu.memory_space<hbm>> -> memref<1x640x64xf32, #tpu.memory_space<hbm>>
        %dma_wait3A_117 = tpu.memref_squeeze %dma_wait3A_116 : memref<1x640x64xf32, #tpu.memory_space<hbm>> -> memref<640x64xf32, #tpu.memory_space<hbm>>
        %dma_wait3A_118 = arith.constant 9360 : i32
        %dma_wait3A_119 = arith.constant 0 : i32
        %dma_wait3A_120 = tpu.memref_slice %arg9[%dma_wait3A_118, %dma_wait3A_119] : memref<10640x64xf32, #tpu.memory_space<vmem_shared>> -> memref<640x64xf32, #tpu.memory_space<vmem_shared>>
        tpu.wait_dma2 semaphore(%run_scoped3A : memref<!tpu.dma_semaphore, #tpu.memory_space<semaphore_mem>>) src(%dma_wait3A_120 : memref<640x64xf32, #tpu.memory_space<vmem_shared>>) dst(%dma_wait3A_117 : memref<640x64xf32, #tpu.memory_space<hbm>>)
        tpu.yield
      }) : () -> ()
    } else {
    }
    return
  }
}

#map = affine_map<(d0, d1) -> (0, 0)>
#map1 = affine_map<(d0, d1) -> (0, 0, 0)>
module attributes {stable_mosaic.version = 14 : i64} {
  func.func @run(%arg0: i32, %arg1: i32, %arg2: memref<20000x64xf32, #tpu.memory_space<hbm>>, %arg3: memref<2x320000xi32, #tpu.memory_space<hbm>>, %arg4: memref<2x10000x128xf32, #tpu.memory_space<hbm>>, %arg5: memref<10240xi32, #tpu.memory_space<vmem>>, %arg6: memref<10240xi32, #tpu.memory_space<vmem>>, %arg7: memref<5x128x64xf32, #tpu.memory_space<vmem>>, %arg8: memref<340x64xf32, #tpu.memory_space<vmem>>, %arg9: memref<10640x64xf32, #tpu.memory_space<vmem_shared>>, %arg10: memref<!tpu.dma_semaphore, #tpu.memory_space<semaphore_mem>>, %arg11: memref<!tpu.dma_semaphore, #tpu.memory_space<semaphore_mem>>, %arg12: memref<!tpu.dma_semaphore, #tpu.memory_space<semaphore_mem>>, %arg13: memref<!tpu.dma_semaphore, #tpu.memory_space<semaphore_mem>>, %arg14: memref<!tpu.dma_semaphore, #tpu.memory_space<semaphore_mem>>, %arg15: memref<!tpu.dma_semaphore, #tpu.memory_space<semaphore_mem>>, %arg16: memref<!tpu.dma_semaphore, #tpu.memory_space<semaphore_mem>>, %arg17: memref<!tpu.dma_semaphore, #tpu.memory_space<semaphore_mem>>, %arg18: memref<!tpu.dma_semaphore, #tpu.memory_space<semaphore_mem>>, %arg19: memref<!tpu.dma_semaphore, #tpu.memory_space<semaphore_mem>>, %arg20: memref<!tpu.dma_semaphore, #tpu.memory_space<semaphore_mem>>, %arg21: memref<!tpu.dma_semaphore, #tpu.memory_space<semaphore_mem>>) attributes {dimension_semantics = [#tpu.dimension_semantics<core_parallel>, #tpu.dimension_semantics<subcore_parallel>], iteration_bounds = array<i64: 2, 16>, scalar_prefetch = 0 : i64, scratch_operands = 17 : i64, tpu.core_type = #tpu.core_type<sc_vector_subcore>, window_params = [{transform_indices = #map}, {transform_indices = #map}, {transform_indices = #map1}]} {
    %mul3A = arith.constant 16 : i32
    %mul3A_0 = arith.muli %arg0, %mul3A : i32
    %add3A = arith.addi %mul3A_0, %arg1 : i32
    %mul3A_1 = arith.constant 80 : i32
    %mul3A_2 = arith.muli %add3A, %mul3A_1 : i32
    %lt3A = arith.constant 31 : i32
    %lt3A_3 = arith.cmpi slt, %add3A, %lt3A : i32
    %convert_element_type3A = arith.extui %lt3A_3 : i1 to i32
    %cond3A = arith.constant 0 : i32
    %cond3A_4 = arith.cmpi ne, %convert_element_type3A, %cond3A : i32
    scf.if %cond3A_4 {
      %mul3A_108 = arith.constant 128 : i32
      %mul3A_109 = arith.muli %mul3A_2, %mul3A_108 : i32
      %dma_start3A = arith.constant 0 : i32
      %dma_start3A_110 = tpu.memref_slice %arg3[%dma_start3A, %mul3A_109] : memref<2x320000xi32, #tpu.memory_space<hbm>> -> memref<1x10240xi32, #tpu.memory_space<hbm>>
      %dma_start3A_111 = tpu.memref_squeeze %dma_start3A_110 : memref<1x10240xi32, #tpu.memory_space<hbm>> -> memref<10240xi32, #tpu.memory_space<hbm>>
      %dma_start3A_112 = tpu.memref_slice %arg3[%dma_start3A, %mul3A_109] : memref<2x320000xi32, #tpu.memory_space<hbm>> -> memref<1x10240xi32, #tpu.memory_space<hbm>>
      %dma_start3A_113 = tpu.memref_squeeze %dma_start3A_112 : memref<1x10240xi32, #tpu.memory_space<hbm>> -> memref<10240xi32, #tpu.memory_space<hbm>>
      tpu.enqueue_dma source(%dma_start3A_113 : memref<10240xi32, #tpu.memory_space<hbm>>) target(%arg5 : memref<10240xi32, #tpu.memory_space<vmem>>) target_semaphore(%arg20 : memref<!tpu.dma_semaphore, #tpu.memory_space<semaphore_mem>>)
      %mul3A_114 = arith.constant 128 : i32
      %mul3A_115 = arith.muli %mul3A_2, %mul3A_114 : i32
      %dma_start3A_116 = arith.constant 1 : i32
      %dma_start3A_117 = tpu.memref_slice %arg3[%dma_start3A_116, %mul3A_115] : memref<2x320000xi32, #tpu.memory_space<hbm>> -> memref<1x10240xi32, #tpu.memory_space<hbm>>
      %dma_start3A_118 = tpu.memref_squeeze %dma_start3A_117 : memref<1x10240xi32, #tpu.memory_space<hbm>> -> memref<10240xi32, #tpu.memory_space<hbm>>
      %dma_start3A_119 = tpu.memref_slice %arg3[%dma_start3A_116, %mul3A_115] : memref<2x320000xi32, #tpu.memory_space<hbm>> -> memref<1x10240xi32, #tpu.memory_space<hbm>>
      %dma_start3A_120 = tpu.memref_squeeze %dma_start3A_119 : memref<1x10240xi32, #tpu.memory_space<hbm>> -> memref<10240xi32, #tpu.memory_space<hbm>>
      tpu.enqueue_dma source(%dma_start3A_120 : memref<10240xi32, #tpu.memory_space<hbm>>) target(%arg6 : memref<10240xi32, #tpu.memory_space<vmem>>) target_semaphore(%arg21 : memref<!tpu.dma_semaphore, #tpu.memory_space<semaphore_mem>>)
    } else {
    }
    %eq3A = arith.constant 31 : i32
    %eq3A_5 = arith.cmpi eq, %add3A, %eq3A : i32
    %convert_element_type3A_6 = arith.extui %eq3A_5 : i1 to i32
    %cond3A_7 = arith.constant 0 : i32
    %cond3A_8 = arith.cmpi ne, %convert_element_type3A_6, %cond3A_7 : i32
    scf.if %cond3A_8 {
      %mul3A_108 = arith.constant 128 : i32
      %mul3A_109 = arith.muli %mul3A_2, %mul3A_108 : i32
      %dma_start3A = arith.constant 0 : i32
      %dma_start3A_110 = arith.constant 0 : i32
      %dma_start3A_111 = tpu.memref_slice %arg5[%dma_start3A_110] : memref<10240xi32, #tpu.memory_space<vmem>> -> memref<2560xi32, #tpu.memory_space<vmem>>
      %dma_start3A_112 = tpu.memref_slice %arg3[%dma_start3A, %mul3A_109] : memref<2x320000xi32, #tpu.memory_space<hbm>> -> memref<1x2560xi32, #tpu.memory_space<hbm>>
      %dma_start3A_113 = tpu.memref_squeeze %dma_start3A_112 : memref<1x2560xi32, #tpu.memory_space<hbm>> -> memref<2560xi32, #tpu.memory_space<hbm>>
      %dma_start3A_114 = arith.constant 0 : i32
      %dma_start3A_115 = tpu.memref_slice %arg5[%dma_start3A_114] : memref<10240xi32, #tpu.memory_space<vmem>> -> memref<2560xi32, #tpu.memory_space<vmem>>
      %dma_start3A_116 = tpu.memref_slice %arg3[%dma_start3A, %mul3A_109] : memref<2x320000xi32, #tpu.memory_space<hbm>> -> memref<1x2560xi32, #tpu.memory_space<hbm>>
      %dma_start3A_117 = tpu.memref_squeeze %dma_start3A_116 : memref<1x2560xi32, #tpu.memory_space<hbm>> -> memref<2560xi32, #tpu.memory_space<hbm>>
      tpu.enqueue_dma source(%dma_start3A_117 : memref<2560xi32, #tpu.memory_space<hbm>>) target(%dma_start3A_115 : memref<2560xi32, #tpu.memory_space<vmem>>) target_semaphore(%arg20 : memref<!tpu.dma_semaphore, #tpu.memory_space<semaphore_mem>>)
      %mul3A_118 = arith.constant 128 : i32
      %mul3A_119 = arith.muli %mul3A_2, %mul3A_118 : i32
      %dma_start3A_120 = arith.constant 1 : i32
      %dma_start3A_121 = arith.constant 0 : i32
      %dma_start3A_122 = tpu.memref_slice %arg6[%dma_start3A_121] : memref<10240xi32, #tpu.memory_space<vmem>> -> memref<2560xi32, #tpu.memory_space<vmem>>
      %dma_start3A_123 = tpu.memref_slice %arg3[%dma_start3A_120, %mul3A_119] : memref<2x320000xi32, #tpu.memory_space<hbm>> -> memref<1x2560xi32, #tpu.memory_space<hbm>>
      %dma_start3A_124 = tpu.memref_squeeze %dma_start3A_123 : memref<1x2560xi32, #tpu.memory_space<hbm>> -> memref<2560xi32, #tpu.memory_space<hbm>>
      %dma_start3A_125 = arith.constant 0 : i32
      %dma_start3A_126 = tpu.memref_slice %arg6[%dma_start3A_125] : memref<10240xi32, #tpu.memory_space<vmem>> -> memref<2560xi32, #tpu.memory_space<vmem>>
      %dma_start3A_127 = tpu.memref_slice %arg3[%dma_start3A_120, %mul3A_119] : memref<2x320000xi32, #tpu.memory_space<hbm>> -> memref<1x2560xi32, #tpu.memory_space<hbm>>
      %dma_start3A_128 = tpu.memref_squeeze %dma_start3A_127 : memref<1x2560xi32, #tpu.memory_space<hbm>> -> memref<2560xi32, #tpu.memory_space<hbm>>
      tpu.enqueue_dma source(%dma_start3A_128 : memref<2560xi32, #tpu.memory_space<hbm>>) target(%dma_start3A_126 : memref<2560xi32, #tpu.memory_space<vmem>>) target_semaphore(%arg21 : memref<!tpu.dma_semaphore, #tpu.memory_space<semaphore_mem>>)
    } else {
    }
    %broadcast_in_dim3A = arith.constant 0.000000e+00 : f32
    %broadcast_in_dim3A_9 = vector.broadcast %broadcast_in_dim3A : f32 to vector<16xf32>
    %scan3A = arith.constant 0 : i32
    %scan3A_10 = arith.constant 0 : i32
    %scan3A_11 = arith.constant 340 : i32
    %scan3A_12 = arith.addi %scan3A_10, %scan3A_11 : i32
    %scan3A_13 = arith.constant 1 : i32
    scf.for %scan3A_108 = %scan3A_10 to %scan3A_12 step %scan3A_13  : i32 {
      %swap3A = arith.index_cast %scan3A_108 : i32 to index
      %swap3A_109 = arith.constant 0 : index
      %swap3A_110 = tpu.vector_load %arg8[%swap3A, %swap3A_109] {strides = array<i32>} : memref<340x64xf32, #tpu.memory_space<vmem>>, vector<1x16xf32>,
      %swap3A_111 = vector.shape_cast %swap3A_110 : vector<1x16xf32> to vector<16xf32>
      %swap3A_112 = vector.shape_cast %broadcast_in_dim3A_9 : vector<16xf32> to vector<1x16xf32>
      tpu.vector_store %arg8[%swap3A, %swap3A_109], %swap3A_112 {strides = array<i32>} : memref<340x64xf32, #tpu.memory_space<vmem>>, vector<1x16xf32>,
      %swap3A_113 = arith.index_cast %scan3A_108 : i32 to index
      %swap3A_114 = arith.constant 16 : index
      %swap3A_115 = tpu.vector_load %arg8[%swap3A_113, %swap3A_114] {strides = array<i32>} : memref<340x64xf32, #tpu.memory_space<vmem>>, vector<1x16xf32>,
      %swap3A_116 = vector.shape_cast %swap3A_115 : vector<1x16xf32> to vector<16xf32>
      %swap3A_117 = vector.shape_cast %broadcast_in_dim3A_9 : vector<16xf32> to vector<1x16xf32>
      tpu.vector_store %arg8[%swap3A_113, %swap3A_114], %swap3A_117 {strides = array<i32>} : memref<340x64xf32, #tpu.memory_space<vmem>>, vector<1x16xf32>,
      %swap3A_118 = arith.index_cast %scan3A_108 : i32 to index
      %swap3A_119 = arith.constant 32 : index
      %swap3A_120 = tpu.vector_load %arg8[%swap3A_118, %swap3A_119] {strides = array<i32>} : memref<340x64xf32, #tpu.memory_space<vmem>>, vector<1x16xf32>,
      %swap3A_121 = vector.shape_cast %swap3A_120 : vector<1x16xf32> to vector<16xf32>
      %swap3A_122 = vector.shape_cast %broadcast_in_dim3A_9 : vector<16xf32> to vector<1x16xf32>
      tpu.vector_store %arg8[%swap3A_118, %swap3A_119], %swap3A_122 {strides = array<i32>} : memref<340x64xf32, #tpu.memory_space<vmem>>, vector<1x16xf32>,
      %swap3A_123 = arith.index_cast %scan3A_108 : i32 to index
      %swap3A_124 = arith.constant 48 : index
      %swap3A_125 = tpu.vector_load %arg8[%swap3A_123, %swap3A_124] {strides = array<i32>} : memref<340x64xf32, #tpu.memory_space<vmem>>, vector<1x16xf32>,
      %swap3A_126 = vector.shape_cast %swap3A_125 : vector<1x16xf32> to vector<16xf32>
      %swap3A_127 = vector.shape_cast %broadcast_in_dim3A_9 : vector<16xf32> to vector<1x16xf32>
      tpu.vector_store %arg8[%swap3A_123, %swap3A_124], %swap3A_127 {strides = array<i32>} : memref<340x64xf32, #tpu.memory_space<vmem>>, vector<1x16xf32>,
    }
    %scan3A_14 = arith.constant 340 : i32
    %mul3A_15 = arith.constant 665 : i32
    %mul3A_16 = arith.muli %arg1, %mul3A_15 : i32
    "tpu.region"() ({
      %run_scoped3A = tpu.sem_alloc : memref<!tpu.dma_semaphore, #tpu.memory_space<semaphore_mem>>
      %dma_start3A = arith.constant 0 : i32
      %dma_start3A_108 = tpu.memref_slice %arg9[%mul3A_16, %dma_start3A] : memref<10640x64xf32, #tpu.memory_space<vmem_shared>> -> memref<340x64xf32, #tpu.memory_space<vmem_shared>>
      %dma_start3A_109 = arith.constant 0 : i32
      %dma_start3A_110 = tpu.memref_slice %arg9[%mul3A_16, %dma_start3A_109] : memref<10640x64xf32, #tpu.memory_space<vmem_shared>> -> memref<340x64xf32, #tpu.memory_space<vmem_shared>>
      tpu.enqueue_dma source(%arg8 : memref<340x64xf32, #tpu.memory_space<vmem>>) target(%dma_start3A_110 : memref<340x64xf32, #tpu.memory_space<vmem_shared>>) target_semaphore(%run_scoped3A : memref<!tpu.dma_semaphore, #tpu.memory_space<semaphore_mem>>)
      %dma_wait3A_111 = arith.constant 0 : i32
      %dma_wait3A_112 = tpu.memref_slice %arg9[%mul3A_16, %dma_wait3A_111] : memref<10640x64xf32, #tpu.memory_space<vmem_shared>> -> memref<340x64xf32, #tpu.memory_space<vmem_shared>>
      %dma_wait3A_113 = arith.constant 0 : i32
      %dma_wait3A_114 = tpu.memref_slice %arg9[%mul3A_16, %dma_wait3A_113] : memref<10640x64xf32, #tpu.memory_space<vmem_shared>> -> memref<340x64xf32, #tpu.memory_space<vmem_shared>>
      tpu.wait_dma2 semaphore(%run_scoped3A : memref<!tpu.dma_semaphore, #tpu.memory_space<semaphore_mem>>) src(%arg8 : memref<340x64xf32, #tpu.memory_space<vmem>>) dst(%dma_wait3A_114 : memref<340x64xf32, #tpu.memory_space<vmem_shared>>)
      tpu.yield
    }) : () -> ()
    %mul3A_17 = arith.constant 665 : i32
    %mul3A_18 = arith.muli %arg1, %mul3A_17 : i32
    %add3A_19 = arith.constant 340 : i32
    %add3A_20 = arith.addi %mul3A_18, %add3A_19 : i32
    "tpu.region"() ({
      %run_scoped3A = tpu.sem_alloc : memref<!tpu.dma_semaphore, #tpu.memory_space<semaphore_mem>>
      %dma_start3A = arith.constant 0 : i32
      %dma_start3A_108 = arith.constant 0 : i32
      %dma_start3A_109 = tpu.memref_slice %arg8[%dma_start3A, %dma_start3A_108] : memref<340x64xf32, #tpu.memory_space<vmem>> -> memref<325x64xf32, #tpu.memory_space<vmem>>
      %dma_start3A_110 = arith.constant 0 : i32
      %dma_start3A_111 = tpu.memref_slice %arg9[%add3A_20, %dma_start3A_110] : memref<10640x64xf32, #tpu.memory_space<vmem_shared>> -> memref<325x64xf32, #tpu.memory_space<vmem_shared>>
      %dma_start3A_112 = arith.constant 0 : i32
      %dma_start3A_113 = tpu.memref_slice %arg9[%add3A_20, %dma_start3A_112] : memref<10640x64xf32, #tpu.memory_space<vmem_shared>> -> memref<325x64xf32, #tpu.memory_space<vmem_shared>>
      %dma_start3A_114 = arith.constant 0 : i32
      %dma_start3A_115 = arith.constant 0 : i32
      %dma_start3A_116 = tpu.memref_slice %arg8[%dma_start3A_114, %dma_start3A_115] : memref<340x64xf32, #tpu.memory_space<vmem>> -> memref<325x64xf32, #tpu.memory_space<vmem>>
      tpu.enqueue_dma source(%dma_start3A_116 : memref<325x64xf32, #tpu.memory_space<vmem>>) target(%dma_start3A_113 : memref<325x64xf32, #tpu.memory_space<vmem_shared>>) target_semaphore(%run_scoped3A : memref<!tpu.dma_semaphore, #tpu.memory_space<semaphore_mem>>)
      %dma_wait3A_117 = arith.constant 0 : i32
      %dma_wait3A_118 = arith.constant 0 : i32
      %dma_wait3A_119 = tpu.memref_slice %arg8[%dma_wait3A_117, %dma_wait3A_118] : memref<340x64xf32, #tpu.memory_space<vmem>> -> memref<325x64xf32, #tpu.memory_space<vmem>>
      %dma_wait3A_120 = arith.constant 0 : i32
      %dma_wait3A_121 = tpu.memref_slice %arg9[%add3A_20, %dma_wait3A_120] : memref<10640x64xf32, #tpu.memory_space<vmem_shared>> -> memref<325x64xf32, #tpu.memory_space<vmem_shared>>
      %dma_wait3A_122 = arith.constant 0 : i32
      %dma_wait3A_123 = tpu.memref_slice %arg9[%add3A_20, %dma_wait3A_122] : memref<10640x64xf32, #tpu.memory_space<vmem_shared>> -> memref<325x64xf32, #tpu.memory_space<vmem_shared>>
      %dma_wait3A_124 = arith.constant 0 : i32
      %dma_wait3A_125 = arith.constant 0 : i32
      %dma_wait3A_126 = tpu.memref_slice %arg8[%dma_wait3A_124, %dma_wait3A_125] : memref<340x64xf32, #tpu.memory_space<vmem>> -> memref<325x64xf32, #tpu.memory_space<vmem>>
      tpu.wait_dma2 semaphore(%run_scoped3A : memref<!tpu.dma_semaphore, #tpu.memory_space<semaphore_mem>>) src(%dma_wait3A_126 : memref<325x64xf32, #tpu.memory_space<vmem>>) dst(%dma_wait3A_123 : memref<325x64xf32, #tpu.memory_space<vmem_shared>>)
      tpu.yield
    }) : () -> ()
    %lt3A_21 = arith.constant 31 : i32
    %lt3A_22 = arith.cmpi slt, %add3A, %lt3A_21 : i32
    %convert_element_type3A_23 = arith.extui %lt3A_22 : i1 to i32
    %cond3A_24 = arith.constant 0 : i32
    %cond3A_25 = arith.cmpi ne, %convert_element_type3A_23, %cond3A_24 : i32
    scf.if %cond3A_25 {
      %mul3A_108 = arith.constant 128 : i32
      %mul3A_109 = arith.muli %mul3A_2, %mul3A_108 : i32
      %dma_wait3A_110 = arith.constant 0 : i32
      %dma_wait3A_111 = tpu.memref_slice %arg3[%dma_wait3A_110, %mul3A_109] : memref<2x320000xi32, #tpu.memory_space<hbm>> -> memref<1x10240xi32, #tpu.memory_space<hbm>>
      %dma_wait3A_112 = tpu.memref_squeeze %dma_wait3A_111 : memref<1x10240xi32, #tpu.memory_space<hbm>> -> memref<10240xi32, #tpu.memory_space<hbm>>
      %dma_wait3A_113 = tpu.memref_slice %arg3[%dma_wait3A_110, %mul3A_109] : memref<2x320000xi32, #tpu.memory_space<hbm>> -> memref<1x10240xi32, #tpu.memory_space<hbm>>
      %dma_wait3A_114 = tpu.memref_squeeze %dma_wait3A_113 : memref<1x10240xi32, #tpu.memory_space<hbm>> -> memref<10240xi32, #tpu.memory_space<hbm>>
      tpu.wait_dma2 semaphore(%arg20 : memref<!tpu.dma_semaphore, #tpu.memory_space<semaphore_mem>>) src(%dma_wait3A_114 : memref<10240xi32, #tpu.memory_space<hbm>>) dst(%arg5 : memref<10240xi32, #tpu.memory_space<vmem>>)
      %mul3A_115 = arith.constant 128 : i32
      %mul3A_116 = arith.muli %mul3A_2, %mul3A_115 : i32
      %dma_wait3A_117 = arith.constant 1 : i32
      %dma_wait3A_118 = tpu.memref_slice %arg3[%dma_wait3A_117, %mul3A_116] : memref<2x320000xi32, #tpu.memory_space<hbm>> -> memref<1x10240xi32, #tpu.memory_space<hbm>>
      %dma_wait3A_119 = tpu.memref_squeeze %dma_wait3A_118 : memref<1x10240xi32, #tpu.memory_space<hbm>> -> memref<10240xi32, #tpu.memory_space<hbm>>
      %dma_wait3A_120 = tpu.memref_slice %arg3[%dma_wait3A_117, %mul3A_116] : memref<2x320000xi32, #tpu.memory_space<hbm>> -> memref<1x10240xi32, #tpu.memory_space<hbm>>
      %dma_wait3A_121 = tpu.memref_squeeze %dma_wait3A_120 : memref<1x10240xi32, #tpu.memory_space<hbm>> -> memref<10240xi32, #tpu.memory_space<hbm>>
      tpu.wait_dma2 semaphore(%arg21 : memref<!tpu.dma_semaphore, #tpu.memory_space<semaphore_mem>>) src(%dma_wait3A_121 : memref<10240xi32, #tpu.memory_space<hbm>>) dst(%arg6 : memref<10240xi32, #tpu.memory_space<vmem>>)
    } else {
    }
    %eq3A_26 = arith.constant 31 : i32
    %eq3A_27 = arith.cmpi eq, %add3A, %eq3A_26 : i32
    %convert_element_type3A_28 = arith.extui %eq3A_27 : i1 to i32
    %cond3A_29 = arith.constant 0 : i32
    %cond3A_30 = arith.cmpi ne, %convert_element_type3A_28, %cond3A_29 : i32
    scf.if %cond3A_30 {
      %mul3A_108 = arith.constant 128 : i32
      %mul3A_109 = arith.muli %mul3A_2, %mul3A_108 : i32
      %dma_wait3A_110 = arith.constant 0 : i32
      %dma_wait3A_111 = arith.constant 0 : i32
      %dma_wait3A_112 = tpu.memref_slice %arg5[%dma_wait3A_111] : memref<10240xi32, #tpu.memory_space<vmem>> -> memref<2560xi32, #tpu.memory_space<vmem>>
      %dma_wait3A_113 = tpu.memref_slice %arg3[%dma_wait3A_110, %mul3A_109] : memref<2x320000xi32, #tpu.memory_space<hbm>> -> memref<1x2560xi32, #tpu.memory_space<hbm>>
      %dma_wait3A_114 = tpu.memref_squeeze %dma_wait3A_113 : memref<1x2560xi32, #tpu.memory_space<hbm>> -> memref<2560xi32, #tpu.memory_space<hbm>>
      %dma_wait3A_115 = arith.constant 0 : i32
      %dma_wait3A_116 = tpu.memref_slice %arg5[%dma_wait3A_115] : memref<10240xi32, #tpu.memory_space<vmem>> -> memref<2560xi32, #tpu.memory_space<vmem>>
      %dma_wait3A_117 = tpu.memref_slice %arg3[%dma_wait3A_110, %mul3A_109] : memref<2x320000xi32, #tpu.memory_space<hbm>> -> memref<1x2560xi32, #tpu.memory_space<hbm>>
      %dma_wait3A_118 = tpu.memref_squeeze %dma_wait3A_117 : memref<1x2560xi32, #tpu.memory_space<hbm>> -> memref<2560xi32, #tpu.memory_space<hbm>>
      tpu.wait_dma2 semaphore(%arg20 : memref<!tpu.dma_semaphore, #tpu.memory_space<semaphore_mem>>) src(%dma_wait3A_118 : memref<2560xi32, #tpu.memory_space<hbm>>) dst(%dma_wait3A_116 : memref<2560xi32, #tpu.memory_space<vmem>>)
      %mul3A_119 = arith.constant 128 : i32
      %mul3A_120 = arith.muli %mul3A_2, %mul3A_119 : i32
      %dma_wait3A_121 = arith.constant 1 : i32
      %dma_wait3A_122 = arith.constant 0 : i32
      %dma_wait3A_123 = tpu.memref_slice %arg6[%dma_wait3A_122] : memref<10240xi32, #tpu.memory_space<vmem>> -> memref<2560xi32, #tpu.memory_space<vmem>>
      %dma_wait3A_124 = tpu.memref_slice %arg3[%dma_wait3A_121, %mul3A_120] : memref<2x320000xi32, #tpu.memory_space<hbm>> -> memref<1x2560xi32, #tpu.memory_space<hbm>>
      %dma_wait3A_125 = tpu.memref_squeeze %dma_wait3A_124 : memref<1x2560xi32, #tpu.memory_space<hbm>> -> memref<2560xi32, #tpu.memory_space<hbm>>
      %dma_wait3A_126 = arith.constant 0 : i32
      %dma_wait3A_127 = tpu.memref_slice %arg6[%dma_wait3A_126] : memref<10240xi32, #tpu.memory_space<vmem>> -> memref<2560xi32, #tpu.memory_space<vmem>>
      %dma_wait3A_128 = tpu.memref_slice %arg3[%dma_wait3A_121, %mul3A_120] : memref<2x320000xi32, #tpu.memory_space<hbm>> -> memref<1x2560xi32, #tpu.memory_space<hbm>>
      %dma_wait3A_129 = tpu.memref_squeeze %dma_wait3A_128 : memref<1x2560xi32, #tpu.memory_space<hbm>> -> memref<2560xi32, #tpu.memory_space<hbm>>
      tpu.wait_dma2 semaphore(%arg21 : memref<!tpu.dma_semaphore, #tpu.memory_space<semaphore_mem>>) src(%dma_wait3A_129 : memref<2560xi32, #tpu.memory_space<hbm>>) dst(%dma_wait3A_127 : memref<2560xi32, #tpu.memory_space<vmem>>)
    } else {
    }
    %scan3A_31 = arith.constant 0 : i32
    %scan3A_32 = arith.constant 0 : i32
    %scan3A_33 = arith.constant 80 : i32
    %scan3A_34 = arith.addi %scan3A_32, %scan3A_33 : i32
    %scan3A_35 = arith.constant 1 : i32
    scf.for %scan3A_108 = %scan3A_32 to %scan3A_34 step %scan3A_35  : i32 {
      %add3A_109 = arith.addi %mul3A_2, %scan3A_108 : i32
      %ge3A = arith.constant 1250 : i32
      %ge3A_110 = arith.cmpi sge, %add3A_109, %ge3A : i32
      %jit3A = arith.constant 1 : i32
      %jit3A_111 = arith.constant 0 : i32
      %select_n3A = arith.select %ge3A_110, %jit3A, %jit3A_111 : i32
      %lt3A_112 = arith.constant 2500 : i32
      %lt3A_113 = arith.cmpi slt, %add3A_109, %lt3A_112 : i32
      %convert_element_type3A_114 = arith.extui %lt3A_113 : i1 to i32
      %cond3A_115 = arith.constant 0 : i32
      %cond3A_116 = arith.cmpi ne, %convert_element_type3A_114, %cond3A_115 : i32
      scf.if %cond3A_116 {
        %mul3A_117 = arith.constant 128 : i32
        %mul3A_118 = arith.muli %scan3A_108, %mul3A_117 : i32
        %add3A_119 = arith.constant 0 : i32
        %add3A_120 = arith.addi %mul3A_118, %add3A_119 : i32
        %get3A = arith.index_cast %add3A_120 : i32 to index
        %get3A_121 = tpu.vector_load %arg5[%get3A] {strides = array<i32>} : memref<10240xi32, #tpu.memory_space<vmem>>, vector<16xi32>,
        %get3A_122 = vector.shape_cast %get3A_121 : vector<16xi32> to vector<16xi32>
        %add3A_123 = arith.addi %get3A_122, %get3A_122 : vector<16xi32>
        %add3A_124 = vector.broadcast %select_n3A : i32 to vector<16xi32>
        %add3A_125 = arith.addi %add3A_123, %add3A_124 : vector<16xi32>
        %mul3A_126 = arith.constant 128 : i32
        %mul3A_127 = arith.muli %scan3A_108, %mul3A_126 : i32
        %add3A_128 = arith.constant 0 : i32
        %add3A_129 = arith.addi %mul3A_127, %add3A_128 : i32
        %swap3A = arith.index_cast %add3A_129 : i32 to index
        %swap3A_130 = tpu.vector_load %arg5[%swap3A] {strides = array<i32>} : memref<10240xi32, #tpu.memory_space<vmem>>, vector<16xi32>,
        %swap3A_131 = vector.shape_cast %swap3A_130 : vector<16xi32> to vector<16xi32>
        %swap3A_132 = vector.shape_cast %add3A_125 : vector<16xi32> to vector<16xi32>
        tpu.vector_store %arg5[%swap3A], %swap3A_132 {strides = array<i32>} : memref<10240xi32, #tpu.memory_space<vmem>>, vector<16xi32>,
        %mul3A_133 = arith.constant 128 : i32
        %mul3A_134 = arith.muli %scan3A_108, %mul3A_133 : i32
        %add3A_135 = arith.constant 16 : i32
        %add3A_136 = arith.addi %mul3A_134, %add3A_135 : i32
        %get3A_137 = arith.index_cast %add3A_136 : i32 to index
        %get3A_138 = tpu.vector_load %arg5[%get3A_137] {strides = array<i32>} : memref<10240xi32, #tpu.memory_space<vmem>>, vector<16xi32>,
        %get3A_139 = vector.shape_cast %get3A_138 : vector<16xi32> to vector<16xi32>
        %add3A_140 = arith.addi %get3A_139, %get3A_139 : vector<16xi32>
        %add3A_141 = vector.broadcast %select_n3A : i32 to vector<16xi32>
        %add3A_142 = arith.addi %add3A_140, %add3A_141 : vector<16xi32>
        %mul3A_143 = arith.constant 128 : i32
        %mul3A_144 = arith.muli %scan3A_108, %mul3A_143 : i32
        %add3A_145 = arith.constant 16 : i32
        %add3A_146 = arith.addi %mul3A_144, %add3A_145 : i32
        %swap3A_147 = arith.index_cast %add3A_146 : i32 to index
        %swap3A_148 = tpu.vector_load %arg5[%swap3A_147] {strides = array<i32>} : memref<10240xi32, #tpu.memory_space<vmem>>, vector<16xi32>,
        %swap3A_149 = vector.shape_cast %swap3A_148 : vector<16xi32> to vector<16xi32>
        %swap3A_150 = vector.shape_cast %add3A_142 : vector<16xi32> to vector<16xi32>
        tpu.vector_store %arg5[%swap3A_147], %swap3A_150 {strides = array<i32>} : memref<10240xi32, #tpu.memory_space<vmem>>, vector<16xi32>,
        %mul3A_151 = arith.constant 128 : i32
        %mul3A_152 = arith.muli %scan3A_108, %mul3A_151 : i32
        %add3A_153 = arith.constant 32 : i32
        %add3A_154 = arith.addi %mul3A_152, %add3A_153 : i32
        %get3A_155 = arith.index_cast %add3A_154 : i32 to index
        %get3A_156 = tpu.vector_load %arg5[%get3A_155] {strides = array<i32>} : memref<10240xi32, #tpu.memory_space<vmem>>, vector<16xi32>,
        %get3A_157 = vector.shape_cast %get3A_156 : vector<16xi32> to vector<16xi32>
        %add3A_158 = arith.addi %get3A_157, %get3A_157 : vector<16xi32>
        %add3A_159 = vector.broadcast %select_n3A : i32 to vector<16xi32>
        %add3A_160 = arith.addi %add3A_158, %add3A_159 : vector<16xi32>
        %mul3A_161 = arith.constant 128 : i32
        %mul3A_162 = arith.muli %scan3A_108, %mul3A_161 : i32
        %add3A_163 = arith.constant 32 : i32
        %add3A_164 = arith.addi %mul3A_162, %add3A_163 : i32
        %swap3A_165 = arith.index_cast %add3A_164 : i32 to index
        %swap3A_166 = tpu.vector_load %arg5[%swap3A_165] {strides = array<i32>} : memref<10240xi32, #tpu.memory_space<vmem>>, vector<16xi32>,
        %swap3A_167 = vector.shape_cast %swap3A_166 : vector<16xi32> to vector<16xi32>
        %swap3A_168 = vector.shape_cast %add3A_160 : vector<16xi32> to vector<16xi32>
        tpu.vector_store %arg5[%swap3A_165], %swap3A_168 {strides = array<i32>} : memref<10240xi32, #tpu.memory_space<vmem>>, vector<16xi32>,
        %mul3A_169 = arith.constant 128 : i32
        %mul3A_170 = arith.muli %scan3A_108, %mul3A_169 : i32
        %add3A_171 = arith.constant 48 : i32
        %add3A_172 = arith.addi %mul3A_170, %add3A_171 : i32
        %get3A_173 = arith.index_cast %add3A_172 : i32 to index
        %get3A_174 = tpu.vector_load %arg5[%get3A_173] {strides = array<i32>} : memref<10240xi32, #tpu.memory_space<vmem>>, vector<16xi32>,
        %get3A_175 = vector.shape_cast %get3A_174 : vector<16xi32> to vector<16xi32>
        %add3A_176 = arith.addi %get3A_175, %get3A_175 : vector<16xi32>
        %add3A_177 = vector.broadcast %select_n3A : i32 to vector<16xi32>
        %add3A_178 = arith.addi %add3A_176, %add3A_177 : vector<16xi32>
        %mul3A_179 = arith.constant 128 : i32
        %mul3A_180 = arith.muli %scan3A_108, %mul3A_179 : i32
        %add3A_181 = arith.constant 48 : i32
        %add3A_182 = arith.addi %mul3A_180, %add3A_181 : i32
        %swap3A_183 = arith.index_cast %add3A_182 : i32 to index
        %swap3A_184 = tpu.vector_load %arg5[%swap3A_183] {strides = array<i32>} : memref<10240xi32, #tpu.memory_space<vmem>>, vector<16xi32>,
        %swap3A_185 = vector.shape_cast %swap3A_184 : vector<16xi32> to vector<16xi32>
        %swap3A_186 = vector.shape_cast %add3A_178 : vector<16xi32> to vector<16xi32>
        tpu.vector_store %arg5[%swap3A_183], %swap3A_186 {strides = array<i32>} : memref<10240xi32, #tpu.memory_space<vmem>>, vector<16xi32>,
        %mul3A_187 = arith.constant 128 : i32
        %mul3A_188 = arith.muli %scan3A_108, %mul3A_187 : i32
        %add3A_189 = arith.constant 64 : i32
        %add3A_190 = arith.addi %mul3A_188, %add3A_189 : i32
        %get3A_191 = arith.index_cast %add3A_190 : i32 to index
        %get3A_192 = tpu.vector_load %arg5[%get3A_191] {strides = array<i32>} : memref<10240xi32, #tpu.memory_space<vmem>>, vector<16xi32>,
        %get3A_193 = vector.shape_cast %get3A_192 : vector<16xi32> to vector<16xi32>
        %add3A_194 = arith.addi %get3A_193, %get3A_193 : vector<16xi32>
        %add3A_195 = vector.broadcast %select_n3A : i32 to vector<16xi32>
        %add3A_196 = arith.addi %add3A_194, %add3A_195 : vector<16xi32>
        %mul3A_197 = arith.constant 128 : i32
        %mul3A_198 = arith.muli %scan3A_108, %mul3A_197 : i32
        %add3A_199 = arith.constant 64 : i32
        %add3A_200 = arith.addi %mul3A_198, %add3A_199 : i32
        %swap3A_201 = arith.index_cast %add3A_200 : i32 to index
        %swap3A_202 = tpu.vector_load %arg5[%swap3A_201] {strides = array<i32>} : memref<10240xi32, #tpu.memory_space<vmem>>, vector<16xi32>,
        %swap3A_203 = vector.shape_cast %swap3A_202 : vector<16xi32> to vector<16xi32>
        %swap3A_204 = vector.shape_cast %add3A_196 : vector<16xi32> to vector<16xi32>
        tpu.vector_store %arg5[%swap3A_201], %swap3A_204 {strides = array<i32>} : memref<10240xi32, #tpu.memory_space<vmem>>, vector<16xi32>,
        %mul3A_205 = arith.constant 128 : i32
        %mul3A_206 = arith.muli %scan3A_108, %mul3A_205 : i32
        %add3A_207 = arith.constant 80 : i32
        %add3A_208 = arith.addi %mul3A_206, %add3A_207 : i32
        %get3A_209 = arith.index_cast %add3A_208 : i32 to index
        %get3A_210 = tpu.vector_load %arg5[%get3A_209] {strides = array<i32>} : memref<10240xi32, #tpu.memory_space<vmem>>, vector<16xi32>,
        %get3A_211 = vector.shape_cast %get3A_210 : vector<16xi32> to vector<16xi32>
        %add3A_212 = arith.addi %get3A_211, %get3A_211 : vector<16xi32>
        %add3A_213 = vector.broadcast %select_n3A : i32 to vector<16xi32>
        %add3A_214 = arith.addi %add3A_212, %add3A_213 : vector<16xi32>
        %mul3A_215 = arith.constant 128 : i32
        %mul3A_216 = arith.muli %scan3A_108, %mul3A_215 : i32
        %add3A_217 = arith.constant 80 : i32
        %add3A_218 = arith.addi %mul3A_216, %add3A_217 : i32
        %swap3A_219 = arith.index_cast %add3A_218 : i32 to index
        %swap3A_220 = tpu.vector_load %arg5[%swap3A_219] {strides = array<i32>} : memref<10240xi32, #tpu.memory_space<vmem>>, vector<16xi32>,
        %swap3A_221 = vector.shape_cast %swap3A_220 : vector<16xi32> to vector<16xi32>
        %swap3A_222 = vector.shape_cast %add3A_214 : vector<16xi32> to vector<16xi32>
        tpu.vector_store %arg5[%swap3A_219], %swap3A_222 {strides = array<i32>} : memref<10240xi32, #tpu.memory_space<vmem>>, vector<16xi32>,
        %mul3A_223 = arith.constant 128 : i32
        %mul3A_224 = arith.muli %scan3A_108, %mul3A_223 : i32
        %add3A_225 = arith.constant 96 : i32
        %add3A_226 = arith.addi %mul3A_224, %add3A_225 : i32
        %get3A_227 = arith.index_cast %add3A_226 : i32 to index
        %get3A_228 = tpu.vector_load %arg5[%get3A_227] {strides = array<i32>} : memref<10240xi32, #tpu.memory_space<vmem>>, vector<16xi32>,
        %get3A_229 = vector.shape_cast %get3A_228 : vector<16xi32> to vector<16xi32>
        %add3A_230 = arith.addi %get3A_229, %get3A_229 : vector<16xi32>
        %add3A_231 = vector.broadcast %select_n3A : i32 to vector<16xi32>
        %add3A_232 = arith.addi %add3A_230, %add3A_231 : vector<16xi32>
        %mul3A_233 = arith.constant 128 : i32
        %mul3A_234 = arith.muli %scan3A_108, %mul3A_233 : i32
        %add3A_235 = arith.constant 96 : i32
        %add3A_236 = arith.addi %mul3A_234, %add3A_235 : i32
        %swap3A_237 = arith.index_cast %add3A_236 : i32 to index
        %swap3A_238 = tpu.vector_load %arg5[%swap3A_237] {strides = array<i32>} : memref<10240xi32, #tpu.memory_space<vmem>>, vector<16xi32>,
        %swap3A_239 = vector.shape_cast %swap3A_238 : vector<16xi32> to vector<16xi32>
        %swap3A_240 = vector.shape_cast %add3A_232 : vector<16xi32> to vector<16xi32>
        tpu.vector_store %arg5[%swap3A_237], %swap3A_240 {strides = array<i32>} : memref<10240xi32, #tpu.memory_space<vmem>>, vector<16xi32>,
        %mul3A_241 = arith.constant 128 : i32
        %mul3A_242 = arith.muli %scan3A_108, %mul3A_241 : i32
        %add3A_243 = arith.constant 112 : i32
        %add3A_244 = arith.addi %mul3A_242, %add3A_243 : i32
        %get3A_245 = arith.index_cast %add3A_244 : i32 to index
        %get3A_246 = tpu.vector_load %arg5[%get3A_245] {strides = array<i32>} : memref<10240xi32, #tpu.memory_space<vmem>>, vector<16xi32>,
        %get3A_247 = vector.shape_cast %get3A_246 : vector<16xi32> to vector<16xi32>
        %add3A_248 = arith.addi %get3A_247, %get3A_247 : vector<16xi32>
        %add3A_249 = vector.broadcast %select_n3A : i32 to vector<16xi32>
        %add3A_250 = arith.addi %add3A_248, %add3A_249 : vector<16xi32>
        %mul3A_251 = arith.constant 128 : i32
        %mul3A_252 = arith.muli %scan3A_108, %mul3A_251 : i32
        %add3A_253 = arith.constant 112 : i32
        %add3A_254 = arith.addi %mul3A_252, %add3A_253 : i32
        %swap3A_255 = arith.index_cast %add3A_254 : i32 to index
        %swap3A_256 = tpu.vector_load %arg5[%swap3A_255] {strides = array<i32>} : memref<10240xi32, #tpu.memory_space<vmem>>, vector<16xi32>,
        %swap3A_257 = vector.shape_cast %swap3A_256 : vector<16xi32> to vector<16xi32>
        %swap3A_258 = vector.shape_cast %add3A_250 : vector<16xi32> to vector<16xi32>
        tpu.vector_store %arg5[%swap3A_255], %swap3A_258 {strides = array<i32>} : memref<10240xi32, #tpu.memory_space<vmem>>, vector<16xi32>,
      } else {
      }
    }
    %scan3A_36 = arith.constant 80 : i32
    %iota3A = tpu.iota {dimensions = array<i32: 0>} : vector<16xi32>
    %eq3A_37 = arith.constant 31 : i32
    %eq3A_38 = arith.cmpi eq, %add3A, %eq3A_37 : i32
    %convert_element_type3A_39 = arith.extui %eq3A_38 : i1 to i32
    %cond3A_40 = arith.constant 0 : i32
    %cond3A_41 = arith.cmpi ne, %convert_element_type3A_39, %cond3A_40 : i32
    scf.if %cond3A_41 {
      %scan3A_108 = arith.constant 0 : i32
      %scan3A_109 = arith.constant 20 : i32
      %scan3A_110 = arith.constant 60 : i32
      %scan3A_111 = arith.addi %scan3A_109, %scan3A_110 : i32
      %scan3A_112 = arith.constant 1 : i32
      %scan3A_113 = scf.for %scan3A_115 = %scan3A_109 to %scan3A_111 step %scan3A_112 iter_args(%scan3A_116 = %scan3A_108) -> (i32)  : i32 {
        %sub3A = arith.constant 20 : i32
        %sub3A_117 = arith.subi %scan3A_115, %sub3A : i32
        %mul3A_118 = arith.constant 128 : i32
        %mul3A_119 = arith.muli %sub3A_117, %mul3A_118 : i32
        %add3A_120 = arith.constant 0 : i32
        %add3A_121 = arith.addi %mul3A_119, %add3A_120 : i32
        %add3A_122 = vector.broadcast %add3A_121 : i32 to vector<16xi32>
        %add3A_123 = arith.addi %add3A_122, %iota3A : vector<16xi32>
        %mul3A_124 = arith.constant 2 : i32
        %mul3A_125 = vector.broadcast %mul3A_124 : i32 to vector<16xi32>
        %mul3A_126 = arith.muli %add3A_123, %mul3A_125 : vector<16xi32>
        %mul3A_127 = arith.constant 128 : i32
        %mul3A_128 = arith.muli %scan3A_115, %mul3A_127 : i32
        %add3A_129 = arith.constant 0 : i32
        %add3A_130 = arith.addi %mul3A_128, %add3A_129 : i32
        %swap3A = arith.index_cast %add3A_130 : i32 to index
        %swap3A_131 = tpu.vector_load %arg5[%swap3A] {strides = array<i32>} : memref<10240xi32, #tpu.memory_space<vmem>>, vector<16xi32>,
        %swap3A_132 = vector.shape_cast %swap3A_131 : vector<16xi32> to vector<16xi32>
        %swap3A_133 = vector.shape_cast %mul3A_126 : vector<16xi32> to vector<16xi32>
        tpu.vector_store %arg5[%swap3A], %swap3A_133 {strides = array<i32>} : memref<10240xi32, #tpu.memory_space<vmem>>, vector<16xi32>,
        %mul3A_134 = arith.constant 128 : i32
        %mul3A_135 = arith.muli %scan3A_116, %mul3A_134 : i32
        %add3A_136 = arith.constant 10000 : i32
        %add3A_137 = arith.addi %add3A_136, %mul3A_135 : i32
        %add3A_138 = arith.constant 0 : i32
        %add3A_139 = arith.addi %add3A_137, %add3A_138 : i32
        %add3A_140 = vector.broadcast %add3A_139 : i32 to vector<16xi32>
        %add3A_141 = arith.addi %add3A_140, %iota3A : vector<16xi32>
        %mul3A_142 = arith.constant 128 : i32
        %mul3A_143 = arith.muli %scan3A_115, %mul3A_142 : i32
        %add3A_144 = arith.constant 0 : i32
        %add3A_145 = arith.addi %mul3A_143, %add3A_144 : i32
        %swap3A_146 = arith.index_cast %add3A_145 : i32 to index
        %swap3A_147 = tpu.vector_load %arg6[%swap3A_146] {strides = array<i32>} : memref<10240xi32, #tpu.memory_space<vmem>>, vector<16xi32>,
        %swap3A_148 = vector.shape_cast %swap3A_147 : vector<16xi32> to vector<16xi32>
        %swap3A_149 = vector.shape_cast %add3A_141 : vector<16xi32> to vector<16xi32>
        tpu.vector_store %arg6[%swap3A_146], %swap3A_149 {strides = array<i32>} : memref<10240xi32, #tpu.memory_space<vmem>>, vector<16xi32>,
        %sub3A_150 = arith.constant 20 : i32
        %sub3A_151 = arith.subi %scan3A_115, %sub3A_150 : i32
        %mul3A_152 = arith.constant 128 : i32
        %mul3A_153 = arith.muli %sub3A_151, %mul3A_152 : i32
        %add3A_154 = arith.constant 16 : i32
        %add3A_155 = arith.addi %mul3A_153, %add3A_154 : i32
        %add3A_156 = vector.broadcast %add3A_155 : i32 to vector<16xi32>
        %add3A_157 = arith.addi %add3A_156, %iota3A : vector<16xi32>
        %mul3A_158 = arith.constant 2 : i32
        %mul3A_159 = vector.broadcast %mul3A_158 : i32 to vector<16xi32>
        %mul3A_160 = arith.muli %add3A_157, %mul3A_159 : vector<16xi32>
        %mul3A_161 = arith.constant 128 : i32
        %mul3A_162 = arith.muli %scan3A_115, %mul3A_161 : i32
        %add3A_163 = arith.constant 16 : i32
        %add3A_164 = arith.addi %mul3A_162, %add3A_163 : i32
        %swap3A_165 = arith.index_cast %add3A_164 : i32 to index
        %swap3A_166 = tpu.vector_load %arg5[%swap3A_165] {strides = array<i32>} : memref<10240xi32, #tpu.memory_space<vmem>>, vector<16xi32>,
        %swap3A_167 = vector.shape_cast %swap3A_166 : vector<16xi32> to vector<16xi32>
        %swap3A_168 = vector.shape_cast %mul3A_160 : vector<16xi32> to vector<16xi32>
        tpu.vector_store %arg5[%swap3A_165], %swap3A_168 {strides = array<i32>} : memref<10240xi32, #tpu.memory_space<vmem>>, vector<16xi32>,
        %mul3A_169 = arith.constant 128 : i32
        %mul3A_170 = arith.muli %scan3A_116, %mul3A_169 : i32
        %add3A_171 = arith.constant 10000 : i32
        %add3A_172 = arith.addi %add3A_171, %mul3A_170 : i32
        %add3A_173 = arith.constant 16 : i32
        %add3A_174 = arith.addi %add3A_172, %add3A_173 : i32
        %add3A_175 = vector.broadcast %add3A_174 : i32 to vector<16xi32>
        %add3A_176 = arith.addi %add3A_175, %iota3A : vector<16xi32>
        %mul3A_177 = arith.constant 128 : i32
        %mul3A_178 = arith.muli %scan3A_115, %mul3A_177 : i32
        %add3A_179 = arith.constant 16 : i32
        %add3A_180 = arith.addi %mul3A_178, %add3A_179 : i32
        %swap3A_181 = arith.index_cast %add3A_180 : i32 to index
        %swap3A_182 = tpu.vector_load %arg6[%swap3A_181] {strides = array<i32>} : memref<10240xi32, #tpu.memory_space<vmem>>, vector<16xi32>,
        %swap3A_183 = vector.shape_cast %swap3A_182 : vector<16xi32> to vector<16xi32>
        %swap3A_184 = vector.shape_cast %add3A_176 : vector<16xi32> to vector<16xi32>
        tpu.vector_store %arg6[%swap3A_181], %swap3A_184 {strides = array<i32>} : memref<10240xi32, #tpu.memory_space<vmem>>, vector<16xi32>,
        %sub3A_185 = arith.constant 20 : i32
        %sub3A_186 = arith.subi %scan3A_115, %sub3A_185 : i32
        %mul3A_187 = arith.constant 128 : i32
        %mul3A_188 = arith.muli %sub3A_186, %mul3A_187 : i32
        %add3A_189 = arith.constant 32 : i32
        %add3A_190 = arith.addi %mul3A_188, %add3A_189 : i32
        %add3A_191 = vector.broadcast %add3A_190 : i32 to vector<16xi32>
        %add3A_192 = arith.addi %add3A_191, %iota3A : vector<16xi32>
        %mul3A_193 = arith.constant 2 : i32
        %mul3A_194 = vector.broadcast %mul3A_193 : i32 to vector<16xi32>
        %mul3A_195 = arith.muli %add3A_192, %mul3A_194 : vector<16xi32>
        %mul3A_196 = arith.constant 128 : i32
        %mul3A_197 = arith.muli %scan3A_115, %mul3A_196 : i32
        %add3A_198 = arith.constant 32 : i32
        %add3A_199 = arith.addi %mul3A_197, %add3A_198 : i32
        %swap3A_200 = arith.index_cast %add3A_199 : i32 to index
        %swap3A_201 = tpu.vector_load %arg5[%swap3A_200] {strides = array<i32>} : memref<10240xi32, #tpu.memory_space<vmem>>, vector<16xi32>,
        %swap3A_202 = vector.shape_cast %swap3A_201 : vector<16xi32> to vector<16xi32>
        %swap3A_203 = vector.shape_cast %mul3A_195 : vector<16xi32> to vector<16xi32>
        tpu.vector_store %arg5[%swap3A_200], %swap3A_203 {strides = array<i32>} : memref<10240xi32, #tpu.memory_space<vmem>>, vector<16xi32>,
        %mul3A_204 = arith.constant 128 : i32
        %mul3A_205 = arith.muli %scan3A_116, %mul3A_204 : i32
        %add3A_206 = arith.constant 10000 : i32
        %add3A_207 = arith.addi %add3A_206, %mul3A_205 : i32
        %add3A_208 = arith.constant 32 : i32
        %add3A_209 = arith.addi %add3A_207, %add3A_208 : i32
        %add3A_210 = vector.broadcast %add3A_209 : i32 to vector<16xi32>
        %add3A_211 = arith.addi %add3A_210, %iota3A : vector<16xi32>
        %mul3A_212 = arith.constant 128 : i32
        %mul3A_213 = arith.muli %scan3A_115, %mul3A_212 : i32
        %add3A_214 = arith.constant 32 : i32
        %add3A_215 = arith.addi %mul3A_213, %add3A_214 : i32
        %swap3A_216 = arith.index_cast %add3A_215 : i32 to index
        %swap3A_217 = tpu.vector_load %arg6[%swap3A_216] {strides = array<i32>} : memref<10240xi32, #tpu.memory_space<vmem>>, vector<16xi32>,
        %swap3A_218 = vector.shape_cast %swap3A_217 : vector<16xi32> to vector<16xi32>
        %swap3A_219 = vector.shape_cast %add3A_211 : vector<16xi32> to vector<16xi32>
        tpu.vector_store %arg6[%swap3A_216], %swap3A_219 {strides = array<i32>} : memref<10240xi32, #tpu.memory_space<vmem>>, vector<16xi32>,
        %sub3A_220 = arith.constant 20 : i32
        %sub3A_221 = arith.subi %scan3A_115, %sub3A_220 : i32
        %mul3A_222 = arith.constant 128 : i32
        %mul3A_223 = arith.muli %sub3A_221, %mul3A_222 : i32
        %add3A_224 = arith.constant 48 : i32
        %add3A_225 = arith.addi %mul3A_223, %add3A_224 : i32
        %add3A_226 = vector.broadcast %add3A_225 : i32 to vector<16xi32>
        %add3A_227 = arith.addi %add3A_226, %iota3A : vector<16xi32>
        %mul3A_228 = arith.constant 2 : i32
        %mul3A_229 = vector.broadcast %mul3A_228 : i32 to vector<16xi32>
        %mul3A_230 = arith.muli %add3A_227, %mul3A_229 : vector<16xi32>
        %mul3A_231 = arith.constant 128 : i32
        %mul3A_232 = arith.muli %scan3A_115, %mul3A_231 : i32
        %add3A_233 = arith.constant 48 : i32
        %add3A_234 = arith.addi %mul3A_232, %add3A_233 : i32
        %swap3A_235 = arith.index_cast %add3A_234 : i32 to index
        %swap3A_236 = tpu.vector_load %arg5[%swap3A_235] {strides = array<i32>} : memref<10240xi32, #tpu.memory_space<vmem>>, vector<16xi32>,
        %swap3A_237 = vector.shape_cast %swap3A_236 : vector<16xi32> to vector<16xi32>
        %swap3A_238 = vector.shape_cast %mul3A_230 : vector<16xi32> to vector<16xi32>
        tpu.vector_store %arg5[%swap3A_235], %swap3A_238 {strides = array<i32>} : memref<10240xi32, #tpu.memory_space<vmem>>, vector<16xi32>,
        %mul3A_239 = arith.constant 128 : i32
        %mul3A_240 = arith.muli %scan3A_116, %mul3A_239 : i32
        %add3A_241 = arith.constant 10000 : i32
        %add3A_242 = arith.addi %add3A_241, %mul3A_240 : i32
        %add3A_243 = arith.constant 48 : i32
        %add3A_244 = arith.addi %add3A_242, %add3A_243 : i32
        %add3A_245 = vector.broadcast %add3A_244 : i32 to vector<16xi32>
        %add3A_246 = arith.addi %add3A_245, %iota3A : vector<16xi32>
        %mul3A_247 = arith.constant 128 : i32
        %mul3A_248 = arith.muli %scan3A_115, %mul3A_247 : i32
        %add3A_249 = arith.constant 48 : i32
        %add3A_250 = arith.addi %mul3A_248, %add3A_249 : i32
        %swap3A_251 = arith.index_cast %add3A_250 : i32 to index
        %swap3A_252 = tpu.vector_load %arg6[%swap3A_251] {strides = array<i32>} : memref<10240xi32, #tpu.memory_space<vmem>>, vector<16xi32>,
        %swap3A_253 = vector.shape_cast %swap3A_252 : vector<16xi32> to vector<16xi32>
        %swap3A_254 = vector.shape_cast %add3A_246 : vector<16xi32> to vector<16xi32>
        tpu.vector_store %arg6[%swap3A_251], %swap3A_254 {strides = array<i32>} : memref<10240xi32, #tpu.memory_space<vmem>>, vector<16xi32>,
        %sub3A_255 = arith.constant 20 : i32
        %sub3A_256 = arith.subi %scan3A_115, %sub3A_255 : i32
        %mul3A_257 = arith.constant 128 : i32
        %mul3A_258 = arith.muli %sub3A_256, %mul3A_257 : i32
        %add3A_259 = arith.constant 64 : i32
        %add3A_260 = arith.addi %mul3A_258, %add3A_259 : i32
        %add3A_261 = vector.broadcast %add3A_260 : i32 to vector<16xi32>
        %add3A_262 = arith.addi %add3A_261, %iota3A : vector<16xi32>
        %mul3A_263 = arith.constant 2 : i32
        %mul3A_264 = vector.broadcast %mul3A_263 : i32 to vector<16xi32>
        %mul3A_265 = arith.muli %add3A_262, %mul3A_264 : vector<16xi32>
        %mul3A_266 = arith.constant 128 : i32
        %mul3A_267 = arith.muli %scan3A_115, %mul3A_266 : i32
        %add3A_268 = arith.constant 64 : i32
        %add3A_269 = arith.addi %mul3A_267, %add3A_268 : i32
        %swap3A_270 = arith.index_cast %add3A_269 : i32 to index
        %swap3A_271 = tpu.vector_load %arg5[%swap3A_270] {strides = array<i32>} : memref<10240xi32, #tpu.memory_space<vmem>>, vector<16xi32>,
        %swap3A_272 = vector.shape_cast %swap3A_271 : vector<16xi32> to vector<16xi32>
        %swap3A_273 = vector.shape_cast %mul3A_265 : vector<16xi32> to vector<16xi32>
        tpu.vector_store %arg5[%swap3A_270], %swap3A_273 {strides = array<i32>} : memref<10240xi32, #tpu.memory_space<vmem>>, vector<16xi32>,
        %mul3A_274 = arith.constant 128 : i32
        %mul3A_275 = arith.muli %scan3A_116, %mul3A_274 : i32
        %add3A_276 = arith.constant 10000 : i32
        %add3A_277 = arith.addi %add3A_276, %mul3A_275 : i32
        %add3A_278 = arith.constant 64 : i32
        %add3A_279 = arith.addi %add3A_277, %add3A_278 : i32
        %add3A_280 = vector.broadcast %add3A_279 : i32 to vector<16xi32>
        %add3A_281 = arith.addi %add3A_280, %iota3A : vector<16xi32>
        %mul3A_282 = arith.constant 128 : i32
        %mul3A_283 = arith.muli %scan3A_115, %mul3A_282 : i32
        %add3A_284 = arith.constant 64 : i32
        %add3A_285 = arith.addi %mul3A_283, %add3A_284 : i32
        %swap3A_286 = arith.index_cast %add3A_285 : i32 to index
        %swap3A_287 = tpu.vector_load %arg6[%swap3A_286] {strides = array<i32>} : memref<10240xi32, #tpu.memory_space<vmem>>, vector<16xi32>,
        %swap3A_288 = vector.shape_cast %swap3A_287 : vector<16xi32> to vector<16xi32>
        %swap3A_289 = vector.shape_cast %add3A_281 : vector<16xi32> to vector<16xi32>
        tpu.vector_store %arg6[%swap3A_286], %swap3A_289 {strides = array<i32>} : memref<10240xi32, #tpu.memory_space<vmem>>, vector<16xi32>,
        %sub3A_290 = arith.constant 20 : i32
        %sub3A_291 = arith.subi %scan3A_115, %sub3A_290 : i32
        %mul3A_292 = arith.constant 128 : i32
        %mul3A_293 = arith.muli %sub3A_291, %mul3A_292 : i32
        %add3A_294 = arith.constant 80 : i32
        %add3A_295 = arith.addi %mul3A_293, %add3A_294 : i32
        %add3A_296 = vector.broadcast %add3A_295 : i32 to vector<16xi32>
        %add3A_297 = arith.addi %add3A_296, %iota3A : vector<16xi32>
        %mul3A_298 = arith.constant 2 : i32
        %mul3A_299 = vector.broadcast %mul3A_298 : i32 to vector<16xi32>
        %mul3A_300 = arith.muli %add3A_297, %mul3A_299 : vector<16xi32>
        %mul3A_301 = arith.constant 128 : i32
        %mul3A_302 = arith.muli %scan3A_115, %mul3A_301 : i32
        %add3A_303 = arith.constant 80 : i32
        %add3A_304 = arith.addi %mul3A_302, %add3A_303 : i32
        %swap3A_305 = arith.index_cast %add3A_304 : i32 to index
        %swap3A_306 = tpu.vector_load %arg5[%swap3A_305] {strides = array<i32>} : memref<10240xi32, #tpu.memory_space<vmem>>, vector<16xi32>,
        %swap3A_307 = vector.shape_cast %swap3A_306 : vector<16xi32> to vector<16xi32>
        %swap3A_308 = vector.shape_cast %mul3A_300 : vector<16xi32> to vector<16xi32>
        tpu.vector_store %arg5[%swap3A_305], %swap3A_308 {strides = array<i32>} : memref<10240xi32, #tpu.memory_space<vmem>>, vector<16xi32>,
        %mul3A_309 = arith.constant 128 : i32
        %mul3A_310 = arith.muli %scan3A_116, %mul3A_309 : i32
        %add3A_311 = arith.constant 10000 : i32
        %add3A_312 = arith.addi %add3A_311, %mul3A_310 : i32
        %add3A_313 = arith.constant 80 : i32
        %add3A_314 = arith.addi %add3A_312, %add3A_313 : i32
        %add3A_315 = vector.broadcast %add3A_314 : i32 to vector<16xi32>
        %add3A_316 = arith.addi %add3A_315, %iota3A : vector<16xi32>
        %mul3A_317 = arith.constant 128 : i32
        %mul3A_318 = arith.muli %scan3A_115, %mul3A_317 : i32
        %add3A_319 = arith.constant 80 : i32
        %add3A_320 = arith.addi %mul3A_318, %add3A_319 : i32
        %swap3A_321 = arith.index_cast %add3A_320 : i32 to index
        %swap3A_322 = tpu.vector_load %arg6[%swap3A_321] {strides = array<i32>} : memref<10240xi32, #tpu.memory_space<vmem>>, vector<16xi32>,
        %swap3A_323 = vector.shape_cast %swap3A_322 : vector<16xi32> to vector<16xi32>
        %swap3A_324 = vector.shape_cast %add3A_316 : vector<16xi32> to vector<16xi32>
        tpu.vector_store %arg6[%swap3A_321], %swap3A_324 {strides = array<i32>} : memref<10240xi32, #tpu.memory_space<vmem>>, vector<16xi32>,
        %sub3A_325 = arith.constant 20 : i32
        %sub3A_326 = arith.subi %scan3A_115, %sub3A_325 : i32
        %mul3A_327 = arith.constant 128 : i32
        %mul3A_328 = arith.muli %sub3A_326, %mul3A_327 : i32
        %add3A_329 = arith.constant 96 : i32
        %add3A_330 = arith.addi %mul3A_328, %add3A_329 : i32
        %add3A_331 = vector.broadcast %add3A_330 : i32 to vector<16xi32>
        %add3A_332 = arith.addi %add3A_331, %iota3A : vector<16xi32>
        %mul3A_333 = arith.constant 2 : i32
        %mul3A_334 = vector.broadcast %mul3A_333 : i32 to vector<16xi32>
        %mul3A_335 = arith.muli %add3A_332, %mul3A_334 : vector<16xi32>
        %mul3A_336 = arith.constant 128 : i32
        %mul3A_337 = arith.muli %scan3A_115, %mul3A_336 : i32
        %add3A_338 = arith.constant 96 : i32
        %add3A_339 = arith.addi %mul3A_337, %add3A_338 : i32
        %swap3A_340 = arith.index_cast %add3A_339 : i32 to index
        %swap3A_341 = tpu.vector_load %arg5[%swap3A_340] {strides = array<i32>} : memref<10240xi32, #tpu.memory_space<vmem>>, vector<16xi32>,
        %swap3A_342 = vector.shape_cast %swap3A_341 : vector<16xi32> to vector<16xi32>
        %swap3A_343 = vector.shape_cast %mul3A_335 : vector<16xi32> to vector<16xi32>
        tpu.vector_store %arg5[%swap3A_340], %swap3A_343 {strides = array<i32>} : memref<10240xi32, #tpu.memory_space<vmem>>, vector<16xi32>,
        %mul3A_344 = arith.constant 128 : i32
        %mul3A_345 = arith.muli %scan3A_116, %mul3A_344 : i32
        %add3A_346 = arith.constant 10000 : i32
        %add3A_347 = arith.addi %add3A_346, %mul3A_345 : i32
        %add3A_348 = arith.constant 96 : i32
        %add3A_349 = arith.addi %add3A_347, %add3A_348 : i32
        %add3A_350 = vector.broadcast %add3A_349 : i32 to vector<16xi32>
        %add3A_351 = arith.addi %add3A_350, %iota3A : vector<16xi32>
        %mul3A_352 = arith.constant 128 : i32
        %mul3A_353 = arith.muli %scan3A_115, %mul3A_352 : i32
        %add3A_354 = arith.constant 96 : i32
        %add3A_355 = arith.addi %mul3A_353, %add3A_354 : i32
        %swap3A_356 = arith.index_cast %add3A_355 : i32 to index
        %swap3A_357 = tpu.vector_load %arg6[%swap3A_356] {strides = array<i32>} : memref<10240xi32, #tpu.memory_space<vmem>>, vector<16xi32>,
        %swap3A_358 = vector.shape_cast %swap3A_357 : vector<16xi32> to vector<16xi32>
        %swap3A_359 = vector.shape_cast %add3A_351 : vector<16xi32> to vector<16xi32>
        tpu.vector_store %arg6[%swap3A_356], %swap3A_359 {strides = array<i32>} : memref<10240xi32, #tpu.memory_space<vmem>>, vector<16xi32>,
        %sub3A_360 = arith.constant 20 : i32
        %sub3A_361 = arith.subi %scan3A_115, %sub3A_360 : i32
        %mul3A_362 = arith.constant 128 : i32
        %mul3A_363 = arith.muli %sub3A_361, %mul3A_362 : i32
        %add3A_364 = arith.constant 112 : i32
        %add3A_365 = arith.addi %mul3A_363, %add3A_364 : i32
        %add3A_366 = vector.broadcast %add3A_365 : i32 to vector<16xi32>
        %add3A_367 = arith.addi %add3A_366, %iota3A : vector<16xi32>
        %mul3A_368 = arith.constant 2 : i32
        %mul3A_369 = vector.broadcast %mul3A_368 : i32 to vector<16xi32>
        %mul3A_370 = arith.muli %add3A_367, %mul3A_369 : vector<16xi32>
        %mul3A_371 = arith.constant 128 : i32
        %mul3A_372 = arith.muli %scan3A_115, %mul3A_371 : i32
        %add3A_373 = arith.constant 112 : i32
        %add3A_374 = arith.addi %mul3A_372, %add3A_373 : i32
        %swap3A_375 = arith.index_cast %add3A_374 : i32 to index
        %swap3A_376 = tpu.vector_load %arg5[%swap3A_375] {strides = array<i32>} : memref<10240xi32, #tpu.memory_space<vmem>>, vector<16xi32>,
        %swap3A_377 = vector.shape_cast %swap3A_376 : vector<16xi32> to vector<16xi32>
        %swap3A_378 = vector.shape_cast %mul3A_370 : vector<16xi32> to vector<16xi32>
        tpu.vector_store %arg5[%swap3A_375], %swap3A_378 {strides = array<i32>} : memref<10240xi32, #tpu.memory_space<vmem>>, vector<16xi32>,
        %mul3A_379 = arith.constant 128 : i32
        %mul3A_380 = arith.muli %scan3A_116, %mul3A_379 : i32
        %add3A_381 = arith.constant 10000 : i32
        %add3A_382 = arith.addi %add3A_381, %mul3A_380 : i32
        %add3A_383 = arith.constant 112 : i32
        %add3A_384 = arith.addi %add3A_382, %add3A_383 : i32
        %add3A_385 = vector.broadcast %add3A_384 : i32 to vector<16xi32>
        %add3A_386 = arith.addi %add3A_385, %iota3A : vector<16xi32>
        %mul3A_387 = arith.constant 128 : i32
        %mul3A_388 = arith.muli %scan3A_115, %mul3A_387 : i32
        %add3A_389 = arith.constant 112 : i32
        %add3A_390 = arith.addi %mul3A_388, %add3A_389 : i32
        %swap3A_391 = arith.index_cast %add3A_390 : i32 to index
        %swap3A_392 = tpu.vector_load %arg6[%swap3A_391] {strides = array<i32>} : memref<10240xi32, #tpu.memory_space<vmem>>, vector<16xi32>,
        %swap3A_393 = vector.shape_cast %swap3A_392 : vector<16xi32> to vector<16xi32>
        %swap3A_394 = vector.shape_cast %add3A_386 : vector<16xi32> to vector<16xi32>
        tpu.vector_store %arg6[%swap3A_391], %swap3A_394 {strides = array<i32>} : memref<10240xi32, #tpu.memory_space<vmem>>, vector<16xi32>,
        %eq3A_395 = arith.constant 4 : i32
        %eq3A_396 = arith.cmpi eq, %scan3A_116, %eq3A_395 : i32
        %add3A_397 = arith.constant 1 : i32
        %add3A_398 = arith.addi %scan3A_116, %add3A_397 : i32
        %jit3A = arith.constant 0 : i32
        %select_n3A = arith.select %eq3A_396, %jit3A, %add3A_398 : i32
        scf.yield %select_n3A : i32
      }
      %scan3A_114 = arith.constant 60 : i32
    } else {
    }
    %barrier3A = arith.constant 0 : index
    tpu.barrier barrier_id(%barrier3A)
    %scan3A_42 = arith.constant 0 : i32
    %scan3A_43 = arith.constant 0 : i32
    %scan3A_44 = arith.constant 16 : i32
    %scan3A_45 = arith.addi %scan3A_43, %scan3A_44 : i32
    %scan3A_46 = arith.constant 1 : i32
    scf.for %scan3A_108 = %scan3A_43 to %scan3A_45 step %scan3A_46  : i32 {
      %mul3A_109 = arith.constant 5 : i32
      %mul3A_110 = arith.muli %mul3A_109, %scan3A_108 : i32
      %gt3A = arith.constant 0 : i32
      %gt3A_111 = arith.cmpi sgt, %scan3A_108, %gt3A : i32
      %convert_element_type3A_112 = arith.extui %gt3A_111 : i1 to i32
      %cond3A_113 = arith.constant 0 : i32
      %cond3A_114 = arith.cmpi ne, %convert_element_type3A_112, %cond3A_113 : i32
      scf.if %cond3A_114 {
        %add3A_289 = arith.constant 0 : i32
        %add3A_290 = arith.addi %mul3A_110, %add3A_289 : i32
        %mul3A_291 = arith.constant 128 : i32
        %mul3A_292 = arith.muli %add3A_290, %mul3A_291 : i32
        %dma_wait3A_293 = arith.constant 0 : i32
        %dma_wait3A_294 = arith.constant 0 : i32
        %dma_wait3A_295 = arith.constant 0 : i32
        %dma_wait3A_296 = tpu.memref_slice %arg7[%dma_wait3A_293, %dma_wait3A_294, %dma_wait3A_295] : memref<5x128x64xf32, #tpu.memory_space<vmem>> -> memref<1x128x64xf32, #tpu.memory_space<vmem>>
        %dma_wait3A_297 = tpu.memref_squeeze %dma_wait3A_296 : memref<1x128x64xf32, #tpu.memory_space<vmem>> -> memref<128x64xf32, #tpu.memory_space<vmem>>
        %dma_wait3A_298 = tpu.memref_slice %arg6[%mul3A_292] : memref<10240xi32, #tpu.memory_space<vmem>> -> memref<128xi32, #tpu.memory_space<vmem>>
        %dma_wait3A_299 = arith.constant 0 : i32
        %dma_wait3A_300 = arith.constant 0 : i32
        %dma_wait3A_301 = tpu.memref_slice %arg9[%dma_wait3A_299, %dma_wait3A_300] : memref<10640x64xf32, #tpu.memory_space<vmem_shared>> -> memref<10640x64xf32, #tpu.memory_space<vmem_shared>>
        tpu.wait_indirect_dma semaphore(%arg15 : memref<!tpu.dma_semaphore, #tpu.memory_space<semaphore_mem>>) src(%dma_wait3A_297 : memref<128x64xf32, #tpu.memory_space<vmem>>) dst(%dma_wait3A_301 : memref<10640x64xf32, #tpu.memory_space<vmem_shared>>)
        %add3A_302 = arith.constant 1 : i32
        %add3A_303 = arith.addi %mul3A_110, %add3A_302 : i32
        %mul3A_304 = arith.constant 128 : i32
        %mul3A_305 = arith.muli %add3A_303, %mul3A_304 : i32
        %dma_wait3A_306 = arith.constant 1 : i32
        %dma_wait3A_307 = arith.constant 0 : i32
        %dma_wait3A_308 = arith.constant 0 : i32
        %dma_wait3A_309 = tpu.memref_slice %arg7[%dma_wait3A_306, %dma_wait3A_307, %dma_wait3A_308] : memref<5x128x64xf32, #tpu.memory_space<vmem>> -> memref<1x128x64xf32, #tpu.memory_space<vmem>>
        %dma_wait3A_310 = tpu.memref_squeeze %dma_wait3A_309 : memref<1x128x64xf32, #tpu.memory_space<vmem>> -> memref<128x64xf32, #tpu.memory_space<vmem>>
        %dma_wait3A_311 = tpu.memref_slice %arg6[%mul3A_305] : memref<10240xi32, #tpu.memory_space<vmem>> -> memref<128xi32, #tpu.memory_space<vmem>>
        %dma_wait3A_312 = arith.constant 0 : i32
        %dma_wait3A_313 = arith.constant 0 : i32
        %dma_wait3A_314 = tpu.memref_slice %arg9[%dma_wait3A_312, %dma_wait3A_313] : memref<10640x64xf32, #tpu.memory_space<vmem_shared>> -> memref<10640x64xf32, #tpu.memory_space<vmem_shared>>
        tpu.wait_indirect_dma semaphore(%arg16 : memref<!tpu.dma_semaphore, #tpu.memory_space<semaphore_mem>>) src(%dma_wait3A_310 : memref<128x64xf32, #tpu.memory_space<vmem>>) dst(%dma_wait3A_314 : memref<10640x64xf32, #tpu.memory_space<vmem_shared>>)
        %add3A_315 = arith.constant 2 : i32
        %add3A_316 = arith.addi %mul3A_110, %add3A_315 : i32
        %mul3A_317 = arith.constant 128 : i32
        %mul3A_318 = arith.muli %add3A_316, %mul3A_317 : i32
        %dma_wait3A_319 = arith.constant 2 : i32
        %dma_wait3A_320 = arith.constant 0 : i32
        %dma_wait3A_321 = arith.constant 0 : i32
        %dma_wait3A_322 = tpu.memref_slice %arg7[%dma_wait3A_319, %dma_wait3A_320, %dma_wait3A_321] : memref<5x128x64xf32, #tpu.memory_space<vmem>> -> memref<1x128x64xf32, #tpu.memory_space<vmem>>
        %dma_wait3A_323 = tpu.memref_squeeze %dma_wait3A_322 : memref<1x128x64xf32, #tpu.memory_space<vmem>> -> memref<128x64xf32, #tpu.memory_space<vmem>>
        %dma_wait3A_324 = tpu.memref_slice %arg6[%mul3A_318] : memref<10240xi32, #tpu.memory_space<vmem>> -> memref<128xi32, #tpu.memory_space<vmem>>
        %dma_wait3A_325 = arith.constant 0 : i32
        %dma_wait3A_326 = arith.constant 0 : i32
        %dma_wait3A_327 = tpu.memref_slice %arg9[%dma_wait3A_325, %dma_wait3A_326] : memref<10640x64xf32, #tpu.memory_space<vmem_shared>> -> memref<10640x64xf32, #tpu.memory_space<vmem_shared>>
        tpu.wait_indirect_dma semaphore(%arg17 : memref<!tpu.dma_semaphore, #tpu.memory_space<semaphore_mem>>) src(%dma_wait3A_323 : memref<128x64xf32, #tpu.memory_space<vmem>>) dst(%dma_wait3A_327 : memref<10640x64xf32, #tpu.memory_space<vmem_shared>>)
        %add3A_328 = arith.constant 3 : i32
        %add3A_329 = arith.addi %mul3A_110, %add3A_328 : i32
        %mul3A_330 = arith.constant 128 : i32
        %mul3A_331 = arith.muli %add3A_329, %mul3A_330 : i32
        %dma_wait3A_332 = arith.constant 3 : i32
        %dma_wait3A_333 = arith.constant 0 : i32
        %dma_wait3A_334 = arith.constant 0 : i32
        %dma_wait3A_335 = tpu.memref_slice %arg7[%dma_wait3A_332, %dma_wait3A_333, %dma_wait3A_334] : memref<5x128x64xf32, #tpu.memory_space<vmem>> -> memref<1x128x64xf32, #tpu.memory_space<vmem>>
        %dma_wait3A_336 = tpu.memref_squeeze %dma_wait3A_335 : memref<1x128x64xf32, #tpu.memory_space<vmem>> -> memref<128x64xf32, #tpu.memory_space<vmem>>
        %dma_wait3A_337 = tpu.memref_slice %arg6[%mul3A_331] : memref<10240xi32, #tpu.memory_space<vmem>> -> memref<128xi32, #tpu.memory_space<vmem>>
        %dma_wait3A_338 = arith.constant 0 : i32
        %dma_wait3A_339 = arith.constant 0 : i32
        %dma_wait3A_340 = tpu.memref_slice %arg9[%dma_wait3A_338, %dma_wait3A_339] : memref<10640x64xf32, #tpu.memory_space<vmem_shared>> -> memref<10640x64xf32, #tpu.memory_space<vmem_shared>>
        tpu.wait_indirect_dma semaphore(%arg18 : memref<!tpu.dma_semaphore, #tpu.memory_space<semaphore_mem>>) src(%dma_wait3A_336 : memref<128x64xf32, #tpu.memory_space<vmem>>) dst(%dma_wait3A_340 : memref<10640x64xf32, #tpu.memory_space<vmem_shared>>)
        %add3A_341 = arith.constant 4 : i32
        %add3A_342 = arith.addi %mul3A_110, %add3A_341 : i32
        %mul3A_343 = arith.constant 128 : i32
        %mul3A_344 = arith.muli %add3A_342, %mul3A_343 : i32
        %dma_wait3A_345 = arith.constant 4 : i32
        %dma_wait3A_346 = arith.constant 0 : i32
        %dma_wait3A_347 = arith.constant 0 : i32
        %dma_wait3A_348 = tpu.memref_slice %arg7[%dma_wait3A_345, %dma_wait3A_346, %dma_wait3A_347] : memref<5x128x64xf32, #tpu.memory_space<vmem>> -> memref<1x128x64xf32, #tpu.memory_space<vmem>>
        %dma_wait3A_349 = tpu.memref_squeeze %dma_wait3A_348 : memref<1x128x64xf32, #tpu.memory_space<vmem>> -> memref<128x64xf32, #tpu.memory_space<vmem>>
        %dma_wait3A_350 = tpu.memref_slice %arg6[%mul3A_344] : memref<10240xi32, #tpu.memory_space<vmem>> -> memref<128xi32, #tpu.memory_space<vmem>>
        %dma_wait3A_351 = arith.constant 0 : i32
        %dma_wait3A_352 = arith.constant 0 : i32
        %dma_wait3A_353 = tpu.memref_slice %arg9[%dma_wait3A_351, %dma_wait3A_352] : memref<10640x64xf32, #tpu.memory_space<vmem_shared>> -> memref<10640x64xf32, #tpu.memory_space<vmem_shared>>
        tpu.wait_indirect_dma semaphore(%arg19 : memref<!tpu.dma_semaphore, #tpu.memory_space<semaphore_mem>>) src(%dma_wait3A_349 : memref<128x64xf32, #tpu.memory_space<vmem>>) dst(%dma_wait3A_353 : memref<10640x64xf32, #tpu.memory_space<vmem_shared>>)
      } else {
      }
      %add3A_115 = arith.constant 0 : i32
      %add3A_116 = arith.addi %mul3A_110, %add3A_115 : i32
      %mul3A_117 = arith.constant 128 : i32
      %mul3A_118 = arith.muli %add3A_116, %mul3A_117 : i32
      %dma_start3A = arith.constant 0 : i32
      %dma_start3A_119 = arith.constant 0 : i32
      %dma_start3A_120 = arith.constant 0 : i32
      %dma_start3A_121 = tpu.memref_slice %arg7[%dma_start3A, %dma_start3A_119, %dma_start3A_120] : memref<5x128x64xf32, #tpu.memory_space<vmem>> -> memref<1x128x64xf32, #tpu.memory_space<vmem>>
      %dma_start3A_122 = tpu.memref_squeeze %dma_start3A_121 : memref<1x128x64xf32, #tpu.memory_space<vmem>> -> memref<128x64xf32, #tpu.memory_space<vmem>>
      %dma_start3A_123 = tpu.memref_slice %arg5[%mul3A_118] : memref<10240xi32, #tpu.memory_space<vmem>> -> memref<128xi32, #tpu.memory_space<vmem>>
      %dma_start3A_124 = arith.constant 0 : i32
      %dma_start3A_125 = arith.constant 0 : i32
      %dma_start3A_126 = tpu.memref_slice %arg2[%dma_start3A_124, %dma_start3A_125] : memref<20000x64xf32, #tpu.memory_space<hbm>> -> memref<20000x64xf32, #tpu.memory_space<hbm>>
      tpu.enqueue_indirect_dma source(%dma_start3A_126 : memref<20000x64xf32, #tpu.memory_space<hbm>>) target(%dma_start3A_122 : memref<128x64xf32, #tpu.memory_space<vmem>>) offsets(%dma_start3A_123 : memref<128xi32, #tpu.memory_space<vmem>>) semaphore(%arg10 : memref<!tpu.dma_semaphore, #tpu.memory_space<semaphore_mem>>)
      %add3A_127 = arith.constant 1 : i32
      %add3A_128 = arith.addi %mul3A_110, %add3A_127 : i32
      %mul3A_129 = arith.constant 128 : i32
      %mul3A_130 = arith.muli %add3A_128, %mul3A_129 : i32
      %dma_start3A_131 = arith.constant 1 : i32
      %dma_start3A_132 = arith.constant 0 : i32
      %dma_start3A_133 = arith.constant 0 : i32
      %dma_start3A_134 = tpu.memref_slice %arg7[%dma_start3A_131, %dma_start3A_132, %dma_start3A_133] : memref<5x128x64xf32, #tpu.memory_space<vmem>> -> memref<1x128x64xf32, #tpu.memory_space<vmem>>
      %dma_start3A_135 = tpu.memref_squeeze %dma_start3A_134 : memref<1x128x64xf32, #tpu.memory_space<vmem>> -> memref<128x64xf32, #tpu.memory_space<vmem>>
      %dma_start3A_136 = tpu.memref_slice %arg5[%mul3A_130] : memref<10240xi32, #tpu.memory_space<vmem>> -> memref<128xi32, #tpu.memory_space<vmem>>
      %dma_start3A_137 = arith.constant 0 : i32
      %dma_start3A_138 = arith.constant 0 : i32
      %dma_start3A_139 = tpu.memref_slice %arg2[%dma_start3A_137, %dma_start3A_138] : memref<20000x64xf32, #tpu.memory_space<hbm>> -> memref<20000x64xf32, #tpu.memory_space<hbm>>
      tpu.enqueue_indirect_dma source(%dma_start3A_139 : memref<20000x64xf32, #tpu.memory_space<hbm>>) target(%dma_start3A_135 : memref<128x64xf32, #tpu.memory_space<vmem>>) offsets(%dma_start3A_136 : memref<128xi32, #tpu.memory_space<vmem>>) semaphore(%arg11 : memref<!tpu.dma_semaphore, #tpu.memory_space<semaphore_mem>>)
      %add3A_140 = arith.constant 2 : i32
      %add3A_141 = arith.addi %mul3A_110, %add3A_140 : i32
      %mul3A_142 = arith.constant 128 : i32
      %mul3A_143 = arith.muli %add3A_141, %mul3A_142 : i32
      %dma_start3A_144 = arith.constant 2 : i32
      %dma_start3A_145 = arith.constant 0 : i32
      %dma_start3A_146 = arith.constant 0 : i32
      %dma_start3A_147 = tpu.memref_slice %arg7[%dma_start3A_144, %dma_start3A_145, %dma_start3A_146] : memref<5x128x64xf32, #tpu.memory_space<vmem>> -> memref<1x128x64xf32, #tpu.memory_space<vmem>>
      %dma_start3A_148 = tpu.memref_squeeze %dma_start3A_147 : memref<1x128x64xf32, #tpu.memory_space<vmem>> -> memref<128x64xf32, #tpu.memory_space<vmem>>
      %dma_start3A_149 = tpu.memref_slice %arg5[%mul3A_143] : memref<10240xi32, #tpu.memory_space<vmem>> -> memref<128xi32, #tpu.memory_space<vmem>>
      %dma_start3A_150 = arith.constant 0 : i32
      %dma_start3A_151 = arith.constant 0 : i32
      %dma_start3A_152 = tpu.memref_slice %arg2[%dma_start3A_150, %dma_start3A_151] : memref<20000x64xf32, #tpu.memory_space<hbm>> -> memref<20000x64xf32, #tpu.memory_space<hbm>>
      tpu.enqueue_indirect_dma source(%dma_start3A_152 : memref<20000x64xf32, #tpu.memory_space<hbm>>) target(%dma_start3A_148 : memref<128x64xf32, #tpu.memory_space<vmem>>) offsets(%dma_start3A_149 : memref<128xi32, #tpu.memory_space<vmem>>) semaphore(%arg12 : memref<!tpu.dma_semaphore, #tpu.memory_space<semaphore_mem>>)
      %add3A_153 = arith.constant 3 : i32
      %add3A_154 = arith.addi %mul3A_110, %add3A_153 : i32
      %mul3A_155 = arith.constant 128 : i32
      %mul3A_156 = arith.muli %add3A_154, %mul3A_155 : i32
      %dma_start3A_157 = arith.constant 3 : i32
      %dma_start3A_158 = arith.constant 0 : i32
      %dma_start3A_159 = arith.constant 0 : i32
      %dma_start3A_160 = tpu.memref_slice %arg7[%dma_start3A_157, %dma_start3A_158, %dma_start3A_159] : memref<5x128x64xf32, #tpu.memory_space<vmem>> -> memref<1x128x64xf32, #tpu.memory_space<vmem>>
      %dma_start3A_161 = tpu.memref_squeeze %dma_start3A_160 : memref<1x128x64xf32, #tpu.memory_space<vmem>> -> memref<128x64xf32, #tpu.memory_space<vmem>>
      %dma_start3A_162 = tpu.memref_slice %arg5[%mul3A_156] : memref<10240xi32, #tpu.memory_space<vmem>> -> memref<128xi32, #tpu.memory_space<vmem>>
      %dma_start3A_163 = arith.constant 0 : i32
      %dma_start3A_164 = arith.constant 0 : i32
      %dma_start3A_165 = tpu.memref_slice %arg2[%dma_start3A_163, %dma_start3A_164] : memref<20000x64xf32, #tpu.memory_space<hbm>> -> memref<20000x64xf32, #tpu.memory_space<hbm>>
      tpu.enqueue_indirect_dma source(%dma_start3A_165 : memref<20000x64xf32, #tpu.memory_space<hbm>>) target(%dma_start3A_161 : memref<128x64xf32, #tpu.memory_space<vmem>>) offsets(%dma_start3A_162 : memref<128xi32, #tpu.memory_space<vmem>>) semaphore(%arg13 : memref<!tpu.dma_semaphore, #tpu.memory_space<semaphore_mem>>)
      %add3A_166 = arith.constant 4 : i32
      %add3A_167 = arith.addi %mul3A_110, %add3A_166 : i32
      %mul3A_168 = arith.constant 128 : i32
      %mul3A_169 = arith.muli %add3A_167, %mul3A_168 : i32
      %dma_start3A_170 = arith.constant 4 : i32
      %dma_start3A_171 = arith.constant 0 : i32
      %dma_start3A_172 = arith.constant 0 : i32
      %dma_start3A_173 = tpu.memref_slice %arg7[%dma_start3A_170, %dma_start3A_171, %dma_start3A_172] : memref<5x128x64xf32, #tpu.memory_space<vmem>> -> memref<1x128x64xf32, #tpu.memory_space<vmem>>
      %dma_start3A_174 = tpu.memref_squeeze %dma_start3A_173 : memref<1x128x64xf32, #tpu.memory_space<vmem>> -> memref<128x64xf32, #tpu.memory_space<vmem>>
      %dma_start3A_175 = tpu.memref_slice %arg5[%mul3A_169] : memref<10240xi32, #tpu.memory_space<vmem>> -> memref<128xi32, #tpu.memory_space<vmem>>
      %dma_start3A_176 = arith.constant 0 : i32
      %dma_start3A_177 = arith.constant 0 : i32
      %dma_start3A_178 = tpu.memref_slice %arg2[%dma_start3A_176, %dma_start3A_177] : memref<20000x64xf32, #tpu.memory_space<hbm>> -> memref<20000x64xf32, #tpu.memory_space<hbm>>
      tpu.enqueue_indirect_dma source(%dma_start3A_178 : memref<20000x64xf32, #tpu.memory_space<hbm>>) target(%dma_start3A_174 : memref<128x64xf32, #tpu.memory_space<vmem>>) offsets(%dma_start3A_175 : memref<128xi32, #tpu.memory_space<vmem>>) semaphore(%arg14 : memref<!tpu.dma_semaphore, #tpu.memory_space<semaphore_mem>>)
      %dma_wait3A_179 = arith.constant 0 : i32
      %dma_wait3A_180 = arith.constant 0 : i32
      %dma_wait3A_181 = arith.constant 0 : i32
      %dma_wait3A_182 = tpu.memref_slice %arg7[%dma_wait3A_179, %dma_wait3A_180, %dma_wait3A_181] : memref<5x128x64xf32, #tpu.memory_space<vmem>> -> memref<1x128x64xf32, #tpu.memory_space<vmem>>
      %dma_wait3A_183 = tpu.memref_squeeze %dma_wait3A_182 : memref<1x128x64xf32, #tpu.memory_space<vmem>> -> memref<128x64xf32, #tpu.memory_space<vmem>>
      %dma_wait3A_184 = tpu.memref_slice %arg5[%mul3A_118] : memref<10240xi32, #tpu.memory_space<vmem>> -> memref<128xi32, #tpu.memory_space<vmem>>
      %dma_wait3A_185 = arith.constant 0 : i32
      %dma_wait3A_186 = arith.constant 0 : i32
      %dma_wait3A_187 = tpu.memref_slice %arg2[%dma_wait3A_185, %dma_wait3A_186] : memref<20000x64xf32, #tpu.memory_space<hbm>> -> memref<20000x64xf32, #tpu.memory_space<hbm>>
      tpu.wait_indirect_dma semaphore(%arg10 : memref<!tpu.dma_semaphore, #tpu.memory_space<semaphore_mem>>) src(%dma_wait3A_187 : memref<20000x64xf32, #tpu.memory_space<hbm>>) dst(%dma_wait3A_183 : memref<128x64xf32, #tpu.memory_space<vmem>>)
      %add3A_188 = arith.constant 0 : i32
      %add3A_189 = arith.addi %mul3A_110, %add3A_188 : i32
      %mul3A_190 = arith.constant 128 : i32
      %mul3A_191 = arith.muli %add3A_189, %mul3A_190 : i32
      %dma_start3A_192 = arith.constant 0 : i32
      %dma_start3A_193 = arith.constant 0 : i32
      %dma_start3A_194 = arith.constant 0 : i32
      %dma_start3A_195 = tpu.memref_slice %arg7[%dma_start3A_192, %dma_start3A_193, %dma_start3A_194] : memref<5x128x64xf32, #tpu.memory_space<vmem>> -> memref<1x128x64xf32, #tpu.memory_space<vmem>>
      %dma_start3A_196 = tpu.memref_squeeze %dma_start3A_195 : memref<1x128x64xf32, #tpu.memory_space<vmem>> -> memref<128x64xf32, #tpu.memory_space<vmem>>
      %dma_start3A_197 = tpu.memref_slice %arg6[%mul3A_191] : memref<10240xi32, #tpu.memory_space<vmem>> -> memref<128xi32, #tpu.memory_space<vmem>>
      %dma_start3A_198 = arith.constant 0 : i32
      %dma_start3A_199 = arith.constant 0 : i32
      %dma_start3A_200 = tpu.memref_slice %arg9[%dma_start3A_198, %dma_start3A_199] : memref<10640x64xf32, #tpu.memory_space<vmem_shared>> -> memref<10640x64xf32, #tpu.memory_space<vmem_shared>>
      tpu.enqueue_indirect_dma source(%dma_start3A_196 : memref<128x64xf32, #tpu.memory_space<vmem>>) target(%dma_start3A_200 : memref<10640x64xf32, #tpu.memory_space<vmem_shared>>) offsets(%dma_start3A_197 : memref<128xi32, #tpu.memory_space<vmem>>) semaphore(%arg15 : memref<!tpu.dma_semaphore, #tpu.memory_space<semaphore_mem>>) {add = true}
      %dma_wait3A_201 = arith.constant 1 : i32
      %dma_wait3A_202 = arith.constant 0 : i32
      %dma_wait3A_203 = arith.constant 0 : i32
      %dma_wait3A_204 = tpu.memref_slice %arg7[%dma_wait3A_201, %dma_wait3A_202, %dma_wait3A_203] : memref<5x128x64xf32, #tpu.memory_space<vmem>> -> memref<1x128x64xf32, #tpu.memory_space<vmem>>
      %dma_wait3A_205 = tpu.memref_squeeze %dma_wait3A_204 : memref<1x128x64xf32, #tpu.memory_space<vmem>> -> memref<128x64xf32, #tpu.memory_space<vmem>>
      %dma_wait3A_206 = tpu.memref_slice %arg5[%mul3A_130] : memref<10240xi32, #tpu.memory_space<vmem>> -> memref<128xi32, #tpu.memory_space<vmem>>
      %dma_wait3A_207 = arith.constant 0 : i32
      %dma_wait3A_208 = arith.constant 0 : i32
      %dma_wait3A_209 = tpu.memref_slice %arg2[%dma_wait3A_207, %dma_wait3A_208] : memref<20000x64xf32, #tpu.memory_space<hbm>> -> memref<20000x64xf32, #tpu.memory_space<hbm>>
      tpu.wait_indirect_dma semaphore(%arg11 : memref<!tpu.dma_semaphore, #tpu.memory_space<semaphore_mem>>) src(%dma_wait3A_209 : memref<20000x64xf32, #tpu.memory_space<hbm>>) dst(%dma_wait3A_205 : memref<128x64xf32, #tpu.memory_space<vmem>>)
      %add3A_210 = arith.constant 1 : i32
      %add3A_211 = arith.addi %mul3A_110, %add3A_210 : i32
      %mul3A_212 = arith.constant 128 : i32
      %mul3A_213 = arith.muli %add3A_211, %mul3A_212 : i32
      %dma_start3A_214 = arith.constant 1 : i32
      %dma_start3A_215 = arith.constant 0 : i32
      %dma_start3A_216 = arith.constant 0 : i32
      %dma_start3A_217 = tpu.memref_slice %arg7[%dma_start3A_214, %dma_start3A_215, %dma_start3A_216] : memref<5x128x64xf32, #tpu.memory_space<vmem>> -> memref<1x128x64xf32, #tpu.memory_space<vmem>>
      %dma_start3A_218 = tpu.memref_squeeze %dma_start3A_217 : memref<1x128x64xf32, #tpu.memory_space<vmem>> -> memref<128x64xf32, #tpu.memory_space<vmem>>
      %dma_start3A_219 = tpu.memref_slice %arg6[%mul3A_213] : memref<10240xi32, #tpu.memory_space<vmem>> -> memref<128xi32, #tpu.memory_space<vmem>>
      %dma_start3A_220 = arith.constant 0 : i32
      %dma_start3A_221 = arith.constant 0 : i32
      %dma_start3A_222 = tpu.memref_slice %arg9[%dma_start3A_220, %dma_start3A_221] : memref<10640x64xf32, #tpu.memory_space<vmem_shared>> -> memref<10640x64xf32, #tpu.memory_space<vmem_shared>>
      tpu.enqueue_indirect_dma source(%dma_start3A_218 : memref<128x64xf32, #tpu.memory_space<vmem>>) target(%dma_start3A_222 : memref<10640x64xf32, #tpu.memory_space<vmem_shared>>) offsets(%dma_start3A_219 : memref<128xi32, #tpu.memory_space<vmem>>) semaphore(%arg16 : memref<!tpu.dma_semaphore, #tpu.memory_space<semaphore_mem>>) {add = true}
      %dma_wait3A_223 = arith.constant 2 : i32
      %dma_wait3A_224 = arith.constant 0 : i32
      %dma_wait3A_225 = arith.constant 0 : i32
      %dma_wait3A_226 = tpu.memref_slice %arg7[%dma_wait3A_223, %dma_wait3A_224, %dma_wait3A_225] : memref<5x128x64xf32, #tpu.memory_space<vmem>> -> memref<1x128x64xf32, #tpu.memory_space<vmem>>
      %dma_wait3A_227 = tpu.memref_squeeze %dma_wait3A_226 : memref<1x128x64xf32, #tpu.memory_space<vmem>> -> memref<128x64xf32, #tpu.memory_space<vmem>>
      %dma_wait3A_228 = tpu.memref_slice %arg5[%mul3A_143] : memref<10240xi32, #tpu.memory_space<vmem>> -> memref<128xi32, #tpu.memory_space<vmem>>
      %dma_wait3A_229 = arith.constant 0 : i32
      %dma_wait3A_230 = arith.constant 0 : i32
      %dma_wait3A_231 = tpu.memref_slice %arg2[%dma_wait3A_229, %dma_wait3A_230] : memref<20000x64xf32, #tpu.memory_space<hbm>> -> memref<20000x64xf32, #tpu.memory_space<hbm>>
      tpu.wait_indirect_dma semaphore(%arg12 : memref<!tpu.dma_semaphore, #tpu.memory_space<semaphore_mem>>) src(%dma_wait3A_231 : memref<20000x64xf32, #tpu.memory_space<hbm>>) dst(%dma_wait3A_227 : memref<128x64xf32, #tpu.memory_space<vmem>>)
      %add3A_232 = arith.constant 2 : i32
      %add3A_233 = arith.addi %mul3A_110, %add3A_232 : i32
      %mul3A_234 = arith.constant 128 : i32
      %mul3A_235 = arith.muli %add3A_233, %mul3A_234 : i32
      %dma_start3A_236 = arith.constant 2 : i32
      %dma_start3A_237 = arith.constant 0 : i32
      %dma_start3A_238 = arith.constant 0 : i32
      %dma_start3A_239 = tpu.memref_slice %arg7[%dma_start3A_236, %dma_start3A_237, %dma_start3A_238] : memref<5x128x64xf32, #tpu.memory_space<vmem>> -> memref<1x128x64xf32, #tpu.memory_space<vmem>>
      %dma_start3A_240 = tpu.memref_squeeze %dma_start3A_239 : memref<1x128x64xf32, #tpu.memory_space<vmem>> -> memref<128x64xf32, #tpu.memory_space<vmem>>
      %dma_start3A_241 = tpu.memref_slice %arg6[%mul3A_235] : memref<10240xi32, #tpu.memory_space<vmem>> -> memref<128xi32, #tpu.memory_space<vmem>>
      %dma_start3A_242 = arith.constant 0 : i32
      %dma_start3A_243 = arith.constant 0 : i32
      %dma_start3A_244 = tpu.memref_slice %arg9[%dma_start3A_242, %dma_start3A_243] : memref<10640x64xf32, #tpu.memory_space<vmem_shared>> -> memref<10640x64xf32, #tpu.memory_space<vmem_shared>>
      tpu.enqueue_indirect_dma source(%dma_start3A_240 : memref<128x64xf32, #tpu.memory_space<vmem>>) target(%dma_start3A_244 : memref<10640x64xf32, #tpu.memory_space<vmem_shared>>) offsets(%dma_start3A_241 : memref<128xi32, #tpu.memory_space<vmem>>) semaphore(%arg17 : memref<!tpu.dma_semaphore, #tpu.memory_space<semaphore_mem>>) {add = true}
      %dma_wait3A_245 = arith.constant 3 : i32
      %dma_wait3A_246 = arith.constant 0 : i32
      %dma_wait3A_247 = arith.constant 0 : i32
      %dma_wait3A_248 = tpu.memref_slice %arg7[%dma_wait3A_245, %dma_wait3A_246, %dma_wait3A_247] : memref<5x128x64xf32, #tpu.memory_space<vmem>> -> memref<1x128x64xf32, #tpu.memory_space<vmem>>
      %dma_wait3A_249 = tpu.memref_squeeze %dma_wait3A_248 : memref<1x128x64xf32, #tpu.memory_space<vmem>> -> memref<128x64xf32, #tpu.memory_space<vmem>>
      %dma_wait3A_250 = tpu.memref_slice %arg5[%mul3A_156] : memref<10240xi32, #tpu.memory_space<vmem>> -> memref<128xi32, #tpu.memory_space<vmem>>
      %dma_wait3A_251 = arith.constant 0 : i32
      %dma_wait3A_252 = arith.constant 0 : i32
      %dma_wait3A_253 = tpu.memref_slice %arg2[%dma_wait3A_251, %dma_wait3A_252] : memref<20000x64xf32, #tpu.memory_space<hbm>> -> memref<20000x64xf32, #tpu.memory_space<hbm>>
      tpu.wait_indirect_dma semaphore(%arg13 : memref<!tpu.dma_semaphore, #tpu.memory_space<semaphore_mem>>) src(%dma_wait3A_253 : memref<20000x64xf32, #tpu.memory_space<hbm>>) dst(%dma_wait3A_249 : memref<128x64xf32, #tpu.memory_space<vmem>>)
      %add3A_254 = arith.constant 3 : i32
      %add3A_255 = arith.addi %mul3A_110, %add3A_254 : i32
      %mul3A_256 = arith.constant 128 : i32
      %mul3A_257 = arith.muli %add3A_255, %mul3A_256 : i32
      %dma_start3A_258 = arith.constant 3 : i32
      %dma_start3A_259 = arith.constant 0 : i32
      %dma_start3A_260 = arith.constant 0 : i32
      %dma_start3A_261 = tpu.memref_slice %arg7[%dma_start3A_258, %dma_start3A_259, %dma_start3A_260] : memref<5x128x64xf32, #tpu.memory_space<vmem>> -> memref<1x128x64xf32, #tpu.memory_space<vmem>>
      %dma_start3A_262 = tpu.memref_squeeze %dma_start3A_261 : memref<1x128x64xf32, #tpu.memory_space<vmem>> -> memref<128x64xf32, #tpu.memory_space<vmem>>
      %dma_start3A_263 = tpu.memref_slice %arg6[%mul3A_257] : memref<10240xi32, #tpu.memory_space<vmem>> -> memref<128xi32, #tpu.memory_space<vmem>>
      %dma_start3A_264 = arith.constant 0 : i32
      %dma_start3A_265 = arith.constant 0 : i32
      %dma_start3A_266 = tpu.memref_slice %arg9[%dma_start3A_264, %dma_start3A_265] : memref<10640x64xf32, #tpu.memory_space<vmem_shared>> -> memref<10640x64xf32, #tpu.memory_space<vmem_shared>>
      tpu.enqueue_indirect_dma source(%dma_start3A_262 : memref<128x64xf32, #tpu.memory_space<vmem>>) target(%dma_start3A_266 : memref<10640x64xf32, #tpu.memory_space<vmem_shared>>) offsets(%dma_start3A_263 : memref<128xi32, #tpu.memory_space<vmem>>) semaphore(%arg18 : memref<!tpu.dma_semaphore, #tpu.memory_space<semaphore_mem>>) {add = true}
      %dma_wait3A_267 = arith.constant 4 : i32
      %dma_wait3A_268 = arith.constant 0 : i32
      %dma_wait3A_269 = arith.constant 0 : i32
      %dma_wait3A_270 = tpu.memref_slice %arg7[%dma_wait3A_267, %dma_wait3A_268, %dma_wait3A_269] : memref<5x128x64xf32, #tpu.memory_space<vmem>> -> memref<1x128x64xf32, #tpu.memory_space<vmem>>
      %dma_wait3A_271 = tpu.memref_squeeze %dma_wait3A_270 : memref<1x128x64xf32, #tpu.memory_space<vmem>> -> memref<128x64xf32, #tpu.memory_space<vmem>>
      %dma_wait3A_272 = tpu.memref_slice %arg5[%mul3A_169] : memref<10240xi32, #tpu.memory_space<vmem>> -> memref<128xi32, #tpu.memory_space<vmem>>
      %dma_wait3A_273 = arith.constant 0 : i32
      %dma_wait3A_274 = arith.constant 0 : i32
      %dma_wait3A_275 = tpu.memref_slice %arg2[%dma_wait3A_273, %dma_wait3A_274] : memref<20000x64xf32, #tpu.memory_space<hbm>> -> memref<20000x64xf32, #tpu.memory_space<hbm>>
      tpu.wait_indirect_dma semaphore(%arg14 : memref<!tpu.dma_semaphore, #tpu.memory_space<semaphore_mem>>) src(%dma_wait3A_275 : memref<20000x64xf32, #tpu.memory_space<hbm>>) dst(%dma_wait3A_271 : memref<128x64xf32, #tpu.memory_space<vmem>>)
      %add3A_276 = arith.constant 4 : i32
      %add3A_277 = arith.addi %mul3A_110, %add3A_276 : i32
      %mul3A_278 = arith.constant 128 : i32
      %mul3A_279 = arith.muli %add3A_277, %mul3A_278 : i32
      %dma_start3A_280 = arith.constant 4 : i32
      %dma_start3A_281 = arith.constant 0 : i32
      %dma_start3A_282 = arith.constant 0 : i32
      %dma_start3A_283 = tpu.memref_slice %arg7[%dma_start3A_280, %dma_start3A_281, %dma_start3A_282] : memref<5x128x64xf32, #tpu.memory_space<vmem>> -> memref<1x128x64xf32, #tpu.memory_space<vmem>>
      %dma_start3A_284 = tpu.memref_squeeze %dma_start3A_283 : memref<1x128x64xf32, #tpu.memory_space<vmem>> -> memref<128x64xf32, #tpu.memory_space<vmem>>
      %dma_start3A_285 = tpu.memref_slice %arg6[%mul3A_279] : memref<10240xi32, #tpu.memory_space<vmem>> -> memref<128xi32, #tpu.memory_space<vmem>>
      %dma_start3A_286 = arith.constant 0 : i32
      %dma_start3A_287 = arith.constant 0 : i32
      %dma_start3A_288 = tpu.memref_slice %arg9[%dma_start3A_286, %dma_start3A_287] : memref<10640x64xf32, #tpu.memory_space<vmem_shared>> -> memref<10640x64xf32, #tpu.memory_space<vmem_shared>>
      tpu.enqueue_indirect_dma source(%dma_start3A_284 : memref<128x64xf32, #tpu.memory_space<vmem>>) target(%dma_start3A_288 : memref<10640x64xf32, #tpu.memory_space<vmem_shared>>) offsets(%dma_start3A_285 : memref<128xi32, #tpu.memory_space<vmem>>) semaphore(%arg19 : memref<!tpu.dma_semaphore, #tpu.memory_space<semaphore_mem>>) {add = true}
    }
    %scan3A_47 = arith.constant 16 : i32
    %dma_wait3A = arith.constant 0 : i32
    %dma_wait3A_48 = arith.constant 0 : i32
    %dma_wait3A_49 = arith.constant 0 : i32
    %dma_wait3A_50 = tpu.memref_slice %arg7[%dma_wait3A, %dma_wait3A_48, %dma_wait3A_49] : memref<5x128x64xf32, #tpu.memory_space<vmem>> -> memref<1x128x64xf32, #tpu.memory_space<vmem>>
    %dma_wait3A_51 = tpu.memref_squeeze %dma_wait3A_50 : memref<1x128x64xf32, #tpu.memory_space<vmem>> -> memref<128x64xf32, #tpu.memory_space<vmem>>
    %dma_wait3A_52 = arith.constant 0 : i32
    %dma_wait3A_53 = tpu.memref_slice %arg6[%dma_wait3A_52] : memref<10240xi32, #tpu.memory_space<vmem>> -> memref<128xi32, #tpu.memory_space<vmem>>
    %dma_wait3A_54 = arith.constant 0 : i32
    %dma_wait3A_55 = arith.constant 0 : i32
    %dma_wait3A_56 = tpu.memref_slice %arg9[%dma_wait3A_54, %dma_wait3A_55] : memref<10640x64xf32, #tpu.memory_space<vmem_shared>> -> memref<10640x64xf32, #tpu.memory_space<vmem_shared>>
    tpu.wait_indirect_dma semaphore(%arg15 : memref<!tpu.dma_semaphore, #tpu.memory_space<semaphore_mem>>) src(%dma_wait3A_51 : memref<128x64xf32, #tpu.memory_space<vmem>>) dst(%dma_wait3A_56 : memref<10640x64xf32, #tpu.memory_space<vmem_shared>>)
    %dma_wait3A_57 = arith.constant 1 : i32
    %dma_wait3A_58 = arith.constant 0 : i32
    %dma_wait3A_59 = arith.constant 0 : i32
    %dma_wait3A_60 = tpu.memref_slice %arg7[%dma_wait3A_57, %dma_wait3A_58, %dma_wait3A_59] : memref<5x128x64xf32, #tpu.memory_space<vmem>> -> memref<1x128x64xf32, #tpu.memory_space<vmem>>
    %dma_wait3A_61 = tpu.memref_squeeze %dma_wait3A_60 : memref<1x128x64xf32, #tpu.memory_space<vmem>> -> memref<128x64xf32, #tpu.memory_space<vmem>>
    %dma_wait3A_62 = arith.constant 128 : i32
    %dma_wait3A_63 = tpu.memref_slice %arg6[%dma_wait3A_62] : memref<10240xi32, #tpu.memory_space<vmem>> -> memref<128xi32, #tpu.memory_space<vmem>>
    %dma_wait3A_64 = arith.constant 0 : i32
    %dma_wait3A_65 = arith.constant 0 : i32
    %dma_wait3A_66 = tpu.memref_slice %arg9[%dma_wait3A_64, %dma_wait3A_65] : memref<10640x64xf32, #tpu.memory_space<vmem_shared>> -> memref<10640x64xf32, #tpu.memory_space<vmem_shared>>
    tpu.wait_indirect_dma semaphore(%arg16 : memref<!tpu.dma_semaphore, #tpu.memory_space<semaphore_mem>>) src(%dma_wait3A_61 : memref<128x64xf32, #tpu.memory_space<vmem>>) dst(%dma_wait3A_66 : memref<10640x64xf32, #tpu.memory_space<vmem_shared>>)
    %dma_wait3A_67 = arith.constant 2 : i32
    %dma_wait3A_68 = arith.constant 0 : i32
    %dma_wait3A_69 = arith.constant 0 : i32
    %dma_wait3A_70 = tpu.memref_slice %arg7[%dma_wait3A_67, %dma_wait3A_68, %dma_wait3A_69] : memref<5x128x64xf32, #tpu.memory_space<vmem>> -> memref<1x128x64xf32, #tpu.memory_space<vmem>>
    %dma_wait3A_71 = tpu.memref_squeeze %dma_wait3A_70 : memref<1x128x64xf32, #tpu.memory_space<vmem>> -> memref<128x64xf32, #tpu.memory_space<vmem>>
    %dma_wait3A_72 = arith.constant 256 : i32
    %dma_wait3A_73 = tpu.memref_slice %arg6[%dma_wait3A_72] : memref<10240xi32, #tpu.memory_space<vmem>> -> memref<128xi32, #tpu.memory_space<vmem>>
    %dma_wait3A_74 = arith.constant 0 : i32
    %dma_wait3A_75 = arith.constant 0 : i32
    %dma_wait3A_76 = tpu.memref_slice %arg9[%dma_wait3A_74, %dma_wait3A_75] : memref<10640x64xf32, #tpu.memory_space<vmem_shared>> -> memref<10640x64xf32, #tpu.memory_space<vmem_shared>>
    tpu.wait_indirect_dma semaphore(%arg17 : memref<!tpu.dma_semaphore, #tpu.memory_space<semaphore_mem>>) src(%dma_wait3A_71 : memref<128x64xf32, #tpu.memory_space<vmem>>) dst(%dma_wait3A_76 : memref<10640x64xf32, #tpu.memory_space<vmem_shared>>)
    %dma_wait3A_77 = arith.constant 3 : i32
    %dma_wait3A_78 = arith.constant 0 : i32
    %dma_wait3A_79 = arith.constant 0 : i32
    %dma_wait3A_80 = tpu.memref_slice %arg7[%dma_wait3A_77, %dma_wait3A_78, %dma_wait3A_79] : memref<5x128x64xf32, #tpu.memory_space<vmem>> -> memref<1x128x64xf32, #tpu.memory_space<vmem>>
    %dma_wait3A_81 = tpu.memref_squeeze %dma_wait3A_80 : memref<1x128x64xf32, #tpu.memory_space<vmem>> -> memref<128x64xf32, #tpu.memory_space<vmem>>
    %dma_wait3A_82 = arith.constant 384 : i32
    %dma_wait3A_83 = tpu.memref_slice %arg6[%dma_wait3A_82] : memref<10240xi32, #tpu.memory_space<vmem>> -> memref<128xi32, #tpu.memory_space<vmem>>
    %dma_wait3A_84 = arith.constant 0 : i32
    %dma_wait3A_85 = arith.constant 0 : i32
    %dma_wait3A_86 = tpu.memref_slice %arg9[%dma_wait3A_84, %dma_wait3A_85] : memref<10640x64xf32, #tpu.memory_space<vmem_shared>> -> memref<10640x64xf32, #tpu.memory_space<vmem_shared>>
    tpu.wait_indirect_dma semaphore(%arg18 : memref<!tpu.dma_semaphore, #tpu.memory_space<semaphore_mem>>) src(%dma_wait3A_81 : memref<128x64xf32, #tpu.memory_space<vmem>>) dst(%dma_wait3A_86 : memref<10640x64xf32, #tpu.memory_space<vmem_shared>>)
    %dma_wait3A_87 = arith.constant 4 : i32
    %dma_wait3A_88 = arith.constant 0 : i32
    %dma_wait3A_89 = arith.constant 0 : i32
    %dma_wait3A_90 = tpu.memref_slice %arg7[%dma_wait3A_87, %dma_wait3A_88, %dma_wait3A_89] : memref<5x128x64xf32, #tpu.memory_space<vmem>> -> memref<1x128x64xf32, #tpu.memory_space<vmem>>
    %dma_wait3A_91 = tpu.memref_squeeze %dma_wait3A_90 : memref<1x128x64xf32, #tpu.memory_space<vmem>> -> memref<128x64xf32, #tpu.memory_space<vmem>>
    %dma_wait3A_92 = arith.constant 512 : i32
    %dma_wait3A_93 = tpu.memref_slice %arg6[%dma_wait3A_92] : memref<10240xi32, #tpu.memory_space<vmem>> -> memref<128xi32, #tpu.memory_space<vmem>>
    %dma_wait3A_94 = arith.constant 0 : i32
    %dma_wait3A_95 = arith.constant 0 : i32
    %dma_wait3A_96 = tpu.memref_slice %arg9[%dma_wait3A_94, %dma_wait3A_95] : memref<10640x64xf32, #tpu.memory_space<vmem_shared>> -> memref<10640x64xf32, #tpu.memory_space<vmem_shared>>
    tpu.wait_indirect_dma semaphore(%arg19 : memref<!tpu.dma_semaphore, #tpu.memory_space<semaphore_mem>>) src(%dma_wait3A_91 : memref<128x64xf32, #tpu.memory_space<vmem>>) dst(%dma_wait3A_96 : memref<10640x64xf32, #tpu.memory_space<vmem_shared>>)
    %barrier3A_97 = arith.constant 0 : index
    tpu.barrier barrier_id(%barrier3A_97)
    %lt3A_98 = arith.constant 15 : i32
    %lt3A_99 = arith.cmpi slt, %arg1, %lt3A_98 : i32
    %convert_element_type3A_100 = arith.extui %lt3A_99 : i1 to i32
    %cond3A_101 = arith.constant 0 : i32
    %cond3A_102 = arith.cmpi ne, %convert_element_type3A_100, %cond3A_101 : i32
    scf.if %cond3A_102 {
      %mul3A_108 = arith.constant 624 : i32
      %mul3A_109 = arith.muli %arg1, %mul3A_108 : i32
      %mul3A_110 = arith.constant 624 : i32
      %mul3A_111 = arith.muli %arg1, %mul3A_110 : i32
      "tpu.region"() ({
        %run_scoped3A = tpu.sem_alloc : memref<!tpu.dma_semaphore, #tpu.memory_space<semaphore_mem>>
        %dma_start3A = arith.constant 0 : i32
        %dma_start3A_112 = tpu.memref_slice %arg4[%arg0, %mul3A_111, %dma_start3A] : memref<2x10000x128xf32, #tpu.memory_space<hbm>> -> memref<1x624x64xf32, #tpu.memory_space<hbm>>
        %dma_start3A_113 = tpu.memref_squeeze %dma_start3A_112 : memref<1x624x64xf32, #tpu.memory_space<hbm>> -> memref<624x64xf32, #tpu.memory_space<hbm>>
        %dma_start3A_114 = arith.constant 0 : i32
        %dma_start3A_115 = tpu.memref_slice %arg9[%mul3A_109, %dma_start3A_114] : memref<10640x64xf32, #tpu.memory_space<vmem_shared>> -> memref<624x64xf32, #tpu.memory_space<vmem_shared>>
        tpu.enqueue_dma source(%dma_start3A_115 : memref<624x64xf32, #tpu.memory_space<vmem_shared>>) target(%dma_start3A_113 : memref<624x64xf32, #tpu.memory_space<hbm>>) target_semaphore(%run_scoped3A : memref<!tpu.dma_semaphore, #tpu.memory_space<semaphore_mem>>)
        %dma_wait3A_116 = arith.constant 0 : i32
        %dma_wait3A_117 = tpu.memref_slice %arg4[%arg0, %mul3A_111, %dma_wait3A_116] : memref<2x10000x128xf32, #tpu.memory_space<hbm>> -> memref<1x624x64xf32, #tpu.memory_space<hbm>>
        %dma_wait3A_118 = tpu.memref_squeeze %dma_wait3A_117 : memref<1x624x64xf32, #tpu.memory_space<hbm>> -> memref<624x64xf32, #tpu.memory_space<hbm>>
        %dma_wait3A_119 = arith.constant 0 : i32
        %dma_wait3A_120 = tpu.memref_slice %arg9[%mul3A_109, %dma_wait3A_119] : memref<10640x64xf32, #tpu.memory_space<vmem_shared>> -> memref<624x64xf32, #tpu.memory_space<vmem_shared>>
        tpu.wait_dma2 semaphore(%run_scoped3A : memref<!tpu.dma_semaphore, #tpu.memory_space<semaphore_mem>>) src(%dma_wait3A_120 : memref<624x64xf32, #tpu.memory_space<vmem_shared>>) dst(%dma_wait3A_118 : memref<624x64xf32, #tpu.memory_space<hbm>>)
        tpu.yield
      }) : () -> ()
    } else {
    }
    %eq3A_103 = arith.constant 15 : i32
    %eq3A_104 = arith.cmpi eq, %arg1, %eq3A_103 : i32
    %convert_element_type3A_105 = arith.extui %eq3A_104 : i1 to i32
    %cond3A_106 = arith.constant 0 : i32
    %cond3A_107 = arith.cmpi ne, %convert_element_type3A_105, %cond3A_106 : i32
    scf.if %cond3A_107 {
      "tpu.region"() ({
        %run_scoped3A = tpu.sem_alloc : memref<!tpu.dma_semaphore, #tpu.memory_space<semaphore_mem>>
        %dma_start3A = arith.constant 9360 : i32
        %dma_start3A_108 = arith.constant 0 : i32
        %dma_start3A_109 = tpu.memref_slice %arg4[%arg0, %dma_start3A, %dma_start3A_108] : memref<2x10000x128xf32, #tpu.memory_space<hbm>> -> memref<1x640x64xf32, #tpu.memory_space<hbm>>
        %dma_start3A_110 = tpu.memref_squeeze %dma_start3A_109 : memref<1x640x64xf32, #tpu.memory_space<hbm>> -> memref<640x64xf32, #tpu.memory_space<hbm>>
        %dma_start3A_111 = arith.constant 9360 : i32
        %dma_start3A_112 = arith.constant 0 : i32
        %dma_start3A_113 = tpu.memref_slice %arg9[%dma_start3A_111, %dma_start3A_112] : memref<10640x64xf32, #tpu.memory_space<vmem_shared>> -> memref<640x64xf32, #tpu.memory_space<vmem_shared>>
        tpu.enqueue_dma source(%dma_start3A_113 : memref<640x64xf32, #tpu.memory_space<vmem_shared>>) target(%dma_start3A_110 : memref<640x64xf32, #tpu.memory_space<hbm>>) target_semaphore(%run_scoped3A : memref<!tpu.dma_semaphore, #tpu.memory_space<semaphore_mem>>)
        %dma_wait3A_114 = arith.constant 9360 : i32
        %dma_wait3A_115 = arith.constant 0 : i32
        %dma_wait3A_116 = tpu.memref_slice %arg4[%arg0, %dma_wait3A_114, %dma_wait3A_115] : memref<2x10000x128xf32, #tpu.memory_space<hbm>> -> memref<1x640x64xf32, #tpu.memory_space<hbm>>
        %dma_wait3A_117 = tpu.memref_squeeze %dma_wait3A_116 : memref<1x640x64xf32, #tpu.memory_space<hbm>> -> memref<640x64xf32, #tpu.memory_space<hbm>>
        %dma_wait3A_118 = arith.constant 9360 : i32
        %dma_wait3A_119 = arith.constant 0 : i32
        %dma_wait3A_120 = tpu.memref_slice %arg9[%dma_wait3A_118, %dma_wait3A_119] : memref<10640x64xf32, #tpu.memory_space<vmem_shared>> -> memref<640x64xf32, #tpu.memory_space<vmem_shared>>
        tpu.wait_dma2 semaphore(%run_scoped3A : memref<!tpu.dma_semaphore, #tpu.memory_space<semaphore_mem>>) src(%dma_wait3A_120 : memref<640x64xf32, #tpu.memory_space<vmem_shared>>) dst(%dma_wait3A_117 : memref<640x64xf32, #tpu.memory_space<hbm>>)
        tpu.yield
      }) : () -> ()
    } else {
    }
    return
  }
}

module attributes {stable_mosaic.version = 14 : i64} {
  func.func @body(%arg0: i32, %arg1: memref<1000x128xf32, #tpu.memory_space<vmem>>, %arg2: memref<128x128xf32, #tpu.memory_space<vmem>>, %arg3: memref<1x128xf32, #tpu.memory_space<vmem>>, %arg4: memref<128x64xf32, #tpu.memory_space<vmem>>, %arg5: memref<1x64xf32, #tpu.memory_space<vmem>>, %arg6: memref<1000x128xf32, #tpu.memory_space<vmem>>, %arg7: memref<1000x64xf32, #tpu.memory_space<vmem>>) attributes {dimension_semantics = [#tpu.dimension_semantics<arbitrary>], iteration_bounds = array<i64: 10>, scalar_prefetch = 0 : i64, scratch_operands = 0 : i64, tpu.core_type = #tpu.core_type<tc>, window_params = [{transform_indices = @transform_0, window_bounds = array<i64: 1000, 128>}, {pipeline_mode = #tpu.pipeline_mode<synchronous>, transform_indices = @transform_1, window_bounds = array<i64: 128, 128>}, {pipeline_mode = #tpu.pipeline_mode<synchronous>, transform_indices = @transform_2, window_bounds = array<i64: 1, 128>}, {pipeline_mode = #tpu.pipeline_mode<synchronous>, transform_indices = @transform_3, window_bounds = array<i64: 128, 64>}, {pipeline_mode = #tpu.pipeline_mode<synchronous>, transform_indices = @transform_4, window_bounds = array<i64: 1, 64>}, {transform_indices = @transform_5, window_bounds = array<i64: 1000, 128>}, {transform_indices = @transform_6, window_bounds = array<i64: 1000, 64>}]} {
    %get3A = arith.constant 0 : index
    %get3A_0 = arith.constant 0 : index
    %get3A_1 = vector.load %arg1[%get3A, %get3A_0] : memref<1000x128xf32, #tpu.memory_space<vmem>>, vector<1000x128xf32>
    %get3A_2 = arith.constant 0 : index
    %get3A_3 = arith.constant 0 : index
    %get3A_4 = vector.load %arg2[%get3A_2, %get3A_3] : memref<128x128xf32, #tpu.memory_space<vmem>>, vector<128x128xf32>
    %dot_general3A = arith.constant dense<0.000000e+00> : vector<1000x128xf32>
    %dot_general3A_5 = tpu.matmul %get3A_1, %get3A_4, %dot_general3A {dimension_numbers = #tpu.dot_dimension_numbers<[1], [0], [0], [1], [0, 0, 1, 1], [], []>, transpose_lhs_hint = false} : vector<1000x128xf32>, vector<128x128xf32>, vector<1000x128xf32> -> vector<1000x128xf32>
    %get3A_6 = arith.constant 0 : index
    %get3A_7 = arith.constant 0 : index
    %get3A_8 = vector.load %arg3[%get3A_6, %get3A_7] : memref<1x128xf32, #tpu.memory_space<vmem>>, vector<1x128xf32>
    %add3A = vector.broadcast %get3A_8 : vector<1x128xf32> to vector<1000x128xf32>
    %add3A_9 = arith.addf %dot_general3A_5, %add3A : vector<1000x128xf32>
    %swap3A = arith.constant 0 : index
    %swap3A_10 = arith.constant 0 : index
    %swap3A_11 = vector.load %arg6[%swap3A, %swap3A_10] : memref<1000x128xf32, #tpu.memory_space<vmem>>, vector<1000x128xf32>
    tpu.vector_store %arg6[%swap3A, %swap3A_10], %add3A_9 {strides = array<i32>} : memref<1000x128xf32, #tpu.memory_space<vmem>>, vector<1000x128xf32>,
    %get3A_12 = arith.constant 0 : index
    %get3A_13 = arith.constant 0 : index
    %get3A_14 = vector.load %arg4[%get3A_12, %get3A_13] : memref<128x64xf32, #tpu.memory_space<vmem>>, vector<128x64xf32>
    %dot_general3A_15 = arith.constant dense<0.000000e+00> : vector<1000x64xf32>
    %dot_general3A_16 = tpu.matmul %get3A_1, %get3A_14, %dot_general3A_15 {dimension_numbers = #tpu.dot_dimension_numbers<[1], [0], [0], [1], [0, 0, 1, 1], [], []>, transpose_lhs_hint = false} : vector<1000x128xf32>, vector<128x64xf32>, vector<1000x64xf32> -> vector<1000x64xf32>
    %get3A_17 = arith.constant 0 : index
    %get3A_18 = arith.constant 0 : index
    %get3A_19 = vector.load %arg5[%get3A_17, %get3A_18] : memref<1x64xf32, #tpu.memory_space<vmem>>, vector<1x64xf32>
    %add3A_20 = vector.broadcast %get3A_19 : vector<1x64xf32> to vector<1000x64xf32>
    %add3A_21 = arith.addf %dot_general3A_16, %add3A_20 : vector<1000x64xf32>
    %swap3A_22 = arith.constant 0 : index
    %swap3A_23 = arith.constant 0 : index
    %swap3A_24 = vector.load %arg7[%swap3A_22, %swap3A_23] : memref<1000x64xf32, #tpu.memory_space<vmem>>, vector<1000x64xf32>
    tpu.vector_store %arg7[%swap3A_22, %swap3A_23], %add3A_21 {strides = array<i32>} : memref<1000x64xf32, #tpu.memory_space<vmem>>, vector<1000x64xf32>,
    return
  }
  func.func @transform_0(%arg0: i32) -> (i32, i32) {
    %c0_i32 = arith.constant 0 : i32
    %c0_i32_0 = arith.constant 0 : i32
    return %arg0, %c0_i32 : i32, i32
  }
  func.func @transform_1(%arg0: i32) -> (i32, i32) {
    %c0_i32 = arith.constant 0 : i32
    %c0_i32_0 = arith.constant 0 : i32
    %c0_i32_1 = arith.constant 0 : i32
    return %c0_i32, %c0_i32_0 : i32, i32
  }
  func.func @transform_2(%arg0: i32) -> (i32, i32) {
    %c0_i32 = arith.constant 0 : i32
    %c0_i32_0 = arith.constant 0 : i32
    %c0_i32_1 = arith.constant 0 : i32
    return %c0_i32, %c0_i32_0 : i32, i32
  }
  func.func @transform_3(%arg0: i32) -> (i32, i32) {
    %c0_i32 = arith.constant 0 : i32
    %c0_i32_0 = arith.constant 0 : i32
    %c0_i32_1 = arith.constant 0 : i32
    return %c0_i32, %c0_i32_0 : i32, i32
  }
  func.func @transform_4(%arg0: i32) -> (i32, i32) {
    %c0_i32 = arith.constant 0 : i32
    %c0_i32_0 = arith.constant 0 : i32
    %c0_i32_1 = arith.constant 0 : i32
    return %c0_i32, %c0_i32_0 : i32, i32
  }
  func.func @transform_5(%arg0: i32) -> (i32, i32) {
    %c0_i32 = arith.constant 0 : i32
    %c0_i32_0 = arith.constant 0 : i32
    return %arg0, %c0_i32 : i32, i32
  }
  func.func @transform_6(%arg0: i32) -> (i32, i32) {
    %c0_i32 = arith.constant 0 : i32
    %c0_i32_0 = arith.constant 0 : i32
    return %arg0, %c0_i32 : i32, i32
  }
}

module attributes {stable_mosaic.version = 14 : i64} {
  func.func @body(%arg0: i32, %arg1: memref<2x1000x128xf32, #tpu.memory_space<vmem>>, %arg2: memref<1000x64xf32, #tpu.memory_space<vmem>>, %arg3: memref<64x128xf32, #tpu.memory_space<vmem>>, %arg4: memref<1x128xf32, #tpu.memory_space<vmem>>, %arg5: memref<64x64xf32, #tpu.memory_space<vmem>>, %arg6: memref<1x64xf32, #tpu.memory_space<vmem>>, %arg7: memref<1000x128xf32, #tpu.memory_space<vmem>>, %arg8: memref<1000x64xf32, #tpu.memory_space<vmem>>) attributes {dimension_semantics = [#tpu.dimension_semantics<arbitrary>], iteration_bounds = array<i64: 10>, scalar_prefetch = 0 : i64, scratch_operands = 0 : i64, tpu.core_type = #tpu.core_type<tc>, window_params = [{transform_indices = @transform_0, window_bounds = array<i64: 2, 1000, 128>}, {transform_indices = @transform_1, window_bounds = array<i64: 1000, 64>}, {pipeline_mode = #tpu.pipeline_mode<synchronous>, transform_indices = @transform_2, window_bounds = array<i64: 64, 128>}, {pipeline_mode = #tpu.pipeline_mode<synchronous>, transform_indices = @transform_3, window_bounds = array<i64: 1, 128>}, {pipeline_mode = #tpu.pipeline_mode<synchronous>, transform_indices = @transform_4, window_bounds = array<i64: 64, 64>}, {pipeline_mode = #tpu.pipeline_mode<synchronous>, transform_indices = @transform_5, window_bounds = array<i64: 1, 64>}, {transform_indices = @transform_6, window_bounds = array<i64: 1000, 128>}, {transform_indices = @transform_7, window_bounds = array<i64: 1000, 64>}]} {
    %get3A = arith.constant 0 : index
    %get3A_0 = arith.constant 0 : index
    %get3A_1 = arith.constant 0 : index
    %get3A_2 = vector.load %arg1[%get3A, %get3A_0, %get3A_1] : memref<2x1000x128xf32, #tpu.memory_space<vmem>>, vector<1x1000x128xf32>
    %get3A_3 = vector.shape_cast %get3A_2 : vector<1x1000x128xf32> to vector<1000x128xf32>
    %slice3A = vector.extract_strided_slice %get3A_3 {offsets = [0, 0], sizes = [1000, 64], strides = [1, 1]} : vector<1000x128xf32> to vector<1000x64xf32>
    %get3A_4 = arith.constant 1 : index
    %get3A_5 = arith.constant 0 : index
    %get3A_6 = arith.constant 0 : index
    %get3A_7 = vector.load %arg1[%get3A_4, %get3A_5, %get3A_6] : memref<2x1000x128xf32, #tpu.memory_space<vmem>>, vector<1x1000x128xf32>
    %get3A_8 = vector.shape_cast %get3A_7 : vector<1x1000x128xf32> to vector<1000x128xf32>
    %slice3A_9 = vector.extract_strided_slice %get3A_8 {offsets = [0, 0], sizes = [1000, 64], strides = [1, 1]} : vector<1000x128xf32> to vector<1000x64xf32>
    %add3A = arith.addf %slice3A, %slice3A_9 : vector<1000x64xf32>
    %get3A_10 = arith.constant 0 : index
    %get3A_11 = arith.constant 0 : index
    %get3A_12 = vector.load %arg2[%get3A_10, %get3A_11] : memref<1000x64xf32, #tpu.memory_space<vmem>>, vector<1000x64xf32>
    %add3A_13 = arith.addf %add3A, %get3A_12 : vector<1000x64xf32>
    %tanh3A = math.tanh %add3A_13 : vector<1000x64xf32>
    %get3A_14 = arith.constant 0 : index
    %get3A_15 = arith.constant 0 : index
    %get3A_16 = vector.load %arg3[%get3A_14, %get3A_15] : memref<64x128xf32, #tpu.memory_space<vmem>>, vector<64x128xf32>
    %dot_general3A = arith.constant dense<0.000000e+00> : vector<1000x128xf32>
    %dot_general3A_17 = tpu.matmul %tanh3A, %get3A_16, %dot_general3A {dimension_numbers = #tpu.dot_dimension_numbers<[1], [0], [0], [1], [0, 0, 1, 1], [], []>, transpose_lhs_hint = false} : vector<1000x64xf32>, vector<64x128xf32>, vector<1000x128xf32> -> vector<1000x128xf32>
    %get3A_18 = arith.constant 0 : index
    %get3A_19 = arith.constant 0 : index
    %get3A_20 = vector.load %arg4[%get3A_18, %get3A_19] : memref<1x128xf32, #tpu.memory_space<vmem>>, vector<1x128xf32>
    %add3A_21 = vector.broadcast %get3A_20 : vector<1x128xf32> to vector<1000x128xf32>
    %add3A_22 = arith.addf %dot_general3A_17, %add3A_21 : vector<1000x128xf32>
    %swap3A = arith.constant 0 : index
    %swap3A_23 = arith.constant 0 : index
    %swap3A_24 = vector.load %arg7[%swap3A, %swap3A_23] : memref<1000x128xf32, #tpu.memory_space<vmem>>, vector<1000x128xf32>
    tpu.vector_store %arg7[%swap3A, %swap3A_23], %add3A_22 {strides = array<i32>} : memref<1000x128xf32, #tpu.memory_space<vmem>>, vector<1000x128xf32>,
    %get3A_25 = arith.constant 0 : index
    %get3A_26 = arith.constant 0 : index
    %get3A_27 = vector.load %arg5[%get3A_25, %get3A_26] : memref<64x64xf32, #tpu.memory_space<vmem>>, vector<64x64xf32>
    %dot_general3A_28 = arith.constant dense<0.000000e+00> : vector<1000x64xf32>
    %dot_general3A_29 = tpu.matmul %tanh3A, %get3A_27, %dot_general3A_28 {dimension_numbers = #tpu.dot_dimension_numbers<[1], [0], [0], [1], [0, 0, 1, 1], [], []>, transpose_lhs_hint = false} : vector<1000x64xf32>, vector<64x64xf32>, vector<1000x64xf32> -> vector<1000x64xf32>
    %get3A_30 = arith.constant 0 : index
    %get3A_31 = arith.constant 0 : index
    %get3A_32 = vector.load %arg6[%get3A_30, %get3A_31] : memref<1x64xf32, #tpu.memory_space<vmem>>, vector<1x64xf32>
    %add3A_33 = vector.broadcast %get3A_32 : vector<1x64xf32> to vector<1000x64xf32>
    %add3A_34 = arith.addf %dot_general3A_29, %add3A_33 : vector<1000x64xf32>
    %swap3A_35 = arith.constant 0 : index
    %swap3A_36 = arith.constant 0 : index
    %swap3A_37 = vector.load %arg8[%swap3A_35, %swap3A_36] : memref<1000x64xf32, #tpu.memory_space<vmem>>, vector<1000x64xf32>
    tpu.vector_store %arg8[%swap3A_35, %swap3A_36], %add3A_34 {strides = array<i32>} : memref<1000x64xf32, #tpu.memory_space<vmem>>, vector<1000x64xf32>,
    return
  }
  func.func @transform_0(%arg0: i32) -> (i32, i32, i32) {
    %c0_i32 = arith.constant 0 : i32
    %c0_i32_0 = arith.constant 0 : i32
    %c0_i32_1 = arith.constant 0 : i32
    return %c0_i32, %arg0, %c0_i32_0 : i32, i32, i32
  }
  func.func @transform_1(%arg0: i32) -> (i32, i32) {
    %c0_i32 = arith.constant 0 : i32
    %c0_i32_0 = arith.constant 0 : i32
    return %arg0, %c0_i32 : i32, i32
  }
  func.func @transform_2(%arg0: i32) -> (i32, i32) {
    %c0_i32 = arith.constant 0 : i32
    %c0_i32_0 = arith.constant 0 : i32
    %c0_i32_1 = arith.constant 0 : i32
    return %c0_i32, %c0_i32_0 : i32, i32
  }
  func.func @transform_3(%arg0: i32) -> (i32, i32) {
    %c0_i32 = arith.constant 0 : i32
    %c0_i32_0 = arith.constant 0 : i32
    %c0_i32_1 = arith.constant 0 : i32
    return %c0_i32, %c0_i32_0 : i32, i32
  }
  func.func @transform_4(%arg0: i32) -> (i32, i32) {
    %c0_i32 = arith.constant 0 : i32
    %c0_i32_0 = arith.constant 0 : i32
    %c0_i32_1 = arith.constant 0 : i32
    return %c0_i32, %c0_i32_0 : i32, i32
  }
  func.func @transform_5(%arg0: i32) -> (i32, i32) {
    %c0_i32 = arith.constant 0 : i32
    %c0_i32_0 = arith.constant 0 : i32
    %c0_i32_1 = arith.constant 0 : i32
    return %c0_i32, %c0_i32_0 : i32, i32
  }
  func.func @transform_6(%arg0: i32) -> (i32, i32) {
    %c0_i32 = arith.constant 0 : i32
    %c0_i32_0 = arith.constant 0 : i32
    return %arg0, %c0_i32 : i32, i32
  }
  func.func @transform_7(%arg0: i32) -> (i32, i32) {
    %c0_i32 = arith.constant 0 : i32
    %c0_i32_0 = arith.constant 0 : i32
    return %arg0, %c0_i32 : i32, i32
  }
}

module attributes {stable_mosaic.version = 14 : i64} {
  func.func @body(%arg0: i32, %arg1: memref<2x1000x128xf32, #tpu.memory_space<vmem>>, %arg2: memref<1000x64xf32, #tpu.memory_space<vmem>>, %arg3: memref<64x128xf32, #tpu.memory_space<vmem>>, %arg4: memref<1x128xf32, #tpu.memory_space<vmem>>, %arg5: memref<128x128xf32, #tpu.memory_space<vmem>>, %arg6: memref<1x128xf32, #tpu.memory_space<vmem>>, %arg7: memref<1x128xf32, #tpu.memory_space<vmem>>, %arg8: memref<1x128xf32, #tpu.memory_space<vmem>>, %arg9: memref<128x128xf32, #tpu.memory_space<vmem>>, %arg10: memref<1x128xf32, #tpu.memory_space<vmem>>, %arg11: memref<1x128xf32, #tpu.memory_space<vmem>>, %arg12: memref<1x128xf32, #tpu.memory_space<vmem>>, %arg13: memref<1x128xf32, #tpu.memory_space<vmem>>, %arg14: memref<1x1xf32, #tpu.memory_space<vmem>>, %arg15: memref<1000x128xf32, #tpu.memory_space<vmem>>, %arg16: memref<1000x1xf32, #tpu.memory_space<vmem>>) attributes {dimension_semantics = [#tpu.dimension_semantics<arbitrary>], iteration_bounds = array<i64: 10>, scalar_prefetch = 0 : i64, scratch_operands = 0 : i64, tpu.core_type = #tpu.core_type<tc>, window_params = [{transform_indices = @transform_0, window_bounds = array<i64: 2, 1000, 128>}, {transform_indices = @transform_1, window_bounds = array<i64: 1000, 64>}, {pipeline_mode = #tpu.pipeline_mode<synchronous>, transform_indices = @transform_2, window_bounds = array<i64: 64, 128>}, {pipeline_mode = #tpu.pipeline_mode<synchronous>, transform_indices = @transform_3, window_bounds = array<i64: 1, 128>}, {pipeline_mode = #tpu.pipeline_mode<synchronous>, transform_indices = @transform_4, window_bounds = array<i64: 128, 128>}, {pipeline_mode = #tpu.pipeline_mode<synchronous>, transform_indices = @transform_5, window_bounds = array<i64: 1, 128>}, {pipeline_mode = #tpu.pipeline_mode<synchronous>, transform_indices = @transform_6, window_bounds = array<i64: 1, 128>}, {pipeline_mode = #tpu.pipeline_mode<synchronous>, transform_indices = @transform_7, window_bounds = array<i64: 1, 128>}, {pipeline_mode = #tpu.pipeline_mode<synchronous>, transform_indices = @transform_8, window_bounds = array<i64: 128, 128>}, {pipeline_mode = #tpu.pipeline_mode<synchronous>, transform_indices = @transform_9, window_bounds = array<i64: 1, 128>}, {pipeline_mode = #tpu.pipeline_mode<synchronous>, transform_indices = @transform_10, window_bounds = array<i64: 1, 128>}, {pipeline_mode = #tpu.pipeline_mode<synchronous>, transform_indices = @transform_11, window_bounds = array<i64: 1, 128>}, {pipeline_mode = #tpu.pipeline_mode<synchronous>, transform_indices = @transform_12, window_bounds = array<i64: 1, 128>}, {pipeline_mode = #tpu.pipeline_mode<synchronous>, transform_indices = @transform_13, window_bounds = array<i64: 1, 1>}, {transform_indices = @transform_14, window_bounds = array<i64: 1000, 128>}, {transform_indices = @transform_15, window_bounds = array<i64: 1000, 1>}]} {
    %get3A = arith.constant 0 : index
    %get3A_0 = arith.constant 0 : index
    %get3A_1 = arith.constant 0 : index
    %get3A_2 = vector.load %arg1[%get3A, %get3A_0, %get3A_1] : memref<2x1000x128xf32, #tpu.memory_space<vmem>>, vector<1x1000x128xf32>
    %get3A_3 = vector.shape_cast %get3A_2 : vector<1x1000x128xf32> to vector<1000x128xf32>
    %slice3A = vector.extract_strided_slice %get3A_3 {offsets = [0, 0], sizes = [1000, 64], strides = [1, 1]} : vector<1000x128xf32> to vector<1000x64xf32>
    %get3A_4 = arith.constant 1 : index
    %get3A_5 = arith.constant 0 : index
    %get3A_6 = arith.constant 0 : index
    %get3A_7 = vector.load %arg1[%get3A_4, %get3A_5, %get3A_6] : memref<2x1000x128xf32, #tpu.memory_space<vmem>>, vector<1x1000x128xf32>
    %get3A_8 = vector.shape_cast %get3A_7 : vector<1x1000x128xf32> to vector<1000x128xf32>
    %slice3A_9 = vector.extract_strided_slice %get3A_8 {offsets = [0, 0], sizes = [1000, 64], strides = [1, 1]} : vector<1000x128xf32> to vector<1000x64xf32>
    %add3A = arith.addf %slice3A, %slice3A_9 : vector<1000x64xf32>
    %get3A_10 = arith.constant 0 : index
    %get3A_11 = arith.constant 0 : index
    %get3A_12 = vector.load %arg2[%get3A_10, %get3A_11] : memref<1000x64xf32, #tpu.memory_space<vmem>>, vector<1000x64xf32>
    %add3A_13 = arith.addf %add3A, %get3A_12 : vector<1000x64xf32>
    %tanh3A = math.tanh %add3A_13 : vector<1000x64xf32>
    %get3A_14 = arith.constant 0 : index
    %get3A_15 = arith.constant 0 : index
    %get3A_16 = vector.load %arg3[%get3A_14, %get3A_15] : memref<64x128xf32, #tpu.memory_space<vmem>>, vector<64x128xf32>
    %dot_general3A = arith.constant dense<0.000000e+00> : vector<1000x128xf32>
    %dot_general3A_17 = tpu.matmul %tanh3A, %get3A_16, %dot_general3A {dimension_numbers = #tpu.dot_dimension_numbers<[1], [0], [0], [1], [0, 0, 1, 1], [], []>, transpose_lhs_hint = false} : vector<1000x64xf32>, vector<64x128xf32>, vector<1000x128xf32> -> vector<1000x128xf32>
    %get3A_18 = arith.constant 0 : index
    %get3A_19 = arith.constant 0 : index
    %get3A_20 = vector.load %arg4[%get3A_18, %get3A_19] : memref<1x128xf32, #tpu.memory_space<vmem>>, vector<1x128xf32>
    %add3A_21 = vector.broadcast %get3A_20 : vector<1x128xf32> to vector<1000x128xf32>
    %add3A_22 = arith.addf %dot_general3A_17, %add3A_21 : vector<1000x128xf32>
    %tanh3A_23 = math.tanh %add3A_22 : vector<1000x128xf32>
    %swap3A = arith.constant 0 : index
    %swap3A_24 = arith.constant 0 : index
    %swap3A_25 = vector.load %arg15[%swap3A, %swap3A_24] : memref<1000x128xf32, #tpu.memory_space<vmem>>, vector<1000x128xf32>
    tpu.vector_store %arg15[%swap3A, %swap3A_24], %tanh3A_23 {strides = array<i32>} : memref<1000x128xf32, #tpu.memory_space<vmem>>, vector<1000x128xf32>,
    %get3A_26 = arith.constant 0 : index
    %get3A_27 = arith.constant 0 : index
    %get3A_28 = vector.load %arg5[%get3A_26, %get3A_27] : memref<128x128xf32, #tpu.memory_space<vmem>>, vector<128x128xf32>
    %dot_general3A_29 = arith.constant dense<0.000000e+00> : vector<1000x128xf32>
    %dot_general3A_30 = tpu.matmul %tanh3A_23, %get3A_28, %dot_general3A_29 {dimension_numbers = #tpu.dot_dimension_numbers<[1], [0], [0], [1], [0, 0, 1, 1], [], []>, transpose_lhs_hint = false} : vector<1000x128xf32>, vector<128x128xf32>, vector<1000x128xf32> -> vector<1000x128xf32>
    %get3A_31 = arith.constant 0 : index
    %get3A_32 = arith.constant 0 : index
    %get3A_33 = vector.load %arg6[%get3A_31, %get3A_32] : memref<1x128xf32, #tpu.memory_space<vmem>>, vector<1x128xf32>
    %add3A_34 = vector.broadcast %get3A_33 : vector<1x128xf32> to vector<1000x128xf32>
    %add3A_35 = arith.addf %dot_general3A_30, %add3A_34 : vector<1000x128xf32>
    %mul3A = arith.constant 0.999994993 : f32
    %mul3A_36 = vector.broadcast %mul3A : f32 to vector<1000x128xf32>
    %mul3A_37 = arith.mulf %add3A_35, %mul3A_36 : vector<1000x128xf32>
    %get3A_38 = arith.constant 0 : index
    %get3A_39 = arith.constant 0 : index
    %get3A_40 = vector.load %arg7[%get3A_38, %get3A_39] : memref<1x128xf32, #tpu.memory_space<vmem>>, vector<1x128xf32>
    %mul3A_41 = vector.broadcast %get3A_40 : vector<1x128xf32> to vector<1000x128xf32>
    %mul3A_42 = arith.mulf %mul3A_37, %mul3A_41 : vector<1000x128xf32>
    %get3A_43 = arith.constant 0 : index
    %get3A_44 = arith.constant 0 : index
    %get3A_45 = vector.load %arg8[%get3A_43, %get3A_44] : memref<1x128xf32, #tpu.memory_space<vmem>>, vector<1x128xf32>
    %add3A_46 = vector.broadcast %get3A_45 : vector<1x128xf32> to vector<1000x128xf32>
    %add3A_47 = arith.addf %mul3A_42, %add3A_46 : vector<1000x128xf32>
    %max3A = arith.constant 0.000000e+00 : f32
    %max3A_48 = vector.broadcast %max3A : f32 to vector<1000x128xf32>
    %max3A_49 = arith.maximumf %add3A_47, %max3A_48 : vector<1000x128xf32>
    %get3A_50 = arith.constant 0 : index
    %get3A_51 = arith.constant 0 : index
    %get3A_52 = vector.load %arg9[%get3A_50, %get3A_51] : memref<128x128xf32, #tpu.memory_space<vmem>>, vector<128x128xf32>
    %dot_general3A_53 = arith.constant dense<0.000000e+00> : vector<1000x128xf32>
    %dot_general3A_54 = tpu.matmul %max3A_49, %get3A_52, %dot_general3A_53 {dimension_numbers = #tpu.dot_dimension_numbers<[1], [0], [0], [1], [0, 0, 1, 1], [], []>, transpose_lhs_hint = false} : vector<1000x128xf32>, vector<128x128xf32>, vector<1000x128xf32> -> vector<1000x128xf32>
    %get3A_55 = arith.constant 0 : index
    %get3A_56 = arith.constant 0 : index
    %get3A_57 = vector.load %arg10[%get3A_55, %get3A_56] : memref<1x128xf32, #tpu.memory_space<vmem>>, vector<1x128xf32>
    %add3A_58 = vector.broadcast %get3A_57 : vector<1x128xf32> to vector<1000x128xf32>
    %add3A_59 = arith.addf %dot_general3A_54, %add3A_58 : vector<1000x128xf32>
    %mul3A_60 = arith.constant 0.999994993 : f32
    %mul3A_61 = vector.broadcast %mul3A_60 : f32 to vector<1000x128xf32>
    %mul3A_62 = arith.mulf %add3A_59, %mul3A_61 : vector<1000x128xf32>
    %get3A_63 = arith.constant 0 : index
    %get3A_64 = arith.constant 0 : index
    %get3A_65 = vector.load %arg11[%get3A_63, %get3A_64] : memref<1x128xf32, #tpu.memory_space<vmem>>, vector<1x128xf32>
    %mul3A_66 = vector.broadcast %get3A_65 : vector<1x128xf32> to vector<1000x128xf32>
    %mul3A_67 = arith.mulf %mul3A_62, %mul3A_66 : vector<1000x128xf32>
    %get3A_68 = arith.constant 0 : index
    %get3A_69 = arith.constant 0 : index
    %get3A_70 = vector.load %arg12[%get3A_68, %get3A_69] : memref<1x128xf32, #tpu.memory_space<vmem>>, vector<1x128xf32>
    %add3A_71 = vector.broadcast %get3A_70 : vector<1x128xf32> to vector<1000x128xf32>
    %add3A_72 = arith.addf %mul3A_67, %add3A_71 : vector<1000x128xf32>
    %max3A_73 = arith.constant 0.000000e+00 : f32
    %max3A_74 = vector.broadcast %max3A_73 : f32 to vector<1000x128xf32>
    %max3A_75 = arith.maximumf %add3A_72, %max3A_74 : vector<1000x128xf32>
    %get3A_76 = arith.constant 0 : index
    %get3A_77 = arith.constant 0 : index
    %get3A_78 = vector.load %arg13[%get3A_76, %get3A_77] : memref<1x128xf32, #tpu.memory_space<vmem>>, vector<1x128xf32>
    %mul3A_79 = vector.broadcast %get3A_78 : vector<1x128xf32> to vector<1000x128xf32>
    %mul3A_80 = arith.mulf %max3A_75, %mul3A_79 : vector<1000x128xf32>
    %reduce_sum3A = arith.constant dense<0.000000e+00> : vector<1000xf32>
    %reduce_sum3A_81 = vector.multi_reduction <add>, %mul3A_80, %reduce_sum3A [1] : vector<1000x128xf32> to vector<1000xf32>
    %broadcast_in_dim3A = vector.shape_cast %reduce_sum3A_81 : vector<1000xf32> to vector<1000x1xf32>
    %get3A_82 = arith.constant 0 : index
    %get3A_83 = arith.constant 0 : index
    %get3A_84 = vector.load %arg14[%get3A_82, %get3A_83] : memref<1x1xf32, #tpu.memory_space<vmem>>, vector<1x1xf32>
    %add3A_85 = vector.broadcast %get3A_84 : vector<1x1xf32> to vector<1000x1xf32>
    %add3A_86 = arith.addf %broadcast_in_dim3A, %add3A_85 : vector<1000x1xf32>
    %logistic3A = arith.negf %add3A_86 : vector<1000x1xf32>
    %logistic3A_87 = math.exp %logistic3A : vector<1000x1xf32>
    %logistic3A_88 = arith.constant 1.000000e+00 : f32
    %logistic3A_89 = vector.broadcast %logistic3A_88 : f32 to vector<1000x1xf32>
    %logistic3A_90 = arith.addf %logistic3A_89, %logistic3A_87 : vector<1000x1xf32>
    %logistic3A_91 = arith.divf %logistic3A_89, %logistic3A_90 : vector<1000x1xf32>
    %swap3A_92 = arith.constant 0 : index
    %swap3A_93 = arith.constant 0 : index
    %swap3A_94 = vector.load %arg16[%swap3A_92, %swap3A_93] : memref<1000x1xf32, #tpu.memory_space<vmem>>, vector<1000x1xf32>
    tpu.vector_store %arg16[%swap3A_92, %swap3A_93], %logistic3A_91 {strides = array<i32>} : memref<1000x1xf32, #tpu.memory_space<vmem>>, vector<1000x1xf32>,
    return
  }
  func.func @transform_0(%arg0: i32) -> (i32, i32, i32) {
    %c0_i32 = arith.constant 0 : i32
    %c0_i32_0 = arith.constant 0 : i32
    %c0_i32_1 = arith.constant 0 : i32
    return %c0_i32, %arg0, %c0_i32_0 : i32, i32, i32
  }
  func.func @transform_1(%arg0: i32) -> (i32, i32) {
    %c0_i32 = arith.constant 0 : i32
    %c0_i32_0 = arith.constant 0 : i32
    return %arg0, %c0_i32 : i32, i32
  }
  func.func @transform_2(%arg0: i32) -> (i32, i32) {
    %c0_i32 = arith.constant 0 : i32
    %c0_i32_0 = arith.constant 0 : i32
    %c0_i32_1 = arith.constant 0 : i32
    return %c0_i32, %c0_i32_0 : i32, i32
  }
  func.func @transform_3(%arg0: i32) -> (i32, i32) {
    %c0_i32 = arith.constant 0 : i32
    %c0_i32_0 = arith.constant 0 : i32
    %c0_i32_1 = arith.constant 0 : i32
    return %c0_i32, %c0_i32_0 : i32, i32
  }
  func.func @transform_4(%arg0: i32) -> (i32, i32) {
    %c0_i32 = arith.constant 0 : i32
    %c0_i32_0 = arith.constant 0 : i32
    %c0_i32_1 = arith.constant 0 : i32
    return %c0_i32, %c0_i32_0 : i32, i32
  }
  func.func @transform_5(%arg0: i32) -> (i32, i32) {
    %c0_i32 = arith.constant 0 : i32
    %c0_i32_0 = arith.constant 0 : i32
    %c0_i32_1 = arith.constant 0 : i32
    return %c0_i32, %c0_i32_0 : i32, i32
  }
  func.func @transform_6(%arg0: i32) -> (i32, i32) {
    %c0_i32 = arith.constant 0 : i32
    %c0_i32_0 = arith.constant 0 : i32
    %c0_i32_1 = arith.constant 0 : i32
    return %c0_i32, %c0_i32_0 : i32, i32
  }
  func.func @transform_7(%arg0: i32) -> (i32, i32) {
    %c0_i32 = arith.constant 0 : i32
    %c0_i32_0 = arith.constant 0 : i32
    %c0_i32_1 = arith.constant 0 : i32
    return %c0_i32, %c0_i32_0 : i32, i32
  }
  func.func @transform_8(%arg0: i32) -> (i32, i32) {
    %c0_i32 = arith.constant 0 : i32
    %c0_i32_0 = arith.constant 0 : i32
    %c0_i32_1 = arith.constant 0 : i32
    return %c0_i32, %c0_i32_0 : i32, i32
  }
  func.func @transform_9(%arg0: i32) -> (i32, i32) {
    %c0_i32 = arith.constant 0 : i32
    %c0_i32_0 = arith.constant 0 : i32
    %c0_i32_1 = arith.constant 0 : i32
    return %c0_i32, %c0_i32_0 : i32, i32
  }
  func.func @transform_10(%arg0: i32) -> (i32, i32) {
    %c0_i32 = arith.constant 0 : i32
    %c0_i32_0 = arith.constant 0 : i32
    %c0_i32_1 = arith.constant 0 : i32
    return %c0_i32, %c0_i32_0 : i32, i32
  }
  func.func @transform_11(%arg0: i32) -> (i32, i32) {
    %c0_i32 = arith.constant 0 : i32
    %c0_i32_0 = arith.constant 0 : i32
    %c0_i32_1 = arith.constant 0 : i32
    return %c0_i32, %c0_i32_0 : i32, i32
  }
  func.func @transform_12(%arg0: i32) -> (i32, i32) {
    %c0_i32 = arith.constant 0 : i32
    %c0_i32_0 = arith.constant 0 : i32
    %c0_i32_1 = arith.constant 0 : i32
    return %c0_i32, %c0_i32_0 : i32, i32
  }
  func.func @transform_13(%arg0: i32) -> (i32, i32) {
    %c0_i32 = arith.constant 0 : i32
    %c0_i32_0 = arith.constant 0 : i32
    %c0_i32_1 = arith.constant 0 : i32
    return %c0_i32, %c0_i32_0 : i32, i32
  }
  func.func @transform_14(%arg0: i32) -> (i32, i32) {
    %c0_i32 = arith.constant 0 : i32
    %c0_i32_0 = arith.constant 0 : i32
    return %arg0, %c0_i32 : i32, i32
  }
  func.func @transform_15(%arg0: i32) -> (i32, i32) {
    %c0_i32 = arith.constant 0 : i32
    %c0_i32_0 = arith.constant 0 : i32
    return %arg0, %c0_i32 : i32, i32
  }
}

</mosaic_0001>

<sc_bundles>
// kernel: kernel.10.cloned.1.call-start
scs
__scs_entry_jumppad:
0x0: {  	(pc) =	sbr.rel $0x88, $3  }
0x1: {  	(tag) =	ssettag $0x0;
	lr =	simm.s32 $0x1  }
0x2: {  	[smem:$0x3F87] =	sst lr;
	_ =	strace $0xD0000000  }
0x3: {  	_ = 	snop  }
0x4: {  	_ = 	snop  }
0x5: {  	_ = 	snop  }
0x6: {  	_ = 	snop  }
0x7: {  	_ = 	snop  }
__scs_overlays_trampoline_lowered:
0x8: {  	[smem:$0x3F96] =	sst s0  }
0x9: {  	[smem:$0x3F97] =	sst s1  }
0xa: {  	[smem:$0x3F98] =	sst s2  }
0xb: {  	[smem:$0x3F99] =	sst s3  }
0xc: {  	[smem:$0x3F9A] =	sst s4  }
0xd: {  	[smem:$0x3F9B] =	sst s5  }
0xe: {  	[smem:$0x3F9C] =	sst s6  }
0xf: {  	[smem:$0x3F9D] =	sst s7  }
0x10: {  	[smem:$0x3F9E] =	sst s8  }
0x11: {  	[smem:$0x3F9F] =	sst s9;
	s0 =	simm.s32 @!p0 $0x0  }
0x12: {  	s1 =	sld [smem:$0x3F85];
	s0 =	simm.s32 @p0 $0x1  }
0x13: {  	[smem:$0x3FA0] =	sst s0;
	s0 =	simm.s32 @!p1 $0x0  }
0x14: {  	s2 =	sld [smem:$0x3F84];
	s0 =	simm.s32 @p1 $0x1  }
0x15: {  	[smem:$0x3FA1] =	sst s0;
	s0 =	simm.s32 @!p2 $0x0  }
0x16: {  	s3 =	sld [smem:$0x3FDB];
	s0 =	simm.s32 @p2 $0x1  }
0x17: {  	s4 =	simm.s32 $0x1BF5;
	[smem:$0x3FA3] =	sst s0  }
0x18: {  	s0 =	sld [smem:$0x3F86];
	_ =	swait.ge [sflag:s4], $0x0  }
0x19: {  	s7 =	sld [smem:$0x3F87]  }
0x1a: {  	s8 =	sadd.s32 $0xFFFFE003, lr  }
0x1b: {  	s9 =	sadd.s32 $0xFFFFFEF7, lr;
	s5 =	simm.s32 $0xFFFFFFFF;
	p2 =	slt.u32 s8, $0xFFFFF086  }
0x1c: {  	p1 =	slt.u32 s9, $0xF7A;
	s5 =	simm.s32 @!p2 $0x0  }
0x1d: {  	s5 =	simm.s32 @p1 $0x1;
	p0 =	seq.s32 s7, s2  }
0x1e: {  	s7 =	smul.u32 @!p0 $0xF7A, s2;
	p2 =	seq.s32 @!p0 s5, $0x0  }
0x1f: {  	s9 =	smul.u32 $0xF7A, s1;
	s8 =	simm.s32 @!p0 $0x1BF5;
	p2 =	por !p2, p0  }
0x20: {  	[sflag:s8] =	ssyncset.s32 @!p0 $0xFFFFF086;
	s6 =	sadd.s32 @!p0 s3, s7;
	s7 =	simm.s32 @!p0 $0x108  }
0x21: {  	s3 =	sadd.s32 s3, s9;
	s6 =	sadd.s32 @!p0 $0x88, s6;
	s7 =	simm.s32 @p2 $0x1082  }
0x22: {  	[simem:s7], [sflag:s8] =	dma.local @!p0 [hbm:s6], $0xF7A  }
0x23: {  	s9 =	sor.u32 $0xD0000000, s2;
	s6 =	simm.s32 $0x108;
	_ =	swait.ge @!p0 [sflag:s8], $0x0  }
0x24: {  	s3 =	sadd.s32 $0x88, s3;
	s6 =	simm.s32 @!p1 $0x1082;
	[sflag:s4] =	ssyncset.s32 $0xFFFFF086  }
0x25: {  	[simem:s6], [sflag:s4] =	dma.local [hbm:s3], $0xF7A  }
0x26: {  	[smem:$0x3F87] =	sst s1;
	(tag) =	ssettag s2;
	_ =	strace s9  }
0x27: {  	s1 =	sld [smem:$0x3F97]  }
0x28: {  	s2 =	sld [smem:$0x3F98]  }
0x29: {  	s4 =	sld [smem:$0x3F9A]  }
0x2a: {  	p0 =	seq.s32 s5, $0x0;
	s5 =	sld [smem:$0x3F9B]  }
0x2b: {  	s6 =	sld [smem:$0x3F9C]  }
0x2c: {  	s7 =	sld [smem:$0x3F9D]  }
0x2d: {  	s3 =	simm.s32 $0x108;
	s8 =	sld [smem:$0x3F9E]  }
0x2e: {  	s3 =	simm.s32 @!p0 $0x1082;
	s9 =	sld [smem:$0x3F9F]  }
0x2f: {  	lr =	sadd.s32 s0, s3;
	s0 =	sld [smem:$0x3F96]  }
0x30: {  	s3 =	sld [smem:$0x3F99]  }
0x31: {  	[smem:$0x3FA2] =	sst s10  }
0x32: {  	s10 =	sld [smem:$0x3FA0];
	_ =	sdelay $0x3  }
0x33: {  	p0 =	seq.s32 s10, $0x1;
	s10 =	sld [smem:$0x3FA2];
	_ =	sdelay $0x3  }
0x34: {  	[smem:$0x3FA2] =	sst s10  }
0x35: {  	s10 =	sld [smem:$0x3FA1];
	_ =	sdelay $0x3  }
0x36: {  	p1 =	seq.s32 s10, $0x1;
	s10 =	sld [smem:$0x3FA2];
	_ =	sdelay $0x3  }
0x37: {  	[smem:$0x3FA2] =	sst s10  }
0x38: {  	s10 =	sld [smem:$0x3FA3]  }
0x39: {  	_ = 	snop;
	(pc) =	sbr.ind lr, $3  }
0x3a: {  	_ = 	snop  }
0x3b: {  	_ = 	snop  }
0x3c: {  	p2 =	seq.s32 s10, $0x1;
	s10 =	sld [smem:$0x3FA2]  }
0x3d: {  	_ =	shalt  }
0x3e: {  	_ =	shalt  }
0x3f: {  	_ =	shalt  }
0x40: {  	_ =	shalt  }
0x41: {  	_ =	shalt  }
0x42: {  	_ =	shalt  }
0x43: {  	_ =	shalt  }
0x44: {  	_ =	shalt  }
0x45: {  	_ =	shalt  }
0x46: {  	_ =	shalt  }
0x47: {  	_ =	shalt  }
0x48: {  	_ =	shalt  }
0x49: {  	_ =	shalt  }
0x4a: {  	_ =	shalt  }
0x4b: {  	_ =	shalt  }
0x4c: {  	_ =	shalt  }
0x4d: {  	_ =	shalt  }
0x4e: {  	_ =	shalt  }
0x4f: {  	_ =	shalt  }
0x50: {  	_ =	shalt  }
0x51: {  	_ =	shalt  }
0x52: {  	_ =	shalt  }
0x53: {  	_ =	shalt  }
0x54: {  	_ =	shalt  }
0x55: {  	_ =	shalt  }
0x56: {  	_ =	shalt  }
0x57: {  	_ =	shalt  }
0x58: {  	_ =	shalt  }
0x59: {  	_ =	shalt  }
0x5a: {  	_ =	shalt  }
0x5b: {  	_ =	shalt  }
0x5c: {  	_ =	shalt  }
0x5d: {  	_ =	shalt  }
0x5e: {  	_ =	shalt  }
0x5f: {  	_ =	shalt  }
0x60: {  	_ =	shalt  }
0x61: {  	_ =	shalt  }
0x62: {  	_ =	shalt  }
0x63: {  	_ =	shalt  }
0x64: {  	_ =	shalt  }
0x65: {  	_ =	shalt  }
0x66: {  	_ =	shalt  }
0x67: {  	_ =	shalt  }
0x68: {  	_ =	shalt  }
0x69: {  	_ =	shalt  }
0x6a: {  	_ =	shalt  }
0x6b: {  	_ =	shalt  }
0x6c: {  	_ =	shalt  }
0x6d: {  	_ =	shalt  }
0x6e: {  	_ =	shalt  }
0x6f: {  	_ =	shalt  }
0x70: {  	_ =	shalt  }
0x71: {  	_ =	shalt  }
0x72: {  	_ =	shalt  }
0x73: {  	_ =	shalt  }
0x74: {  	_ =	shalt  }
0x75: {  	_ =	shalt  }
0x76: {  	_ =	shalt  }
0x77: {  	_ =	shalt  }
0x78: {  	_ =	shalt  }
0x79: {  	_ =	shalt  }
0x7a: {  	_ =	shalt  }
0x7b: {  	_ =	shalt  }
0x7c: {  	_ =	shalt  }
0x7d: {  	_ =	shalt  }
0x7e: {  	_ =	shalt  }
0x7f: {  	_ =	shalt  }
0x80: {  	_ =	shalt  }
0x81: {  	_ =	shalt  }
0x82: {  	_ =	shalt  }
0x83: {  	_ =	shalt  }
0x84: {  	_ =	shalt  }
0x85: {  	_ =	shalt  }
0x86: {  	_ =	shalt  }
0x87: {  	_ =	shalt  }
.Lfunc_end0:
.L_simem_size_0:
called_computation.1_lowered:
.L_overlay_start_0:
0x88: {  	s2 =	sld [smem:$0x3FD9]  }
0x89: {  	s3 =	sld [smem:$0x3FFE];
	_ =	sdelay $0x1  }
0x8a: {  	s1 =	srdreg.scid  }
0x8b: {  	s0 =	sand.u32 $0x1, s1  }
0x8c: {  	s14 =	sshll.u32 s0, $0xA;
	s2 =	sadd.s32 s3, s2  }
0x8d: {  	s2 =	sadd.s32 s2, s14  }
0x8e: {  	[smem:$0x3FAE] =	sst s2  }
0x8f: {  	_ = 	snop  }
0x90: {  	s2 =	sld [smem:$0x3FD0];
	_ =	sdelay $0x2  }
0x91: {  	s15 =	simm.s32 $0xA;
	s4 =	simm.s32 $0x10  }
0x92: {  	[smem:s4], [sflag:s15] =	dma.local [hbm:s2], $0x1  }
0x93: {  	_ =	swait.eq [sflag:s15], $0x1  }
0x94: {  	[sflag:s15] =	ssyncset.done $0x0  }
0x95: {  	[sflag:s15] =	ssyncadd.s32 $0xFFFFFFFF  }
0x96: {  	s16 =	sld [smem:$0x10];
	(tm) =	ssettm $0x1  }
0x97: {  	s17 =	sld [smem:$0x3FFB];
	_ =	sdelay $0x3  }
0x98: {  	_ =	strace s17  }
0x99: {  	s3 =	sld [smem:$0x3FFC];
	_ =	sdelay $0x3  }
0x9a: {  	_ =	strace s3  }
0x9b: {  	s3 =	sld [smem:$0x3FFD];
	_ =	sdelay $0x3  }
0x9c: {  	_ =	strace s3  }
0x9d: {  	_ =	strace $0x8FFFFFFF  }
0x9e: {  	s18 =	sld [smem:$0x3FDB];
	_ =	sdelay $0x1  }
0x9f: {  	s19 =	simm.s32 $_scs_section_size  }
0xa0: {  	s5 =	simm.s32 $_size__tile_overlayer_lowered;
	s6 =	simm.s32 $_tile_overlayer_lowered  }
0xa1: {  	s22 =	simm.s32 $0x1BFF;
	s21 =	sshll.u32 s6, $0x1;
	s3 =	sadd.s32 s19, s18  }
0xa2: {  	s7 =	simm.s32 $0x0;
	s20 =	sshll.u32 s5, $0x1;
	s5 =	sadd.s32 s21, s3  }
0xa3: {  	[timem:s7], [sflag:s22] =	dma.local [hbm:s5], s20  }
0xa4: {  	_ =	swait.ge [sflag:s22], s20  }
0xa5: {  	s4 =	ssub.s32 $0x0, s20;
	[sflag:s22] =	ssyncset.done $0x0  }
0xa6: {  	[sflag:s22] =	ssyncadd.s32 s4;
	_ =	sdelay $0x1  }
0xa7: {  	s23 =	simm.s32 $0x1B8B  }
0xa8: {  	_ =	swait.ge [sflag:s23], $0x1  }
0xa9: {  	[sflag:s23] =	ssyncset.done $0x0  }
0xaa: {  	s25 =	simm.s32 $0x1B8E;
	s24 =	sld [smem:$0x3FFE];
	[sflag:s23] =	ssyncadd.s32 $0xFFFFFFFF  }
0xab: {  	s26 =	simm.s32 $execute0_lowered;
	[smem:$0x3FD2] =	sst s25  }
0xac: {  	s5 =	sshll.u32 s26, $0x1;
	_ =	strace $0x80000049;
	[dreg:$0x1] =	wrdreg $0xFFFFFFFF  }
0xad: {  	s28 =	simm.s32 $_size_execute0_lowered;
	s3 =	sadd.s32 s3, s5;
	[dreg:$0x0] =	wrdreg $0x0  }
0xae: {  	s5 =	sshll.u32 s28, $0x1;
	[dreg:$0x2] =	wrdreg s3  }
0xaf: {  	[dreg:$0x3] =	wrdreg s5  }
0xb0: {  	[dreg:$0x4] =	wrdreg $0xC0  }
0xb1: {  	_ =	task [dreg:s7], $0x5FFFF  }
0xb2: {  	[dreg:$0x1] =	wrdreg $0xFFFFFFFF  }
0xb3: {  	[dreg:$0x0] =	wrdreg $0x60  }
0xb4: {  	[dreg:$0x2] =	wrdreg s16  }
0xb5: {  	[dreg:$0x3] =	wrdreg s24  }
0xb6: {  	[dreg:$0x4] =	wrdreg $0x145000  }
0xb7: {  	[dreg:$0x5] =	wrdreg $0x9  }
0xb8: {  	_ =	task.clear_ibuf [dreg:s7], $0x6FFFF;
	_ =	strace $0x90000049  }
0xb9: {  	s29 =	simm.s32 $0x9;
	_ =	strace $0x8000004B  }
0xba: {  	_ =	swait.ge [sflag:s29], $0x1  }
0xbb: {  	[sflag:s29] =	ssyncadd.s32 $0xFFFFFFFF  }
0xbc: {  	_ =	strace $0x9000004B  }
0xbd: {  	_ =	sfence  }
0xbe: {  	s30 =	sld [smem:$0x0];
	_ =	sdelay $0x2  }
0xbf: {  	s31 =	sshll.u32 s1, $0xD;
	s1 =	sshrl.u32 s1, $0x2  }
0xc0: {  	s3 =	sand.u32 $0x4000, s31;
	s1 =	sadd.s32 s1, s30  }
0xc1: {  	s0 =	sor.u32 s3, s0;
	s1 =	sshll.u32 s1, $0x11  }
0xc2: {  	s0 =	sor.u32 s1, s0  }
0xc3: {  	s0 =	sadd.s32 $0x8F2B, s0  }
0xc4: {  	[sflag:s0] =	ssyncadd.remote.s32 $0x1  }
0xc5: {  	_ =	sfence.sel $0xFFFF  }
0xc6: {  	[dreg:$0x0] =	wrdreg $0xFFFFFFFF;
	(pc) =	sbr.abs _section_cstart, $3  }
0xc7: {  	[dreg:$0x1] =	wrdreg $0xFFFFFFFF  }
0xc8: {  	_ =	task.clear_ibuf [dreg:s7], $0x2FFFF;
	_ =	strace $0x9FFFFFFF  }
0xc9: {  	(tm) =	ssettm $0x7FFFFFFF  }
tec
execute0_lowered:
.L_overlay_start_1:
0x0: {  	(tag) =	ssettag $0x1  }
0x1: {  	s1 =	rddreg [dreg:$0x0]  }
0x2: {  	s0 =	srdreg.scid;
	s2 =	rddreg [dreg:$0x1]  }
0x3: {  	s12 =	stileid.u32;
	s3 =	rddreg [dreg:$0x2];
	s13 =	simm.s32 $0x0  }
0x4: {  	s28 =	simm.s32 $0xD000;
	s29 =	simm.s32 $0x1;
	s31 =	simm.s32 $0x2  }
0x5: {  	s30 =	simm.s32 $0x6;
	s0 =	sand.u32 $0x1, s0;
	s8 =	smul.u32 $0x29900, s12  }
0x6: {  	[smem:$0x7FF] =	sst s13;
	s9 =	sadd.s32 $0x17800, s2;
	s20 =	smul.u32 $0x27000, s12  }
0x7: {  	s16 =	sadd.s32 $0xD900, s2;
	s18 =	sadd.s32 $0x17540, s2;
	s23 =	smul.u32 $0x50, s12  }
0x8: {  	p2 =	seq.s32 s12, $0xF;
	s4 =	sshll.u32 s0, $0x4;
	_ =	strace $0x8000004A  }
0x9: {  	s7 =	ssub.s32 $0x2, s0;
	s11 =	smul.u32 $0x138800, s0;
	[dreg:$0x7] =	wrdreg s16  }
0xa: {  	s0 =	smul.u32 $0x500, s0;
	[dreg:$0x8] =	wrdreg s18;
	s5 =	sor.u32 s12, s4  }
0xb: {  	s10 =	sshrl.u32 s7, $0x1;
	s4 =	smul.u32 $0x13800, s12;
	s8 =	sshrl.u32 s8, $0x2  }
0xc: {  	s6 =	smul.u32 $0x2800, s5;
	s7 =	ssub.s32 s7, s10;
	s19 =	sadd.s32 s8, s3  }
0xd: {  	s22 =	sshrl.u32 s11, $0x3;
	p0 =	seq.s32 s5, $0x1F;
	p1 =	sne.s32 s5, $0x1F  }
0xe: {  	s5 =	simm.s32 $0x9;
	s26 =	smax.u32 s7, $0x1;
	[dreg:$0x9] =	wrdreg s19  }
0xf: {  	s17 =	sadd.s32 s4, s11;
	s21 =	sadd.s32 $0x5500, s19;
	[dreg:$0xd] =	wrdreg s26  }
0x10: {  	s4 =	sadd.s32 s23, s0;
	s23 =	simm.s32 $0xB000;
	[dreg:$0xa] =	wrdreg s21  }
0x11: {  	s6 =	sshrl.u32 s6, $0x3;
	s26 =	simm.s32 $0x4;
	[dreg:$0xe] =	wrdreg s4  }
0x12: {  	s6 =	sadd.s32 s6, s2;
	s2 =	sshrl.u32 s17, $0x3;
	s17 =	simm.s32 $0x80  }
0x13: {  	s14 =	sadd.s32 $0x3E00, s6;
	s15 =	sadd.s32 $0xDA40, s6;
	s24 =	sadd.s32 s9, s2  }
0x14: {  	s6 =	sshrl.u32 s20, $0x2;
	s2 =	sadd.s32 s9, s22;
	[dreg:$0x5] =	wrdreg s14  }
0x15: {  	s20 =	simm.s32 $0x3;
	s22 =	simm.s32 $0x7;
	[dreg:$0x6] =	wrdreg s15  }
0x16: {  	s25 =	sadd.s32 $0x24900, s2;
	s2 =	sadd.s32 $0x92400, s3;
	[dreg:$0xb] =	wrdreg s24  }
0x17: {  	s6 =	sadd.s32 s6, s3;
	s0 =	sshrl.u32 @p2 s2, $0x3;
	[dreg:$0xc] =	wrdreg s25  }
0x18: {  	v0 =	vlaneseq.u32;
	s2 =	simm.s32 $0x5;
	[dreg:$0xf] =	wrdreg s0;
	s0 =	sshrl.u32 @!p2 s6, $0x3  }
0x19: {  	v1 =	vimm.f32 $0.0e+00;
	v2 =	vmul.u32 $0x2, v0;
	s6 =	simm.s32 $0xA;
	[dreg:$0x10] =	wrdreg s0;
	s0 =	simm.s32 $0x8  }
.LBB2_1:
0x1a: {  	s7 =	simm.s32 @p0 $0x0  }
0x1b: {  	[tilespmem:s7], [sflag:$0xB] =	stream.linear.gather @p0 [hbm4b:s16+s7], $0xA00, $0x38;
	[tilespmem:$0x1EB40] =	vst v63  }
0x1c: {  	s8 =	simm.s32 @p0 $0x2800  }
0x1d: {  	[tilespmem:s8], [sflag:$0xC] =	stream.linear.gather @p0 [hbm4b:s18+s7], $0xA00, $0x38;
	[tilespmem:$0x1EB40] =	vst v63  }
0x1e: {  	s7 =	simm.s32 @!p0 $0x0  }
0x1f: {  	[tilespmem:s7], [sflag:$0xB] =	stream.linear.gather @!p0 [hbm4b:s14+s7], $0x2800, $0x38;
	[tilespmem:$0x1EB40] =	vst v63  }
0x20: {  	s8 =	simm.s32 @!p0 $0x2800  }
0x21: {  	[tilespmem:s8], [sflag:$0xC] =	stream.linear.gather @!p0 [hbm4b:s15+s7], $0x2800, $0x38;
	[tilespmem:$0x1EB40] =	vst v63  }
0x22: {  	s8 =	simm.s32 $0x100;
	s7 =	simm.s32 $0x0  }
.LBB2_2:
0x23: {  	p3 =	sne.s32 s8, $0x15300;
	[tilespmem:s7+$0xF030] =	vst v1;
	s9 =	smov.u32 s8;
	s8 =	sadd.s32 $0x100, s8  }
.Ltmp0:
0x24: {  	[tilespmem:s7+$0xF020] =	vst v1;
	(pc) =	sbr.rel @p3 .LBB2_2-.Ltmp0, $3  }
0x25: {  	[tilespmem:s7+$0xF000] =	vst v1  }
0x26: {  	[tilespmem:s7+$0xF010] =	vst v1;
	_ =	sdelay $0x1  }
0x27: {  	s7 =	sshra.s32 s9, $0x2  }
0x28: {  	[tilespmem:s7+$0xF030] =	vst v1  }
0x29: {  	[tilespmem:s7+$0xF020] =	vst v1  }
0x2a: {  	[tilespmem:s7+$0xF000] =	vst v1  }
0x2b: {  	[tilespmem:s7+$0xF010] =	vst v1;
	s11 =	simm.s32 $0xF000;
	s8 =	simm.s32 $0xD  }
0x2c: {  	[spmem:s19] =	stream.linear.scatter [tilespmem:s11], [sflag:$0xD], $0x5500, $0x38;
	[tilespmem:$0x1EB40] =	vst v63  }
0x2d: {  	_ =	swait.ge [sflag:s8], $0x5500  }
0x2e: {  	[sflag:s8] =	ssyncset.done $0x0  }
0x2f: {  	[sflag:s8] =	ssyncadd.s32 $0xFFFFAB00  }
0x30: {  	[spmem:s21] =	stream.linear.scatter [tilespmem:s11], [sflag:$0xD], $0x5140, $0x38;
	[tilespmem:$0x1EB40] =	vst v63  }
0x31: {  	_ =	swait.ge [sflag:s8], $0x5140  }
0x32: {  	[sflag:s8] =	ssyncset.done $0x0  }
0x33: {  	s7 =	simm.s32 @p0 $0xB;
	[sflag:s8] =	ssyncadd.s32 $0xFFFFAEC0  }
0x34: {  	_ =	swait.ge @p0 [sflag:s7], $0xA00  }
0x35: {  	[sflag:s7] =	ssyncset.done @p0 $0x0  }
0x36: {  	[sflag:s7] =	ssyncadd.s32 @p0 $0xFFFFF600;
	s7 =	simm.s32 @p0 $0xC  }
0x37: {  	_ =	swait.ge @p0 [sflag:s7], $0xA00  }
0x38: {  	[sflag:s7] =	ssyncset.done @p0 $0x0  }
0x39: {  	[sflag:s7] =	ssyncadd.s32 @p0 $0xFFFFF600;
	s7 =	simm.s32 @!p0 $0xB  }
0x3a: {  	_ =	swait.ge @!p0 [sflag:s7], $0x2800  }
0x3b: {  	[sflag:s7] =	ssyncset.done @!p0 $0x0  }
0x3c: {  	[sflag:s7] =	ssyncadd.s32 @!p0 $0xFFFFD800;
	s7 =	simm.s32 @!p0 $0xC  }
0x3d: {  	_ =	swait.ge @!p0 [sflag:s7], $0x2800  }
0x3e: {  	s9 =	sadd.s32 $0x0, s4;
	[sflag:s7] =	ssyncset.done @!p0 $0x0  }
0x3f: {  	p5 =	sgt.u32 s9, $0x9C3;
	s8 =	simm.s32 $0x40;
	[sflag:s7] =	ssyncadd.s32 @!p0 $0xFFFFD800  }
0x40: {  	v3 =	vld @!p5 [tilespmem:s8+$0xFFFFFFC0];
	_ =	sdelay $0x1  }
0x41: {  	v4 =	vld @!p5 [tilespmem:s8+$0xFFFFFFD0]  }
0x42: {  	p3 =	sgt.u32 @!p5 s9, $0x4E1;
	v5 =	vld @!p5 [tilespmem:s8+$0xFFFFFFE0]  }
0x43: {  	p3 =	por !p3, p5;
	s11 =	simm.s32 @!p5 $0x1;
	v7 =	vld @!p5 [tilespmem:s8+$0x0]  }
0x44: {  	s11 =	simm.s32 @p3 $0x0;
	v8 =	vld @!p5 [tilespmem:s8+$0x10];
	v3 =	vshll.u32 @!p5 v3, $0x1  }
0x45: {  	p3 =	por p5, p5;
	v11 =	vld @!p5 [tilespmem:s8+$0x20];
	v3 =	vor.u32 @!p5 s11, v3  }
0x46: {  	s9 =	sadd.s32 $0x1, s4;
	v12 =	vld @!p5 [tilespmem:s8+$0x30];
	[tilespmem:s8+$0xFFFFFFC0] =	vst @!p3 v3;
	v3 =	vshll.u32 @!p5 v4, $0x1  }
0x47: {  	p4 =	sgt.u32 s9, $0x9C3;
	s7 =	simm.s32 $0xC0;
	v9 =	vld @!p3 [tilespmem:s8+$0xFFFFFFF0];
	v4 =	vshll.u32 @!p3 v5, $0x1;
	v3 =	vor.u32 @!p3 s11, v3  }
0x48: {  	v10 =	vld @!p4 [tilespmem:s7+$0xFFFFFFC0];
	[tilespmem:s8+$0xFFFFFFD0] =	vst @!p3 v3;
	v3 =	vor.u32 @!p3 s11, v4;
	v4 =	vshll.u32 @!p3 v7, $0x1  }
0x49: {  	v5 =	vshll.u32 @!p3 v8, $0x1;
	v6 =	vld @!p4 [tilespmem:s7+$0xFFFFFFD0];
	[tilespmem:s8+$0xFFFFFFE0] =	vst @!p3 v3;
	v3 =	vor.u32 @!p3 s11, v4  }
0x4a: {  	v5 =	vor.u32 @!p3 s11, v5;
	v7 =	vshll.u32 @!p3 v11, $0x1;
	v4 =	vld @!p4 [tilespmem:s7+$0xFFFFFFE0];
	[tilespmem:s8+$0x0] =	vst @!p3 v3  }
0x4b: {  	p5 =	sgt.u32 @!p4 s9, $0x4E1;
	v8 =	vshll.u32 @!p3 v12, $0x1;
	v7 =	vor.u32 @!p3 s11, v7;
	v3 =	vld @!p4 [tilespmem:s7+$0x0];
	[tilespmem:s8+$0x10] =	vst @!p3 v5  }
0x4c: {  	s10 =	simm.s32 @!p4 $0x1;
	v9 =	vshll.u32 @!p3 v9, $0x1;
	p5 =	por !p5, p4;
	v11 =	vor.u32 @!p3 s11, v8;
	v5 =	vld @!p4 [tilespmem:s7+$0x10];
	[tilespmem:s8+$0x20] =	vst @!p3 v7  }
0x4d: {  	v9 =	vor.u32 @!p3 s11, v9;
	s9 =	simm.s32 $0x2;
	s10 =	simm.s32 @p5 $0x0;
	v8 =	vshll.u32 @!p4 v10, $0x1;
	v7 =	vld @!p4 [tilespmem:s7+$0x20];
	[tilespmem:s8+$0x30] =	vst @!p3 v11  }
.LBB2_4:
0x4e: {  	s11 =	sadd.s32 s9, s4;
	v8 =	vor.u32 @!p4 s10, v8;
	v6 =	vshll.u32 @!p4 v6, $0x1;
	v10 =	vld @!p4 [tilespmem:s7+$0x30];
	[tilespmem:s8+$0xFFFFFFF0] =	vst @!p3 v9;
	s8 =	smov.u32 s7;
	p3 =	por p4, p4  }
0x4f: {  	s7 =	sadd.s32 $0x80, s7;
	p4 =	sgt.u32 s11, $0x9C3;
	[tilespmem:s8+$0xFFFFFFC0] =	vst @!p3 v8;
	v6 =	vor.u32 @!p3 s10, v6;
	v4 =	vshll.u32 @!p3 v4, $0x1;
	v8 =	vld @!p3 [tilespmem:s8+$0xFFFFFFF0]  }
0x50: {  	s9 =	sadd.s32 $0x1, s9;
	v9 =	vld @!p4 [tilespmem:s7+$0xFFFFFFC0]  }
0x51: {  	p6 =	sne.s32 s9, $0x50;
	[tilespmem:s8+$0xFFFFFFD0] =	vst @!p3 v6;
	v4 =	vor.u32 @!p3 s10, v4;
	v3 =	vshll.u32 @!p3 v3, $0x1  }
.Ltmp1:
0x52: {  	v6 =	vld @!p4 [tilespmem:s7+$0xFFFFFFD0];
	[tilespmem:s8+$0xFFFFFFE0] =	vst @!p3 v4;
	v3 =	vor.u32 @!p3 s10, v3;
	v5 =	vshll.u32 @!p3 v5, $0x1;
	(pc) =	sbr.rel @p6 .LBB2_4-.Ltmp1, $4  }
0x53: {  	v4 =	vld @!p4 [tilespmem:s7+$0xFFFFFFE0];
	[tilespmem:s8+$0x0] =	vst @!p3 v3;
	v5 =	vor.u32 @!p3 s10, v5;
	v7 =	vshll.u32 @!p3 v7, $0x1  }
0x54: {  	p5 =	sgt.u32 @!p4 s11, $0x4E1;
	v3 =	vld @!p4 [tilespmem:s7+$0x0];
	[tilespmem:s8+$0x10] =	vst @!p3 v5;
	v7 =	vor.u32 @!p3 s10, v7;
	v10 =	vshll.u32 @!p3 v10, $0x1;
	v11 =	vshll.u32 @!p3 v8, $0x1  }
0x55: {  	p5 =	por !p5, p4;
	v5 =	vld @!p4 [tilespmem:s7+$0x10];
	[tilespmem:s8+$0x20] =	vst @!p3 v7;
	v10 =	vor.u32 @!p3 s10, v10;
	v8 =	vshll.u32 @!p4 v9, $0x1;
	v9 =	vor.u32 @!p3 s10, v11;
	s10 =	simm.s32 @!p4 $0x1  }
0x56: {  	v7 =	vld @!p4 [tilespmem:s7+$0x20];
	[tilespmem:s8+$0x30] =	vst @!p3 v10;
	s10 =	simm.s32 @p5 $0x0  }
0x57: {  	v8 =	vor.u32 @!p4 s10, v8;
	[tilespmem:s8+$0xFFFFFFF0] =	vst @!p3 v9;
	p3 =	por p4, p4;
	v6 =	vshll.u32 @!p4 v6, $0x1;
	v9 =	vld @!p4 [tilespmem:s7+$0x30]  }
0x58: {  	[tilespmem:s7+$0xFFFFFFC0] =	vst @!p3 v8;
	v6 =	vor.u32 @!p3 s10, v6;
	v4 =	vshll.u32 @!p3 v4, $0x1;
	v8 =	vld @!p3 [tilespmem:s7+$0xFFFFFFF0]  }
0x59: {  	[tilespmem:s7+$0xFFFFFFD0] =	vst @!p3 v6;
	v4 =	vor.u32 @!p3 s10, v4;
	v3 =	vshll.u32 @!p3 v3, $0x1  }
0x5a: {  	[tilespmem:s7+$0xFFFFFFE0] =	vst @!p3 v4;
	v3 =	vor.u32 @!p3 s10, v3;
	v4 =	vshll.u32 @!p3 v5, $0x1  }
.Ltmp2:
0x5b: {  	[tilespmem:s7+$0x0] =	vst @!p3 v3;
	v3 =	vor.u32 @!p3 s10, v4;
	v4 =	vshll.u32 @!p3 v7, $0x1;
	(pc) =	sbr.rel @p1 .LBB2_9-.Ltmp2, $4  }
0x5c: {  	[tilespmem:s7+$0x10] =	vst @!p3 v3;
	v3 =	vor.u32 @!p3 s10, v4;
	v4 =	vshll.u32 @!p3 v9, $0x1  }
0x5d: {  	v5 =	vshll.u32 @!p3 v8, $0x1;
	[tilespmem:s7+$0x20] =	vst @!p3 v3;
	v3 =	vor.u32 @!p3 s10, v4  }
0x5e: {  	v4 =	vor.u32 @!p3 s10, v5;
	[tilespmem:s7+$0x30] =	vst @!p3 v3  }
0x5f: {  	[tilespmem:s7+$0xFFFFFFF0] =	vst @!p3 v4  }
0x60: {  	s7 =	simm.s32 $0x0  }
0x61: {  	v3 =	vmov s7  }
0x62: {  	s8 =	simm.s32 $0x10;
	v3 =	vshll.u32 v3, $0x1  }
0x63: {  	s9 =	simm.s32 $0x2710;
	s7 =	simm.s32 $0xA70;
	v4 =	vmov s8;
	v3 =	vor.u32 v2, v3  }
0x64: {  	[dreg:$0x4] =	wrdreg s13;
	s13 =	simm.s32 $0x20;
	s8 =	simm.s32 $0x3270;
	v4 =	vshll.u32 v4, $0x1;
	[tilespmem:s7+$0xFFFFFF90] =	vst v3;
	v3 =	vor.u32 s9, v0  }
0x65: {  	s10 =	simm.s32 $0x2720;
	[tilespmem:s8+$0xFFFFFF90] =	vst v3;
	v3 =	vor.u32 v2, v4;
	v4 =	vmov s13  }
0x66: {  	s14 =	simm.s32 $0x30;
	[tilespmem:s7+$0xFFFFFFA0] =	vst v3;
	v3 =	vor.u32 s10, v0;
	v4 =	vshll.u32 v4, $0x1  }
0x67: {  	s15 =	simm.s32 $0x2730;
	[tilespmem:s8+$0xFFFFFFA0] =	vst v3;
	v3 =	vor.u32 v2, v4;
	v4 =	vmov s14  }
0x68: {  	s16 =	simm.s32 $0x40;
	[tilespmem:s7+$0xFFFFFFB0] =	vst v3;
	v3 =	vor.u32 s15, v0;
	v4 =	vshll.u32 v4, $0x1  }
0x69: {  	s18 =	simm.s32 $0x2740;
	[tilespmem:s8+$0xFFFFFFB0] =	vst v3;
	v3 =	vor.u32 v2, v4;
	v4 =	vmov s16  }
0x6a: {  	s19 =	simm.s32 $0x50;
	[tilespmem:s7+$0xFFFFFFC0] =	vst v3;
	v3 =	vor.u32 s18, v0;
	v4 =	vshll.u32 v4, $0x1  }
0x6b: {  	s21 =	simm.s32 $0x2750;
	[tilespmem:s8+$0xFFFFFFC0] =	vst v3;
	v3 =	vor.u32 v2, v4;
	v4 =	vmov s19  }
0x6c: {  	s24 =	simm.s32 $0x60;
	[tilespmem:s7+$0xFFFFFFD0] =	vst v3;
	v3 =	vor.u32 s21, v0;
	v4 =	vshll.u32 v4, $0x1  }
0x6d: {  	s12 =	simm.s32 $0x0;
	s11 =	simm.s32 $0x70;
	s15 =	simm.s32 $0x2760;
	[tilespmem:s8+$0xFFFFFFD0] =	vst v3;
	v3 =	vor.u32 v2, v4;
	v4 =	vmov s24  }
0x6e: {  	s25 =	simm.s32 $0x2770;
	s13 =	simm.s32 $0xF0;
	s10 =	simm.s32 $0x1;
	v5 =	vor.u32 s15, v0;
	[tilespmem:s7+$0xFFFFFFE0] =	vst v3;
	v4 =	vshll.u32 v4, $0x1  }
0x6f: {  	s15 =	simm.s32 $0x2780;
	s24 =	simm.s32 $0xA70;
	v3 =	vor.u32 s25, v0;
	[tilespmem:s8+$0xFFFFFFE0] =	vst v5;
	v4 =	vor.u32 v2, v4;
	v5 =	vmov s11;
	s11 =	simm.s32 $0x3270  }
.LBB2_7:
0x70: {  	s9 =	sadd.s32 $0xFFFFFF90, s13  }
0x71: {  	[tilespmem:s7+$0xFFFFFFF0] =	vst v4;
	v4 =	vshll.u32 v5, $0x1;
	p3 =	seq.s32 s12, $0x4;
	s12 =	smov.u32 s13;
	s25 =	sadd.s32 $0x80, s13  }
0x72: {  	s11 =	sadd.s32 $0x80, s11;
	s7 =	sadd.s32 $0x80, s7;
	v5 =	vmov s9;
	[tilespmem:s8+$0xFFFFFFF0] =	vst v3;
	v3 =	vor.u32 v2, v4;
	s10 =	simm.s32 @p3 $0x0  }
0x73: {  	s4 =	sadd.s32 $0xFFFFFFA0, s12;
	v4 =	vshll.u32 v5, $0x1;
	s16 =	sshll.u32 s10, $0x7;
	s9 =	sadd.s32 $0x1, s10;
	[tilespmem:s24+$0x0] =	vst v3;
	v3 =	vor.u32 s15, v0  }
0x74: {  	v5 =	vmov s4;
	v4 =	vor.u32 v2, v4;
	s15 =	sadd.s32 $0x2710, s16;
	s4 =	sadd.s32 $0x2720, s16;
	s14 =	sadd.s32 $0x2730, s16;
	[tilespmem:s8+$0x0] =	vst v3  }
0x75: {  	s8 =	sadd.s32 $0xFFFFFFB0, s12;
	s18 =	sadd.s32 $0x2740, s16;
	s19 =	sadd.s32 $0x2750, s16;
	[tilespmem:s7+$0xFFFFFF90] =	vst v4;
	v3 =	vor.u32 s15, v0;
	v4 =	vshll.u32 v5, $0x1  }
0x76: {  	s21 =	sadd.s32 $0x2760, s16;
	s15 =	sadd.s32 $0x2780, s16;
	[tilespmem:s11+$0xFFFFFF90] =	vst v3;
	v3 =	vor.u32 v2, v4;
	v4 =	vmov s8;
	s8 =	sadd.s32 $0x2770, s16  }
0x77: {  	p3 =	sne.s32 s13, $0x1DF0;
	v5 =	vor.u32 s4, v0;
	s4 =	sadd.s32 $0xFFFFFFC0, s12;
	[tilespmem:s7+$0xFFFFFFA0] =	vst v3;
	v4 =	vshll.u32 v4, $0x1;
	v3 =	vor.u32 s8, v0;
	s8 =	smov.u32 s11  }
0x78: {  	s24 =	smov.u32 s7;
	[tilespmem:s11+$0xFFFFFFA0] =	vst v5;
	v4 =	vor.u32 v2, v4;
	v5 =	vmov s4  }
0x79: {  	s4 =	sadd.s32 $0xFFFFFFD0, s12;
	[tilespmem:s7+$0xFFFFFFB0] =	vst v4;
	v4 =	vor.u32 s14, v0;
	v5 =	vshll.u32 v5, $0x1  }
0x7a: {  	[tilespmem:s11+$0xFFFFFFB0] =	vst v4;
	v4 =	vor.u32 v2, v5;
	v5 =	vmov s4  }
0x7b: {  	s4 =	sadd.s32 $0xFFFFFFE0, s12;
	[tilespmem:s7+$0xFFFFFFC0] =	vst v4;
	v4 =	vor.u32 s18, v0;
	v5 =	vshll.u32 v5, $0x1  }
.Ltmp3:
0x7c: {  	[tilespmem:s11+$0xFFFFFFC0] =	vst v4;
	v4 =	vor.u32 v2, v5;
	v5 =	vmov s4;
	(pc) =	sbr.rel @p3 .LBB2_7-.Ltmp3, $4  }
0x7d: {  	s4 =	sadd.s32 $0xFFFFFFF0, s12;
	[tilespmem:s7+$0xFFFFFFD0] =	vst v4;
	v4 =	vor.u32 s19, v0;
	v5 =	vshll.u32 v5, $0x1  }
0x7e: {  	[tilespmem:s11+$0xFFFFFFD0] =	vst v4;
	v4 =	vor.u32 v2, v5;
	v5 =	vmov s4  }
0x7f: {  	[tilespmem:s7+$0xFFFFFFE0] =	vst v4;
	v4 =	vor.u32 s21, v0;
	v5 =	vshll.u32 v5, $0x1  }
0x80: {  	s13 =	smov.u32 s25;
	[tilespmem:s11+$0xFFFFFFE0] =	vst v4;
	v4 =	vor.u32 v2, v5;
	v5 =	vmov s12;
	s12 =	smov.u32 s10;
	s10 =	smov.u32 s9  }
0x81: {  	s13 =	rddreg [dreg:$0x4]  }
0x82: {  	s14 =	rddreg [dreg:$0x5]  }
0x83: {  	s16 =	rddreg [dreg:$0x7]  }
0x84: {  	s18 =	rddreg [dreg:$0x8]  }
0x85: {  	s19 =	rddreg [dreg:$0x9]  }
0x86: {  	[tilespmem:s7+$0xFFFFFFF0] =	vst v4;
	v63 =	vshll.u32 v5, $0x1;
	s21 =	rddreg [dreg:$0xa]  }
0x87: {  	s25 =	rddreg [dreg:$0xc];
	[tilespmem:s8+$0xFFFFFFF0] =	vst v3;
	v3 =	vor.u32 v2, v63  }
0x88: {  	[tilespmem:s24+$0x0] =	vst v3;
	v3 =	vor.u32 s15, v0;
	s15 =	rddreg [dreg:$0x6]  }
0x89: {  	s12 =	stileid.u32;
	s24 =	rddreg [dreg:$0xb];
	[tilespmem:s8+$0x0] =	vst v3  }
.LBB2_9:
0x8a: {  	[bflag:$0x0] =	sbarrier.arrive $0xFFFF;
	s4 =	simm.s32 $0x0;
	s9 =	simm.s32 $0x5000  }
0x8b: {  	[tilespmem:s9], [sflag:$0x1] =	stream.indirect.gather [hbm4b:s1+s17], $0x40, s4, s17, $0xb8;
	[tilespmem:$0x1EB40] =	vst v63  }
0x8c: {  	s10 =	simm.s32 $0x7000  }
0x8d: {  	[tilespmem:s10], [sflag:$0x2] =	stream.indirect.gather [hbm4b:s1+s17], $0x40, s17, s17, $0xb8;
	[tilespmem:$0x1EB40] =	vst v63  }
0x8e: {  	s8 =	simm.s32 $0x100;
	s11 =	simm.s32 $0x9000  }
0x8f: {  	[tilespmem:s11], [sflag:$0x3] =	stream.indirect.gather [hbm4b:s1+s17], $0x40, s8, s17, $0xb8;
	[tilespmem:$0x1EB40] =	vst v63  }
0x90: {  	s7 =	simm.s32 $0x180  }
0x91: {  	[tilespmem:s23], [sflag:$0x4] =	stream.indirect.gather [hbm4b:s1+s17], $0x40, s7, s17, $0xb8;
	[tilespmem:$0x1EB40] =	vst v63  }
0x92: {  	s8 =	simm.s32 $0x200  }
0x93: {  	[tilespmem:s28], [sflag:$0x5] =	stream.indirect.gather [hbm4b:s1+s17], $0x40, s8, s17, $0xb8;
	[tilespmem:$0x1EB40] =	vst v63  }
0x94: {  	_ =	swait.ge [sflag:s29], $0x2000  }
0x95: {  	[sflag:s29] =	ssyncset.done $0x0  }
0x96: {  	s7 =	simm.s32 $0x2800;
	[sflag:s29] =	ssyncadd.s32 $0xFFFFE000  }
0x97: {  	[spmem:s3] =	stream.indirect.scatter.add.f32 [tilespmem:s9], [sflag:$0x6], $0x40, s7, s17, $0xb8;
	[tilespmem:$0x1EB40] =	vst v63  }
0x98: {  	_ =	swait.ge [sflag:s31], $0x2000  }
0x99: {  	[sflag:s31] =	ssyncset.done $0x0  }
0x9a: {  	s8 =	simm.s32 $0x2880;
	[sflag:s31] =	ssyncadd.s32 $0xFFFFE000  }
0x9b: {  	[spmem:s3] =	stream.indirect.scatter.add.f32 [tilespmem:s10], [sflag:$0x7], $0x40, s8, s17, $0xb8;
	[tilespmem:$0x1EB40] =	vst v63  }
0x9c: {  	_ =	swait.ge [sflag:s20], $0x2000  }
0x9d: {  	[sflag:s20] =	ssyncset.done $0x0  }
0x9e: {  	s7 =	simm.s32 $0x2900;
	[sflag:s20] =	ssyncadd.s32 $0xFFFFE000  }
0x9f: {  	[spmem:s3] =	stream.indirect.scatter.add.f32 [tilespmem:s11], [sflag:$0x8], $0x40, s7, s17, $0xb8;
	[tilespmem:$0x1EB40] =	vst v63  }
0xa0: {  	_ =	swait.ge [sflag:s26], $0x2000  }
0xa1: {  	[sflag:s26] =	ssyncset.done $0x0  }
0xa2: {  	s8 =	simm.s32 $0x2980;
	[sflag:s26] =	ssyncadd.s32 $0xFFFFE000  }
0xa3: {  	[spmem:s3] =	stream.indirect.scatter.add.f32 [tilespmem:s23], [sflag:$0x9], $0x40, s8, s17, $0xb8;
	[tilespmem:$0x1EB40] =	vst v63  }
0xa4: {  	_ =	swait.ge [sflag:s2], $0x2000  }
0xa5: {  	[sflag:s2] =	ssyncset.done $0x0  }
0xa6: {  	s7 =	simm.s32 $0x2A00;
	[sflag:s2] =	ssyncadd.s32 $0xFFFFE000  }
0xa7: {  	[spmem:s3] =	stream.indirect.scatter.add.f32 [tilespmem:s28], [sflag:$0xA], $0x40, s7, s17, $0xb8;
	[tilespmem:$0x1EB40] =	vst v63  }
0xa8: {  	_ =	swait.ge [sflag:s30], $0x2000  }
0xa9: {  	[sflag:s30] =	ssyncset.done $0x0  }
0xaa: {  	[sflag:s30] =	ssyncadd.s32 $0xFFFFE000  }
0xab: {  	_ =	swait.ge [sflag:s22], $0x2000  }
0xac: {  	[sflag:s22] =	ssyncset.done $0x0  }
0xad: {  	[sflag:s22] =	ssyncadd.s32 $0xFFFFE000  }
0xae: {  	_ =	swait.ge [sflag:s0], $0x2000  }
0xaf: {  	[sflag:s0] =	ssyncset.done $0x0  }
0xb0: {  	[sflag:s0] =	ssyncadd.s32 $0xFFFFE000  }
0xb1: {  	_ =	swait.ge [sflag:s5], $0x2000  }
0xb2: {  	[sflag:s5] =	ssyncset.done $0x0  }
0xb3: {  	[sflag:s5] =	ssyncadd.s32 $0xFFFFE000  }
0xb4: {  	_ =	swait.ge [sflag:s6], $0x2000  }
0xb5: {  	[sflag:s6] =	ssyncset.done $0x0  }
0xb6: {  	s8 =	simm.s32 $0x280;
	[sflag:s6] =	ssyncadd.s32 $0xFFFFE000  }
0xb7: {  	[tilespmem:s9], [sflag:$0x1] =	stream.indirect.gather [hbm4b:s1+s17], $0x40, s8, s17, $0xb8;
	[tilespmem:$0x1EB40] =	vst v63  }
0xb8: {  	s7 =	simm.s32 $0x300  }
0xb9: {  	[tilespmem:s10], [sflag:$0x2] =	stream.indirect.gather [hbm4b:s1+s17], $0x40, s7, s17, $0xb8;
	[tilespmem:$0x1EB40] =	vst v63  }
0xba: {  	s8 =	simm.s32 $0x380  }
0xbb: {  	[tilespmem:s11], [sflag:$0x3] =	stream.indirect.gather [hbm4b:s1+s17], $0x40, s8, s17, $0xb8;
	[tilespmem:$0x1EB40] =	vst v63  }
0xbc: {  	s7 =	simm.s32 $0x400  }
0xbd: {  	[tilespmem:s23], [sflag:$0x4] =	stream.indirect.gather [hbm4b:s1+s17], $0x40, s7, s17, $0xb8;
	[tilespmem:$0x1EB40] =	vst v63  }
0xbe: {  	s8 =	simm.s32 $0x480  }
0xbf: {  	[tilespmem:s28], [sflag:$0x5] =	stream.indirect.gather [hbm4b:s1+s17], $0x40, s8, s17, $0xb8;
	[tilespmem:$0x1EB40] =	vst v63  }
0xc0: {  	_ =	swait.ge [sflag:s29], $0x2000  }
0xc1: {  	[sflag:s29] =	ssyncset.done $0x0  }
0xc2: {  	s7 =	simm.s32 $0x2A80;
	[sflag:s29] =	ssyncadd.s32 $0xFFFFE000  }
0xc3: {  	[spmem:s3] =	stream.indirect.scatter.add.f32 [tilespmem:s9], [sflag:$0x6], $0x40, s7, s17, $0xb8;
	[tilespmem:$0x1EB40] =	vst v63  }
0xc4: {  	_ =	swait.ge [sflag:s31], $0x2000  }
0xc5: {  	[sflag:s31] =	ssyncset.done $0x0  }
0xc6: {  	s8 =	simm.s32 $0x2B00;
	[sflag:s31] =	ssyncadd.s32 $0xFFFFE000  }
0xc7: {  	[spmem:s3] =	stream.indirect.scatter.add.f32 [tilespmem:s10], [sflag:$0x7], $0x40, s8, s17, $0xb8;
	[tilespmem:$0x1EB40] =	vst v63  }
0xc8: {  	_ =	swait.ge [sflag:s20], $0x2000  }
0xc9: {  	[sflag:s20] =	ssyncset.done $0x0  }
0xca: {  	s7 =	simm.s32 $0x2B80;
	[sflag:s20] =	ssyncadd.s32 $0xFFFFE000  }
0xcb: {  	[spmem:s3] =	stream.indirect.scatter.add.f32 [tilespmem:s11], [sflag:$0x8], $0x40, s7, s17, $0xb8;
	[tilespmem:$0x1EB40] =	vst v63  }
0xcc: {  	_ =	swait.ge [sflag:s26], $0x2000  }
0xcd: {  	[sflag:s26] =	ssyncset.done $0x0  }
0xce: {  	s8 =	simm.s32 $0x2C00;
	[sflag:s26] =	ssyncadd.s32 $0xFFFFE000  }
0xcf: {  	[spmem:s3] =	stream.indirect.scatter.add.f32 [tilespmem:s23], [sflag:$0x9], $0x40, s8, s17, $0xb8;
	[tilespmem:$0x1EB40] =	vst v63  }
0xd0: {  	_ =	swait.ge [sflag:s2], $0x2000  }
0xd1: {  	[sflag:s2] =	ssyncset.done $0x0  }
0xd2: {  	s7 =	simm.s32 $0xA00;
	s8 =	simm.s32 $0x2C80;
	[sflag:s2] =	ssyncadd.s32 $0xFFFFE000  }
.LBB2_10:
0xd3: {  	[spmem:s3] =	stream.indirect.scatter.add.f32 [tilespmem:s28], [sflag:$0xA], $0x40, s8, s17, $0xb8;
	[tilespmem:$0x1EB40] =	vst v63  }
0xd4: {  	s4 =	smov.u32 s7  }
0xd5: {  	p3 =	sne.s32 s7, $0x8C00;
	s7 =	sadd.s32 $0xA00, s7;
	_ =	swait.ge [sflag:s30], $0x2000  }
0xd6: {  	[sflag:s30] =	ssyncset.done $0x0  }
0xd7: {  	[sflag:s30] =	ssyncadd.s32 $0xFFFFE000  }
0xd8: {  	_ =	swait.ge [sflag:s22], $0x2000  }
0xd9: {  	[sflag:s22] =	ssyncset.done $0x0  }
0xda: {  	[sflag:s22] =	ssyncadd.s32 $0xFFFFE000  }
0xdb: {  	_ =	swait.ge [sflag:s0], $0x2000  }
0xdc: {  	[sflag:s0] =	ssyncset.done $0x0  }
0xdd: {  	[sflag:s0] =	ssyncadd.s32 $0xFFFFE000  }
0xde: {  	_ =	swait.ge [sflag:s5], $0x2000  }
0xdf: {  	[sflag:s5] =	ssyncset.done $0x0  }
0xe0: {  	[sflag:s5] =	ssyncadd.s32 $0xFFFFE000  }
0xe1: {  	_ =	swait.ge [sflag:s6], $0x2000  }
0xe2: {  	s8 =	sshra.s32 s4, $0x2;
	[sflag:s6] =	ssyncset.done $0x0  }
0xe3: {  	s4 =	sadd.s32 $0x280, s8;
	[sflag:s6] =	ssyncadd.s32 $0xFFFFE000  }
0xe4: {  	[tilespmem:s9], [sflag:$0x1] =	stream.indirect.gather [hbm4b:s1+s17], $0x40, s4, s17, $0xb8;
	[tilespmem:$0x1EB40] =	vst v63  }
0xe5: {  	s4 =	sadd.s32 $0x300, s8  }
0xe6: {  	[tilespmem:s10], [sflag:$0x2] =	stream.indirect.gather [hbm4b:s1+s17], $0x40, s4, s17, $0xb8;
	[tilespmem:$0x1EB40] =	vst v63  }
0xe7: {  	s4 =	sadd.s32 $0x380, s8  }
0xe8: {  	[tilespmem:s11], [sflag:$0x3] =	stream.indirect.gather [hbm4b:s1+s17], $0x40, s4, s17, $0xb8;
	[tilespmem:$0x1EB40] =	vst v63  }
0xe9: {  	s4 =	sadd.s32 $0x400, s8  }
0xea: {  	[tilespmem:s23], [sflag:$0x4] =	stream.indirect.gather [hbm4b:s1+s17], $0x40, s4, s17, $0xb8;
	[tilespmem:$0x1EB40] =	vst v63  }
0xeb: {  	s4 =	sadd.s32 $0x480, s8  }
0xec: {  	[tilespmem:s28], [sflag:$0x5] =	stream.indirect.gather [hbm4b:s1+s17], $0x40, s4, s17, $0xb8;
	[tilespmem:$0x1EB40] =	vst v63  }
0xed: {  	_ =	swait.ge [sflag:s29], $0x2000  }
0xee: {  	[sflag:s29] =	ssyncset.done $0x0  }
0xef: {  	s4 =	sadd.s32 $0x2A80, s8;
	[sflag:s29] =	ssyncadd.s32 $0xFFFFE000  }
0xf0: {  	[spmem:s3] =	stream.indirect.scatter.add.f32 [tilespmem:s9], [sflag:$0x6], $0x40, s4, s17, $0xb8;
	[tilespmem:$0x1EB40] =	vst v63  }
0xf1: {  	_ =	swait.ge [sflag:s31], $0x2000  }
0xf2: {  	[sflag:s31] =	ssyncset.done $0x0  }
0xf3: {  	s4 =	sadd.s32 $0x2B00, s8;
	[sflag:s31] =	ssyncadd.s32 $0xFFFFE000  }
0xf4: {  	[spmem:s3] =	stream.indirect.scatter.add.f32 [tilespmem:s10], [sflag:$0x7], $0x40, s4, s17, $0xb8;
	[tilespmem:$0x1EB40] =	vst v63  }
0xf5: {  	_ =	swait.ge [sflag:s20], $0x2000  }
0xf6: {  	[sflag:s20] =	ssyncset.done $0x0  }
0xf7: {  	s4 =	sadd.s32 $0x2B80, s8;
	[sflag:s20] =	ssyncadd.s32 $0xFFFFE000  }
0xf8: {  	[spmem:s3] =	stream.indirect.scatter.add.f32 [tilespmem:s11], [sflag:$0x8], $0x40, s4, s17, $0xb8;
	[tilespmem:$0x1EB40] =	vst v63  }
0xf9: {  	_ =	swait.ge [sflag:s26], $0x2000  }
0xfa: {  	[sflag:s26] =	ssyncset.done $0x0  }
.Ltmp4:
0xfb: {  	s4 =	sadd.s32 $0x2C00, s8;
	[sflag:s26] =	ssyncadd.s32 $0xFFFFE000;
	(pc) =	sbr.rel @p3 .LBB2_10-.Ltmp4, $4  }
0xfc: {  	[spmem:s3] =	stream.indirect.scatter.add.f32 [tilespmem:s23], [sflag:$0x9], $0x40, s4, s17, $0xb8;
	[tilespmem:$0x1EB40] =	vst v63  }
0xfd: {  	_ =	swait.ge [sflag:s2], $0x2000  }
0xfe: {  	[sflag:s2] =	ssyncset.done $0x0  }
0xff: {  	s8 =	sadd.s32 $0x2C80, s8;
	[sflag:s2] =	ssyncadd.s32 $0xFFFFE000  }
0x100: {  	[spmem:s3] =	stream.indirect.scatter.add.f32 [tilespmem:s28], [sflag:$0xA], $0x40, s8, s17, $0xb8;
	[tilespmem:$0x1EB40] =	vst v63  }
0x101: {  	_ =	swait.ge [sflag:s30], $0x2000  }
0x102: {  	[sflag:s30] =	ssyncset.done $0x0  }
0x103: {  	[sflag:s30] =	ssyncadd.s32 $0xFFFFE000  }
0x104: {  	_ =	swait.ge [sflag:s22], $0x2000  }
0x105: {  	[sflag:s22] =	ssyncset.done $0x0  }
0x106: {  	[sflag:s22] =	ssyncadd.s32 $0xFFFFE000  }
0x107: {  	_ =	swait.ge [sflag:s0], $0x2000  }
0x108: {  	[sflag:s0] =	ssyncset.done $0x0  }
0x109: {  	[sflag:s0] =	ssyncadd.s32 $0xFFFFE000  }
0x10a: {  	_ =	swait.ge [sflag:s5], $0x2000  }
0x10b: {  	[sflag:s5] =	ssyncset.done $0x0  }
0x10c: {  	[sflag:s5] =	ssyncadd.s32 $0xFFFFE000  }
0x10d: {  	_ =	swait.ge [sflag:s6], $0x2000  }
0x10e: {  	[sflag:s6] =	ssyncset.done $0x0  }
0x10f: {  	[sflag:s6] =	ssyncadd.s32 $0xFFFFE000  }
0x110: {  	s4 =	simm.s32 @p2 $0x1;
	s7 =	simm.s32 @p2 $0x10;
	[bflag:$0x0] =	sbarrier.arrive $0xFFFF  }
0x111: {  	s8 =	simm.s32 @p2 $0x8;
	s9 =	simm.s32 @p2 $0x1FCD;
	s10 =	rddreg [dreg:$0xf]  }
0x112: {  	[hbm:s25@s7], [sflag:s9] =	dma.strided @p2 [spmem:s10@s8], $0x1400, s4, $0x8   }
0x113: {  	s4 =	simm.s32 @p2 $0xD  }
0x114: {  	s7 =	sshll.u32 @!p2 s12, $0x6;
	s8 =	simm.s32 @!p2 $0x10;
	_ =	swait.ge @p2 [sflag:s4], $0x1400  }
0x115: {  	s9 =	simm.s32 @!p2 $0x8;
	[sflag:s4] =	ssyncset.done @p2 $0x0;
	s10 =	rddreg [dreg:$0x10]  }
0x116: {  	[sflag:s4] =	ssyncadd.s32 @p2 $0xFFFFEC00;
	s4 =	sor.u32 @!p2 $0x1C0D, s7;
	s7 =	simm.s32 @!p2 $0x1  }
0x117: {  	[hbm:s24@s8], [sflag:s4] =	dma.strided @!p2 [spmem:s10@s9], $0x1380, s7, $0x8   }
0x118: {  	s4 =	simm.s32 @!p2 $0xD  }
0x119: {  	_ =	swait.ge @!p2 [sflag:s4], $0x1380  }
0x11a: {  	s13 =	sadd.s32 $0x1, s13;
	s11 =	rddreg [dreg:$0xd]  }
0x11b: {  	p3 =	sne.s32 s13, s11  }
.Ltmp5:
0x11c: {  	_ = 	snop;
	(pc) =	sbr.rel @p3 .LBB2_1-.Ltmp5, $3  }
0x11d: {  	_ =	sdelay $0x1  }
0x11e: {  	[sflag:s4] =	ssyncset.done @!p2 $0x0  }
0x11f: {  	[sflag:s4] =	ssyncadd.s32 @!p2 $0xFFFFEC80;
	s4 =	rddreg [dreg:$0xe]  }
0x120: {  	_ =	sfence.sel $0x180000  }
0x121: {  	[bflag:$0x0] =	sbarrier.arrive $0xFFFF  }
0x122: {  	_ =	strace $0x9000004A  }
0x123: {  	[bflag:$0x2] =	sbarrier.arrive $0xFFFF  }
0x124: {  	p0 =	sne.s32 s12, $0x0;
	s0 =	rddreg [dreg:$0x3]  }
0x125: {  	s0 =	sadd.s32 @!p0 $0x100000, s0  }
0x126: {  	[sflag:s0] =	ssyncadd.tile.s32 @!p0 $0x1;
	_ =	shalt  }
.Lfunc_end2:
_tile_overlayer_lowered:
.L_overlay_start_2:
0x127: {  	(tag) =	ssettag $0x2  }
0x128: {  	s0 =	rddreg [dreg:$0x0];
	s2 =	stileid.u32  }
0x129: {  	s1 =	rddreg [dreg:$0x1];
	p0 =	sne.s32 s2, $0x0  }
0x12a: {  	s3 =	rddreg [dreg:$0x2];
	[bflag:$0x3] =	sbarrier.arrive $0xFFFF;
	s2 =	simm.s32 @!p0 $0x1C0D  }
0x12b: {  	[timem:s3], [sflag:s2] =	dma.local @!p0 [hbm:s0], s1  }
0x12c: {  	s0 =	simm.s32 @!p0 $0xD  }
0x12d: {  	_ =	swait.ge @!p0 [sflag:s0], s1  }
0x12e: {  	s1 =	ssub.s32 @!p0 $0x0, s1;
	[sflag:s0] =	ssyncset.done @!p0 $0x0  }
0x12f: {  	[sflag:s0] =	ssyncadd.s32 @!p0 s1  }
0x130: {  	[bflag:$0x3] =	sbarrier.arrive $0xFFFF  }
0x131: {  	_ =	shalt  }

// kernel: kernel.7.cloned.1.call-start
scs
__scs_entry_jumppad:
0x0: {  	(pc) =	sbr.rel $0x88, $3  }
0x1: {  	(tag) =	ssettag $0x0;
	lr =	simm.s32 $0x1  }
0x2: {  	[smem:$0x3F87] =	sst lr;
	_ =	strace $0xD0000000  }
0x3: {  	_ = 	snop  }
0x4: {  	_ = 	snop  }
0x5: {  	_ = 	snop  }
0x6: {  	_ = 	snop  }
0x7: {  	_ = 	snop  }
__scs_overlays_trampoline_lowered:
0x8: {  	[smem:$0x3F96] =	sst s0  }
0x9: {  	[smem:$0x3F97] =	sst s1  }
0xa: {  	[smem:$0x3F98] =	sst s2  }
0xb: {  	[smem:$0x3F99] =	sst s3  }
0xc: {  	[smem:$0x3F9A] =	sst s4  }
0xd: {  	[smem:$0x3F9B] =	sst s5  }
0xe: {  	[smem:$0x3F9C] =	sst s6  }
0xf: {  	[smem:$0x3F9D] =	sst s7  }
0x10: {  	[smem:$0x3F9E] =	sst s8  }
0x11: {  	[smem:$0x3F9F] =	sst s9;
	s0 =	simm.s32 @!p0 $0x0  }
0x12: {  	s1 =	sld [smem:$0x3F85];
	s0 =	simm.s32 @p0 $0x1  }
0x13: {  	[smem:$0x3FA0] =	sst s0;
	s0 =	simm.s32 @!p1 $0x0  }
0x14: {  	s2 =	sld [smem:$0x3F84];
	s0 =	simm.s32 @p1 $0x1  }
0x15: {  	[smem:$0x3FA1] =	sst s0;
	s0 =	simm.s32 @!p2 $0x0  }
0x16: {  	s3 =	sld [smem:$0x3FDB];
	s0 =	simm.s32 @p2 $0x1  }
0x17: {  	s4 =	simm.s32 $0x1BF5;
	[smem:$0x3FA3] =	sst s0  }
0x18: {  	s0 =	sld [smem:$0x3F86];
	_ =	swait.ge [sflag:s4], $0x0  }
0x19: {  	s7 =	sld [smem:$0x3F87]  }
0x1a: {  	s8 =	sadd.s32 $0xFFFFE003, lr  }
0x1b: {  	s9 =	sadd.s32 $0xFFFFFEF7, lr;
	s5 =	simm.s32 $0xFFFFFFFF;
	p2 =	slt.u32 s8, $0xFFFFF086  }
0x1c: {  	p1 =	slt.u32 s9, $0xF7A;
	s5 =	simm.s32 @!p2 $0x0  }
0x1d: {  	s5 =	simm.s32 @p1 $0x1;
	p0 =	seq.s32 s7, s2  }
0x1e: {  	s7 =	smul.u32 @!p0 $0xF7A, s2;
	p2 =	seq.s32 @!p0 s5, $0x0  }
0x1f: {  	s9 =	smul.u32 $0xF7A, s1;
	s8 =	simm.s32 @!p0 $0x1BF5;
	p2 =	por !p2, p0  }
0x20: {  	[sflag:s8] =	ssyncset.s32 @!p0 $0xFFFFF086;
	s6 =	sadd.s32 @!p0 s3, s7;
	s7 =	simm.s32 @!p0 $0x108  }
0x21: {  	s3 =	sadd.s32 s3, s9;
	s6 =	sadd.s32 @!p0 $0x88, s6;
	s7 =	simm.s32 @p2 $0x1082  }
0x22: {  	[simem:s7], [sflag:s8] =	dma.local @!p0 [hbm:s6], $0xF7A  }
0x23: {  	s9 =	sor.u32 $0xD0000000, s2;
	s6 =	simm.s32 $0x108;
	_ =	swait.ge @!p0 [sflag:s8], $0x0  }
0x24: {  	s3 =	sadd.s32 $0x88, s3;
	s6 =	simm.s32 @!p1 $0x1082;
	[sflag:s4] =	ssyncset.s32 $0xFFFFF086  }
0x25: {  	[simem:s6], [sflag:s4] =	dma.local [hbm:s3], $0xF7A  }
0x26: {  	[smem:$0x3F87] =	sst s1;
	(tag) =	ssettag s2;
	_ =	strace s9  }
0x27: {  	s1 =	sld [smem:$0x3F97]  }
0x28: {  	s2 =	sld [smem:$0x3F98]  }
0x29: {  	s4 =	sld [smem:$0x3F9A]  }
0x2a: {  	p0 =	seq.s32 s5, $0x0;
	s5 =	sld [smem:$0x3F9B]  }
0x2b: {  	s6 =	sld [smem:$0x3F9C]  }
0x2c: {  	s7 =	sld [smem:$0x3F9D]  }
0x2d: {  	s3 =	simm.s32 $0x108;
	s8 =	sld [smem:$0x3F9E]  }
0x2e: {  	s3 =	simm.s32 @!p0 $0x1082;
	s9 =	sld [smem:$0x3F9F]  }
0x2f: {  	lr =	sadd.s32 s0, s3;
	s0 =	sld [smem:$0x3F96]  }
0x30: {  	s3 =	sld [smem:$0x3F99]  }
0x31: {  	[smem:$0x3FA2] =	sst s10  }
0x32: {  	s10 =	sld [smem:$0x3FA0];
	_ =	sdelay $0x3  }
0x33: {  	p0 =	seq.s32 s10, $0x1;
	s10 =	sld [smem:$0x3FA2];
	_ =	sdelay $0x3  }
0x34: {  	[smem:$0x3FA2] =	sst s10  }
0x35: {  	s10 =	sld [smem:$0x3FA1];
	_ =	sdelay $0x3  }
0x36: {  	p1 =	seq.s32 s10, $0x1;
	s10 =	sld [smem:$0x3FA2];
	_ =	sdelay $0x3  }
0x37: {  	[smem:$0x3FA2] =	sst s10  }
0x38: {  	s10 =	sld [smem:$0x3FA3]  }
0x39: {  	_ = 	snop;
	(pc) =	sbr.ind lr, $3  }
0x3a: {  	_ = 	snop  }
0x3b: {  	_ = 	snop  }
0x3c: {  	p2 =	seq.s32 s10, $0x1;
	s10 =	sld [smem:$0x3FA2]  }
0x3d: {  	_ =	shalt  }
0x3e: {  	_ =	shalt  }
0x3f: {  	_ =	shalt  }
0x40: {  	_ =	shalt  }
0x41: {  	_ =	shalt  }
0x42: {  	_ =	shalt  }
0x43: {  	_ =	shalt  }
0x44: {  	_ =	shalt  }
0x45: {  	_ =	shalt  }
0x46: {  	_ =	shalt  }
0x47: {  	_ =	shalt  }
0x48: {  	_ =	shalt  }
0x49: {  	_ =	shalt  }
0x4a: {  	_ =	shalt  }
0x4b: {  	_ =	shalt  }
0x4c: {  	_ =	shalt  }
0x4d: {  	_ =	shalt  }
0x4e: {  	_ =	shalt  }
0x4f: {  	_ =	shalt  }
0x50: {  	_ =	shalt  }
0x51: {  	_ =	shalt  }
0x52: {  	_ =	shalt  }
0x53: {  	_ =	shalt  }
0x54: {  	_ =	shalt  }
0x55: {  	_ =	shalt  }
0x56: {  	_ =	shalt  }
0x57: {  	_ =	shalt  }
0x58: {  	_ =	shalt  }
0x59: {  	_ =	shalt  }
0x5a: {  	_ =	shalt  }
0x5b: {  	_ =	shalt  }
0x5c: {  	_ =	shalt  }
0x5d: {  	_ =	shalt  }
0x5e: {  	_ =	shalt  }
0x5f: {  	_ =	shalt  }
0x60: {  	_ =	shalt  }
0x61: {  	_ =	shalt  }
0x62: {  	_ =	shalt  }
0x63: {  	_ =	shalt  }
0x64: {  	_ =	shalt  }
0x65: {  	_ =	shalt  }
0x66: {  	_ =	shalt  }
0x67: {  	_ =	shalt  }
0x68: {  	_ =	shalt  }
0x69: {  	_ =	shalt  }
0x6a: {  	_ =	shalt  }
0x6b: {  	_ =	shalt  }
0x6c: {  	_ =	shalt  }
0x6d: {  	_ =	shalt  }
0x6e: {  	_ =	shalt  }
0x6f: {  	_ =	shalt  }
0x70: {  	_ =	shalt  }
0x71: {  	_ =	shalt  }
0x72: {  	_ =	shalt  }
0x73: {  	_ =	shalt  }
0x74: {  	_ =	shalt  }
0x75: {  	_ =	shalt  }
0x76: {  	_ =	shalt  }
0x77: {  	_ =	shalt  }
0x78: {  	_ =	shalt  }
0x79: {  	_ =	shalt  }
0x7a: {  	_ =	shalt  }
0x7b: {  	_ =	shalt  }
0x7c: {  	_ =	shalt  }
0x7d: {  	_ =	shalt  }
0x7e: {  	_ =	shalt  }
0x7f: {  	_ =	shalt  }
0x80: {  	_ =	shalt  }
0x81: {  	_ =	shalt  }
0x82: {  	_ =	shalt  }
0x83: {  	_ =	shalt  }
0x84: {  	_ =	shalt  }
0x85: {  	_ =	shalt  }
0x86: {  	_ =	shalt  }
0x87: {  	_ =	shalt  }
.Lfunc_end0:
.L_simem_size_0:
called_computation_lowered:
.L_overlay_start_0:
0x88: {  	s2 =	sld [smem:$0x3FD9]  }
0x89: {  	s3 =	sld [smem:$0x3FFE];
	_ =	sdelay $0x1  }
0x8a: {  	s1 =	srdreg.scid  }
0x8b: {  	s0 =	sand.u32 $0x1, s1  }
0x8c: {  	s14 =	sshll.u32 s0, $0xA;
	s2 =	sadd.s32 s3, s2  }
0x8d: {  	s2 =	sadd.s32 s2, s14  }
0x8e: {  	[smem:$0x3FAE] =	sst s2  }
0x8f: {  	_ = 	snop  }
0x90: {  	s2 =	sld [smem:$0x3FD0];
	_ =	sdelay $0x2  }
0x91: {  	s15 =	simm.s32 $0xA;
	s4 =	simm.s32 $0x10  }
0x92: {  	[smem:s4], [sflag:s15] =	dma.local [hbm:s2], $0x1  }
0x93: {  	_ =	swait.eq [sflag:s15], $0x1  }
0x94: {  	[sflag:s15] =	ssyncset.done $0x0  }
0x95: {  	[sflag:s15] =	ssyncadd.s32 $0xFFFFFFFF  }
0x96: {  	s16 =	sld [smem:$0x10];
	(tm) =	ssettm $0x1  }
0x97: {  	s17 =	sld [smem:$0x3FFB];
	_ =	sdelay $0x3  }
0x98: {  	_ =	strace s17  }
0x99: {  	s3 =	sld [smem:$0x3FFC];
	_ =	sdelay $0x3  }
0x9a: {  	_ =	strace s3  }
0x9b: {  	s3 =	sld [smem:$0x3FFD];
	_ =	sdelay $0x3  }
0x9c: {  	_ =	strace s3  }
0x9d: {  	_ =	strace $0x8FFFFFFF  }
0x9e: {  	s18 =	sld [smem:$0x3FDB];
	_ =	sdelay $0x1  }
0x9f: {  	s19 =	simm.s32 $_scs_section_size  }
0xa0: {  	s5 =	simm.s32 $_size__tile_overlayer_lowered;
	s6 =	simm.s32 $_tile_overlayer_lowered  }
0xa1: {  	s22 =	simm.s32 $0x1BFF;
	s21 =	sshll.u32 s6, $0x1;
	s3 =	sadd.s32 s19, s18  }
0xa2: {  	s7 =	simm.s32 $0x0;
	s20 =	sshll.u32 s5, $0x1;
	s5 =	sadd.s32 s21, s3  }
0xa3: {  	[timem:s7], [sflag:s22] =	dma.local [hbm:s5], s20  }
0xa4: {  	_ =	swait.ge [sflag:s22], s20  }
0xa5: {  	s4 =	ssub.s32 $0x0, s20;
	[sflag:s22] =	ssyncset.done $0x0  }
0xa6: {  	[sflag:s22] =	ssyncadd.s32 s4;
	_ =	sdelay $0x1  }
0xa7: {  	s23 =	simm.s32 $0x1B8B  }
0xa8: {  	_ =	swait.ge [sflag:s23], $0x1  }
0xa9: {  	[sflag:s23] =	ssyncset.done $0x0  }
0xaa: {  	s25 =	simm.s32 $0x1B8E;
	s24 =	sld [smem:$0x3FFE];
	[sflag:s23] =	ssyncadd.s32 $0xFFFFFFFF  }
0xab: {  	s26 =	simm.s32 $execute0_lowered;
	[smem:$0x3FD2] =	sst s25  }
0xac: {  	s5 =	sshll.u32 s26, $0x1;
	_ =	strace $0x80000046;
	[dreg:$0x1] =	wrdreg $0xFFFFFFFF  }
0xad: {  	s28 =	simm.s32 $_size_execute0_lowered;
	s3 =	sadd.s32 s3, s5;
	[dreg:$0x0] =	wrdreg $0x0  }
0xae: {  	s5 =	sshll.u32 s28, $0x1;
	[dreg:$0x2] =	wrdreg s3  }
0xaf: {  	[dreg:$0x3] =	wrdreg s5  }
0xb0: {  	[dreg:$0x4] =	wrdreg $0xC0  }
0xb1: {  	_ =	task [dreg:s7], $0x5FFFF  }
0xb2: {  	[dreg:$0x1] =	wrdreg $0xFFFFFFFF  }
0xb3: {  	[dreg:$0x0] =	wrdreg $0x60  }
0xb4: {  	[dreg:$0x2] =	wrdreg s16  }
0xb5: {  	[dreg:$0x3] =	wrdreg s24  }
0xb6: {  	[dreg:$0x4] =	wrdreg $0x145000  }
0xb7: {  	[dreg:$0x5] =	wrdreg $0x9  }
0xb8: {  	_ =	task.clear_ibuf [dreg:s7], $0x6FFFF;
	_ =	strace $0x90000046  }
0xb9: {  	s29 =	simm.s32 $0x9;
	_ =	strace $0x80000048  }
0xba: {  	_ =	swait.ge [sflag:s29], $0x1  }
0xbb: {  	[sflag:s29] =	ssyncadd.s32 $0xFFFFFFFF  }
0xbc: {  	_ =	strace $0x90000048  }
0xbd: {  	_ =	sfence  }
0xbe: {  	s30 =	sld [smem:$0x0];
	_ =	sdelay $0x2  }
0xbf: {  	s31 =	sshll.u32 s1, $0xD;
	s1 =	sshrl.u32 s1, $0x2  }
0xc0: {  	s3 =	sand.u32 $0x4000, s31;
	s1 =	sadd.s32 s1, s30  }
0xc1: {  	s0 =	sor.u32 s3, s0;
	s1 =	sshll.u32 s1, $0x11  }
0xc2: {  	s0 =	sor.u32 s1, s0  }
0xc3: {  	s0 =	sadd.s32 $0x8F2B, s0  }
0xc4: {  	[sflag:s0] =	ssyncadd.remote.s32 $0x1  }
0xc5: {  	_ =	sfence.sel $0xFFFF  }
0xc6: {  	[dreg:$0x0] =	wrdreg $0xFFFFFFFF;
	(pc) =	sbr.abs _section_cstart, $3  }
0xc7: {  	[dreg:$0x1] =	wrdreg $0xFFFFFFFF  }
0xc8: {  	_ =	task.clear_ibuf [dreg:s7], $0x2FFFF;
	_ =	strace $0x9FFFFFFF  }
0xc9: {  	(tm) =	ssettm $0x7FFFFFFF  }
tec
execute0_lowered:
.L_overlay_start_1:
0x0: {  	(tag) =	ssettag $0x1  }
0x1: {  	s1 =	rddreg [dreg:$0x0]  }
0x2: {  	s0 =	srdreg.scid;
	s2 =	rddreg [dreg:$0x1]  }
0x3: {  	s12 =	stileid.u32;
	s3 =	rddreg [dreg:$0x2];
	s13 =	simm.s32 $0x0  }
0x4: {  	s28 =	simm.s32 $0xD000;
	s29 =	simm.s32 $0x1;
	s31 =	simm.s32 $0x2  }
0x5: {  	s30 =	simm.s32 $0x6;
	s0 =	sand.u32 $0x1, s0;
	s8 =	smul.u32 $0x29900, s12  }
0x6: {  	[smem:$0x7FF] =	sst s13;
	s9 =	sadd.s32 $0x17800, s2;
	s20 =	smul.u32 $0x27000, s12  }
0x7: {  	s16 =	sadd.s32 $0xD900, s2;
	s18 =	sadd.s32 $0x17540, s2;
	s23 =	smul.u32 $0x50, s12  }
0x8: {  	p2 =	seq.s32 s12, $0xF;
	s4 =	sshll.u32 s0, $0x4;
	_ =	strace $0x80000047  }
0x9: {  	s7 =	ssub.s32 $0x2, s0;
	s11 =	smul.u32 $0x138800, s0;
	[dreg:$0x7] =	wrdreg s16  }
0xa: {  	s0 =	smul.u32 $0x500, s0;
	[dreg:$0x8] =	wrdreg s18;
	s5 =	sor.u32 s12, s4  }
0xb: {  	s10 =	sshrl.u32 s7, $0x1;
	s4 =	smul.u32 $0x13800, s12;
	s8 =	sshrl.u32 s8, $0x2  }
0xc: {  	s6 =	smul.u32 $0x2800, s5;
	s7 =	ssub.s32 s7, s10;
	s19 =	sadd.s32 s8, s3  }
0xd: {  	s22 =	sshrl.u32 s11, $0x3;
	p0 =	seq.s32 s5, $0x1F;
	p1 =	sne.s32 s5, $0x1F  }
0xe: {  	s5 =	simm.s32 $0x9;
	s26 =	smax.u32 s7, $0x1;
	[dreg:$0x9] =	wrdreg s19  }
0xf: {  	s17 =	sadd.s32 s4, s11;
	s21 =	sadd.s32 $0x5500, s19;
	[dreg:$0xd] =	wrdreg s26  }
0x10: {  	s4 =	sadd.s32 s23, s0;
	s23 =	simm.s32 $0xB000;
	[dreg:$0xa] =	wrdreg s21  }
0x11: {  	s6 =	sshrl.u32 s6, $0x3;
	s26 =	simm.s32 $0x4;
	[dreg:$0xe] =	wrdreg s4  }
0x12: {  	s6 =	sadd.s32 s6, s2;
	s2 =	sshrl.u32 s17, $0x3;
	s17 =	simm.s32 $0x80  }
0x13: {  	s14 =	sadd.s32 $0x3E00, s6;
	s15 =	sadd.s32 $0xDA40, s6;
	s24 =	sadd.s32 s9, s2  }
0x14: {  	s6 =	sshrl.u32 s20, $0x2;
	s2 =	sadd.s32 s9, s22;
	[dreg:$0x5] =	wrdreg s14  }
0x15: {  	s20 =	simm.s32 $0x3;
	s22 =	simm.s32 $0x7;
	[dreg:$0x6] =	wrdreg s15  }
0x16: {  	s25 =	sadd.s32 $0x24900, s2;
	s2 =	sadd.s32 $0x92400, s3;
	[dreg:$0xb] =	wrdreg s24  }
0x17: {  	s6 =	sadd.s32 s6, s3;
	s0 =	sshrl.u32 @p2 s2, $0x3;
	[dreg:$0xc] =	wrdreg s25  }
0x18: {  	v0 =	vlaneseq.u32;
	s2 =	simm.s32 $0x5;
	[dreg:$0xf] =	wrdreg s0;
	s0 =	sshrl.u32 @!p2 s6, $0x3  }
0x19: {  	v1 =	vimm.f32 $0.0e+00;
	v2 =	vmul.u32 $0x2, v0;
	s6 =	simm.s32 $0xA;
	[dreg:$0x10] =	wrdreg s0;
	s0 =	simm.s32 $0x8  }
.LBB2_1:
0x1a: {  	s7 =	simm.s32 @p0 $0x0  }
0x1b: {  	[tilespmem:s7], [sflag:$0xB] =	stream.linear.gather @p0 [hbm4b:s16+s7], $0xA00, $0x38;
	[tilespmem:$0x1EB40] =	vst v63  }
0x1c: {  	s8 =	simm.s32 @p0 $0x2800  }
0x1d: {  	[tilespmem:s8], [sflag:$0xC] =	stream.linear.gather @p0 [hbm4b:s18+s7], $0xA00, $0x38;
	[tilespmem:$0x1EB40] =	vst v63  }
0x1e: {  	s7 =	simm.s32 @!p0 $0x0  }
0x1f: {  	[tilespmem:s7], [sflag:$0xB] =	stream.linear.gather @!p0 [hbm4b:s14+s7], $0x2800, $0x38;
	[tilespmem:$0x1EB40] =	vst v63  }
0x20: {  	s8 =	simm.s32 @!p0 $0x2800  }
0x21: {  	[tilespmem:s8], [sflag:$0xC] =	stream.linear.gather @!p0 [hbm4b:s15+s7], $0x2800, $0x38;
	[tilespmem:$0x1EB40] =	vst v63  }
0x22: {  	s8 =	simm.s32 $0x100;
	s7 =	simm.s32 $0x0  }
.LBB2_2:
0x23: {  	p3 =	sne.s32 s8, $0x15300;
	[tilespmem:s7+$0xF030] =	vst v1;
	s9 =	smov.u32 s8;
	s8 =	sadd.s32 $0x100, s8  }
.Ltmp0:
0x24: {  	[tilespmem:s7+$0xF020] =	vst v1;
	(pc) =	sbr.rel @p3 .LBB2_2-.Ltmp0, $3  }
0x25: {  	[tilespmem:s7+$0xF000] =	vst v1  }
0x26: {  	[tilespmem:s7+$0xF010] =	vst v1;
	_ =	sdelay $0x1  }
0x27: {  	s7 =	sshra.s32 s9, $0x2  }
0x28: {  	[tilespmem:s7+$0xF030] =	vst v1  }
0x29: {  	[tilespmem:s7+$0xF020] =	vst v1  }
0x2a: {  	[tilespmem:s7+$0xF000] =	vst v1  }
0x2b: {  	[tilespmem:s7+$0xF010] =	vst v1;
	s11 =	simm.s32 $0xF000;
	s8 =	simm.s32 $0xD  }
0x2c: {  	[spmem:s19] =	stream.linear.scatter [tilespmem:s11], [sflag:$0xD], $0x5500, $0x38;
	[tilespmem:$0x1EB40] =	vst v63  }
0x2d: {  	_ =	swait.ge [sflag:s8], $0x5500  }
0x2e: {  	[sflag:s8] =	ssyncset.done $0x0  }
0x2f: {  	[sflag:s8] =	ssyncadd.s32 $0xFFFFAB00  }
0x30: {  	[spmem:s21] =	stream.linear.scatter [tilespmem:s11], [sflag:$0xD], $0x5140, $0x38;
	[tilespmem:$0x1EB40] =	vst v63  }
0x31: {  	_ =	swait.ge [sflag:s8], $0x5140  }
0x32: {  	[sflag:s8] =	ssyncset.done $0x0  }
0x33: {  	s7 =	simm.s32 @p0 $0xB;
	[sflag:s8] =	ssyncadd.s32 $0xFFFFAEC0  }
0x34: {  	_ =	swait.ge @p0 [sflag:s7], $0xA00  }
0x35: {  	[sflag:s7] =	ssyncset.done @p0 $0x0  }
0x36: {  	[sflag:s7] =	ssyncadd.s32 @p0 $0xFFFFF600;
	s7 =	simm.s32 @p0 $0xC  }
0x37: {  	_ =	swait.ge @p0 [sflag:s7], $0xA00  }
0x38: {  	[sflag:s7] =	ssyncset.done @p0 $0x0  }
0x39: {  	[sflag:s7] =	ssyncadd.s32 @p0 $0xFFFFF600;
	s7 =	simm.s32 @!p0 $0xB  }
0x3a: {  	_ =	swait.ge @!p0 [sflag:s7], $0x2800  }
0x3b: {  	[sflag:s7] =	ssyncset.done @!p0 $0x0  }
0x3c: {  	[sflag:s7] =	ssyncadd.s32 @!p0 $0xFFFFD800;
	s7 =	simm.s32 @!p0 $0xC  }
0x3d: {  	_ =	swait.ge @!p0 [sflag:s7], $0x2800  }
0x3e: {  	s9 =	sadd.s32 $0x0, s4;
	[sflag:s7] =	ssyncset.done @!p0 $0x0  }
0x3f: {  	p5 =	sgt.u32 s9, $0x9C3;
	s8 =	simm.s32 $0x40;
	[sflag:s7] =	ssyncadd.s32 @!p0 $0xFFFFD800  }
0x40: {  	v3 =	vld @!p5 [tilespmem:s8+$0xFFFFFFC0];
	_ =	sdelay $0x1  }
0x41: {  	v4 =	vld @!p5 [tilespmem:s8+$0xFFFFFFD0]  }
0x42: {  	p3 =	sgt.u32 @!p5 s9, $0x4E1;
	v5 =	vld @!p5 [tilespmem:s8+$0xFFFFFFE0]  }
0x43: {  	p3 =	por !p3, p5;
	s11 =	simm.s32 @!p5 $0x1;
	v7 =	vld @!p5 [tilespmem:s8+$0x0]  }
0x44: {  	s11 =	simm.s32 @p3 $0x0;
	v8 =	vld @!p5 [tilespmem:s8+$0x10];
	v3 =	vshll.u32 @!p5 v3, $0x1  }
0x45: {  	p3 =	por p5, p5;
	v11 =	vld @!p5 [tilespmem:s8+$0x20];
	v3 =	vor.u32 @!p5 s11, v3  }
0x46: {  	s9 =	sadd.s32 $0x1, s4;
	v12 =	vld @!p5 [tilespmem:s8+$0x30];
	[tilespmem:s8+$0xFFFFFFC0] =	vst @!p3 v3;
	v3 =	vshll.u32 @!p5 v4, $0x1  }
0x47: {  	p4 =	sgt.u32 s9, $0x9C3;
	s7 =	simm.s32 $0xC0;
	v9 =	vld @!p3 [tilespmem:s8+$0xFFFFFFF0];
	v4 =	vshll.u32 @!p3 v5, $0x1;
	v3 =	vor.u32 @!p3 s11, v3  }
0x48: {  	v10 =	vld @!p4 [tilespmem:s7+$0xFFFFFFC0];
	[tilespmem:s8+$0xFFFFFFD0] =	vst @!p3 v3;
	v3 =	vor.u32 @!p3 s11, v4;
	v4 =	vshll.u32 @!p3 v7, $0x1  }
0x49: {  	v5 =	vshll.u32 @!p3 v8, $0x1;
	v6 =	vld @!p4 [tilespmem:s7+$0xFFFFFFD0];
	[tilespmem:s8+$0xFFFFFFE0] =	vst @!p3 v3;
	v3 =	vor.u32 @!p3 s11, v4  }
0x4a: {  	v5 =	vor.u32 @!p3 s11, v5;
	v7 =	vshll.u32 @!p3 v11, $0x1;
	v4 =	vld @!p4 [tilespmem:s7+$0xFFFFFFE0];
	[tilespmem:s8+$0x0] =	vst @!p3 v3  }
0x4b: {  	p5 =	sgt.u32 @!p4 s9, $0x4E1;
	v8 =	vshll.u32 @!p3 v12, $0x1;
	v7 =	vor.u32 @!p3 s11, v7;
	v3 =	vld @!p4 [tilespmem:s7+$0x0];
	[tilespmem:s8+$0x10] =	vst @!p3 v5  }
0x4c: {  	s10 =	simm.s32 @!p4 $0x1;
	v9 =	vshll.u32 @!p3 v9, $0x1;
	p5 =	por !p5, p4;
	v11 =	vor.u32 @!p3 s11, v8;
	v5 =	vld @!p4 [tilespmem:s7+$0x10];
	[tilespmem:s8+$0x20] =	vst @!p3 v7  }
0x4d: {  	v9 =	vor.u32 @!p3 s11, v9;
	s9 =	simm.s32 $0x2;
	s10 =	simm.s32 @p5 $0x0;
	v8 =	vshll.u32 @!p4 v10, $0x1;
	v7 =	vld @!p4 [tilespmem:s7+$0x20];
	[tilespmem:s8+$0x30] =	vst @!p3 v11  }
.LBB2_4:
0x4e: {  	s11 =	sadd.s32 s9, s4;
	v8 =	vor.u32 @!p4 s10, v8;
	v6 =	vshll.u32 @!p4 v6, $0x1;
	v10 =	vld @!p4 [tilespmem:s7+$0x30];
	[tilespmem:s8+$0xFFFFFFF0] =	vst @!p3 v9;
	s8 =	smov.u32 s7;
	p3 =	por p4, p4  }
0x4f: {  	s7 =	sadd.s32 $0x80, s7;
	p4 =	sgt.u32 s11, $0x9C3;
	[tilespmem:s8+$0xFFFFFFC0] =	vst @!p3 v8;
	v6 =	vor.u32 @!p3 s10, v6;
	v4 =	vshll.u32 @!p3 v4, $0x1;
	v8 =	vld @!p3 [tilespmem:s8+$0xFFFFFFF0]  }
0x50: {  	s9 =	sadd.s32 $0x1, s9;
	v9 =	vld @!p4 [tilespmem:s7+$0xFFFFFFC0]  }
0x51: {  	p6 =	sne.s32 s9, $0x50;
	[tilespmem:s8+$0xFFFFFFD0] =	vst @!p3 v6;
	v4 =	vor.u32 @!p3 s10, v4;
	v3 =	vshll.u32 @!p3 v3, $0x1  }
.Ltmp1:
0x52: {  	v6 =	vld @!p4 [tilespmem:s7+$0xFFFFFFD0];
	[tilespmem:s8+$0xFFFFFFE0] =	vst @!p3 v4;
	v3 =	vor.u32 @!p3 s10, v3;
	v5 =	vshll.u32 @!p3 v5, $0x1;
	(pc) =	sbr.rel @p6 .LBB2_4-.Ltmp1, $4  }
0x53: {  	v4 =	vld @!p4 [tilespmem:s7+$0xFFFFFFE0];
	[tilespmem:s8+$0x0] =	vst @!p3 v3;
	v5 =	vor.u32 @!p3 s10, v5;
	v7 =	vshll.u32 @!p3 v7, $0x1  }
0x54: {  	p5 =	sgt.u32 @!p4 s11, $0x4E1;
	v3 =	vld @!p4 [tilespmem:s7+$0x0];
	[tilespmem:s8+$0x10] =	vst @!p3 v5;
	v7 =	vor.u32 @!p3 s10, v7;
	v10 =	vshll.u32 @!p3 v10, $0x1;
	v11 =	vshll.u32 @!p3 v8, $0x1  }
0x55: {  	p5 =	por !p5, p4;
	v5 =	vld @!p4 [tilespmem:s7+$0x10];
	[tilespmem:s8+$0x20] =	vst @!p3 v7;
	v10 =	vor.u32 @!p3 s10, v10;
	v8 =	vshll.u32 @!p4 v9, $0x1;
	v9 =	vor.u32 @!p3 s10, v11;
	s10 =	simm.s32 @!p4 $0x1  }
0x56: {  	v7 =	vld @!p4 [tilespmem:s7+$0x20];
	[tilespmem:s8+$0x30] =	vst @!p3 v10;
	s10 =	simm.s32 @p5 $0x0  }
0x57: {  	v8 =	vor.u32 @!p4 s10, v8;
	[tilespmem:s8+$0xFFFFFFF0] =	vst @!p3 v9;
	p3 =	por p4, p4;
	v6 =	vshll.u32 @!p4 v6, $0x1;
	v9 =	vld @!p4 [tilespmem:s7+$0x30]  }
0x58: {  	[tilespmem:s7+$0xFFFFFFC0] =	vst @!p3 v8;
	v6 =	vor.u32 @!p3 s10, v6;
	v4 =	vshll.u32 @!p3 v4, $0x1;
	v8 =	vld @!p3 [tilespmem:s7+$0xFFFFFFF0]  }
0x59: {  	[tilespmem:s7+$0xFFFFFFD0] =	vst @!p3 v6;
	v4 =	vor.u32 @!p3 s10, v4;
	v3 =	vshll.u32 @!p3 v3, $0x1  }
0x5a: {  	[tilespmem:s7+$0xFFFFFFE0] =	vst @!p3 v4;
	v3 =	vor.u32 @!p3 s10, v3;
	v4 =	vshll.u32 @!p3 v5, $0x1  }
.Ltmp2:
0x5b: {  	[tilespmem:s7+$0x0] =	vst @!p3 v3;
	v3 =	vor.u32 @!p3 s10, v4;
	v4 =	vshll.u32 @!p3 v7, $0x1;
	(pc) =	sbr.rel @p1 .LBB2_9-.Ltmp2, $4  }
0x5c: {  	[tilespmem:s7+$0x10] =	vst @!p3 v3;
	v3 =	vor.u32 @!p3 s10, v4;
	v4 =	vshll.u32 @!p3 v9, $0x1  }
0x5d: {  	v5 =	vshll.u32 @!p3 v8, $0x1;
	[tilespmem:s7+$0x20] =	vst @!p3 v3;
	v3 =	vor.u32 @!p3 s10, v4  }
0x5e: {  	v4 =	vor.u32 @!p3 s10, v5;
	[tilespmem:s7+$0x30] =	vst @!p3 v3  }
0x5f: {  	[tilespmem:s7+$0xFFFFFFF0] =	vst @!p3 v4  }
0x60: {  	s7 =	simm.s32 $0x0  }
0x61: {  	v3 =	vmov s7  }
0x62: {  	s8 =	simm.s32 $0x10;
	v3 =	vshll.u32 v3, $0x1  }
0x63: {  	s9 =	simm.s32 $0x2710;
	s7 =	simm.s32 $0xA70;
	v4 =	vmov s8;
	v3 =	vor.u32 v2, v3  }
0x64: {  	[dreg:$0x4] =	wrdreg s13;
	s13 =	simm.s32 $0x20;
	s8 =	simm.s32 $0x3270;
	v4 =	vshll.u32 v4, $0x1;
	[tilespmem:s7+$0xFFFFFF90] =	vst v3;
	v3 =	vor.u32 s9, v0  }
0x65: {  	s10 =	simm.s32 $0x2720;
	[tilespmem:s8+$0xFFFFFF90] =	vst v3;
	v3 =	vor.u32 v2, v4;
	v4 =	vmov s13  }
0x66: {  	s14 =	simm.s32 $0x30;
	[tilespmem:s7+$0xFFFFFFA0] =	vst v3;
	v3 =	vor.u32 s10, v0;
	v4 =	vshll.u32 v4, $0x1  }
0x67: {  	s15 =	simm.s32 $0x2730;
	[tilespmem:s8+$0xFFFFFFA0] =	vst v3;
	v3 =	vor.u32 v2, v4;
	v4 =	vmov s14  }
0x68: {  	s16 =	simm.s32 $0x40;
	[tilespmem:s7+$0xFFFFFFB0] =	vst v3;
	v3 =	vor.u32 s15, v0;
	v4 =	vshll.u32 v4, $0x1  }
0x69: {  	s18 =	simm.s32 $0x2740;
	[tilespmem:s8+$0xFFFFFFB0] =	vst v3;
	v3 =	vor.u32 v2, v4;
	v4 =	vmov s16  }
0x6a: {  	s19 =	simm.s32 $0x50;
	[tilespmem:s7+$0xFFFFFFC0] =	vst v3;
	v3 =	vor.u32 s18, v0;
	v4 =	vshll.u32 v4, $0x1  }
0x6b: {  	s21 =	simm.s32 $0x2750;
	[tilespmem:s8+$0xFFFFFFC0] =	vst v3;
	v3 =	vor.u32 v2, v4;
	v4 =	vmov s19  }
0x6c: {  	s24 =	simm.s32 $0x60;
	[tilespmem:s7+$0xFFFFFFD0] =	vst v3;
	v3 =	vor.u32 s21, v0;
	v4 =	vshll.u32 v4, $0x1  }
0x6d: {  	s12 =	simm.s32 $0x0;
	s11 =	simm.s32 $0x70;
	s15 =	simm.s32 $0x2760;
	[tilespmem:s8+$0xFFFFFFD0] =	vst v3;
	v3 =	vor.u32 v2, v4;
	v4 =	vmov s24  }
0x6e: {  	s25 =	simm.s32 $0x2770;
	s13 =	simm.s32 $0xF0;
	s10 =	simm.s32 $0x1;
	v5 =	vor.u32 s15, v0;
	[tilespmem:s7+$0xFFFFFFE0] =	vst v3;
	v4 =	vshll.u32 v4, $0x1  }
0x6f: {  	s15 =	simm.s32 $0x2780;
	s24 =	simm.s32 $0xA70;
	v3 =	vor.u32 s25, v0;
	[tilespmem:s8+$0xFFFFFFE0] =	vst v5;
	v4 =	vor.u32 v2, v4;
	v5 =	vmov s11;
	s11 =	simm.s32 $0x3270  }
.LBB2_7:
0x70: {  	s9 =	sadd.s32 $0xFFFFFF90, s13  }
0x71: {  	[tilespmem:s7+$0xFFFFFFF0] =	vst v4;
	v4 =	vshll.u32 v5, $0x1;
	p3 =	seq.s32 s12, $0x4;
	s12 =	smov.u32 s13;
	s25 =	sadd.s32 $0x80, s13  }
0x72: {  	s11 =	sadd.s32 $0x80, s11;
	s7 =	sadd.s32 $0x80, s7;
	v5 =	vmov s9;
	[tilespmem:s8+$0xFFFFFFF0] =	vst v3;
	v3 =	vor.u32 v2, v4;
	s10 =	simm.s32 @p3 $0x0  }
0x73: {  	s4 =	sadd.s32 $0xFFFFFFA0, s12;
	v4 =	vshll.u32 v5, $0x1;
	s16 =	sshll.u32 s10, $0x7;
	s9 =	sadd.s32 $0x1, s10;
	[tilespmem:s24+$0x0] =	vst v3;
	v3 =	vor.u32 s15, v0  }
0x74: {  	v5 =	vmov s4;
	v4 =	vor.u32 v2, v4;
	s15 =	sadd.s32 $0x2710, s16;
	s4 =	sadd.s32 $0x2720, s16;
	s14 =	sadd.s32 $0x2730, s16;
	[tilespmem:s8+$0x0] =	vst v3  }
0x75: {  	s8 =	sadd.s32 $0xFFFFFFB0, s12;
	s18 =	sadd.s32 $0x2740, s16;
	s19 =	sadd.s32 $0x2750, s16;
	[tilespmem:s7+$0xFFFFFF90] =	vst v4;
	v3 =	vor.u32 s15, v0;
	v4 =	vshll.u32 v5, $0x1  }
0x76: {  	s21 =	sadd.s32 $0x2760, s16;
	s15 =	sadd.s32 $0x2780, s16;
	[tilespmem:s11+$0xFFFFFF90] =	vst v3;
	v3 =	vor.u32 v2, v4;
	v4 =	vmov s8;
	s8 =	sadd.s32 $0x2770, s16  }
0x77: {  	p3 =	sne.s32 s13, $0x1DF0;
	v5 =	vor.u32 s4, v0;
	s4 =	sadd.s32 $0xFFFFFFC0, s12;
	[tilespmem:s7+$0xFFFFFFA0] =	vst v3;
	v4 =	vshll.u32 v4, $0x1;
	v3 =	vor.u32 s8, v0;
	s8 =	smov.u32 s11  }
0x78: {  	s24 =	smov.u32 s7;
	[tilespmem:s11+$0xFFFFFFA0] =	vst v5;
	v4 =	vor.u32 v2, v4;
	v5 =	vmov s4  }
0x79: {  	s4 =	sadd.s32 $0xFFFFFFD0, s12;
	[tilespmem:s7+$0xFFFFFFB0] =	vst v4;
	v4 =	vor.u32 s14, v0;
	v5 =	vshll.u32 v5, $0x1  }
0x7a: {  	[tilespmem:s11+$0xFFFFFFB0] =	vst v4;
	v4 =	vor.u32 v2, v5;
	v5 =	vmov s4  }
0x7b: {  	s4 =	sadd.s32 $0xFFFFFFE0, s12;
	[tilespmem:s7+$0xFFFFFFC0] =	vst v4;
	v4 =	vor.u32 s18, v0;
	v5 =	vshll.u32 v5, $0x1  }
.Ltmp3:
0x7c: {  	[tilespmem:s11+$0xFFFFFFC0] =	vst v4;
	v4 =	vor.u32 v2, v5;
	v5 =	vmov s4;
	(pc) =	sbr.rel @p3 .LBB2_7-.Ltmp3, $4  }
0x7d: {  	s4 =	sadd.s32 $0xFFFFFFF0, s12;
	[tilespmem:s7+$0xFFFFFFD0] =	vst v4;
	v4 =	vor.u32 s19, v0;
	v5 =	vshll.u32 v5, $0x1  }
0x7e: {  	[tilespmem:s11+$0xFFFFFFD0] =	vst v4;
	v4 =	vor.u32 v2, v5;
	v5 =	vmov s4  }
0x7f: {  	[tilespmem:s7+$0xFFFFFFE0] =	vst v4;
	v4 =	vor.u32 s21, v0;
	v5 =	vshll.u32 v5, $0x1  }
0x80: {  	s13 =	smov.u32 s25;
	[tilespmem:s11+$0xFFFFFFE0] =	vst v4;
	v4 =	vor.u32 v2, v5;
	v5 =	vmov s12;
	s12 =	smov.u32 s10;
	s10 =	smov.u32 s9  }
0x81: {  	s13 =	rddreg [dreg:$0x4]  }
0x82: {  	s14 =	rddreg [dreg:$0x5]  }
0x83: {  	s16 =	rddreg [dreg:$0x7]  }
0x84: {  	s18 =	rddreg [dreg:$0x8]  }
0x85: {  	s19 =	rddreg [dreg:$0x9]  }
0x86: {  	[tilespmem:s7+$0xFFFFFFF0] =	vst v4;
	v63 =	vshll.u32 v5, $0x1;
	s21 =	rddreg [dreg:$0xa]  }
0x87: {  	s25 =	rddreg [dreg:$0xc];
	[tilespmem:s8+$0xFFFFFFF0] =	vst v3;
	v3 =	vor.u32 v2, v63  }
0x88: {  	[tilespmem:s24+$0x0] =	vst v3;
	v3 =	vor.u32 s15, v0;
	s15 =	rddreg [dreg:$0x6]  }
0x89: {  	s12 =	stileid.u32;
	s24 =	rddreg [dreg:$0xb];
	[tilespmem:s8+$0x0] =	vst v3  }
.LBB2_9:
0x8a: {  	[bflag:$0x0] =	sbarrier.arrive $0xFFFF;
	s4 =	simm.s32 $0x0;
	s9 =	simm.s32 $0x5000  }
0x8b: {  	[tilespmem:s9], [sflag:$0x1] =	stream.indirect.gather [hbm4b:s1+s17], $0x40, s4, s17, $0xb8;
	[tilespmem:$0x1EB40] =	vst v63  }
0x8c: {  	s10 =	simm.s32 $0x7000  }
0x8d: {  	[tilespmem:s10], [sflag:$0x2] =	stream.indirect.gather [hbm4b:s1+s17], $0x40, s17, s17, $0xb8;
	[tilespmem:$0x1EB40] =	vst v63  }
0x8e: {  	s8 =	simm.s32 $0x100;
	s11 =	simm.s32 $0x9000  }
0x8f: {  	[tilespmem:s11], [sflag:$0x3] =	stream.indirect.gather [hbm4b:s1+s17], $0x40, s8, s17, $0xb8;
	[tilespmem:$0x1EB40] =	vst v63  }
0x90: {  	s7 =	simm.s32 $0x180  }
0x91: {  	[tilespmem:s23], [sflag:$0x4] =	stream.indirect.gather [hbm4b:s1+s17], $0x40, s7, s17, $0xb8;
	[tilespmem:$0x1EB40] =	vst v63  }
0x92: {  	s8 =	simm.s32 $0x200  }
0x93: {  	[tilespmem:s28], [sflag:$0x5] =	stream.indirect.gather [hbm4b:s1+s17], $0x40, s8, s17, $0xb8;
	[tilespmem:$0x1EB40] =	vst v63  }
0x94: {  	_ =	swait.ge [sflag:s29], $0x2000  }
0x95: {  	[sflag:s29] =	ssyncset.done $0x0  }
0x96: {  	s7 =	simm.s32 $0x2800;
	[sflag:s29] =	ssyncadd.s32 $0xFFFFE000  }
0x97: {  	[spmem:s3] =	stream.indirect.scatter.add.f32 [tilespmem:s9], [sflag:$0x6], $0x40, s7, s17, $0xb8;
	[tilespmem:$0x1EB40] =	vst v63  }
0x98: {  	_ =	swait.ge [sflag:s31], $0x2000  }
0x99: {  	[sflag:s31] =	ssyncset.done $0x0  }
0x9a: {  	s8 =	simm.s32 $0x2880;
	[sflag:s31] =	ssyncadd.s32 $0xFFFFE000  }
0x9b: {  	[spmem:s3] =	stream.indirect.scatter.add.f32 [tilespmem:s10], [sflag:$0x7], $0x40, s8, s17, $0xb8;
	[tilespmem:$0x1EB40] =	vst v63  }
0x9c: {  	_ =	swait.ge [sflag:s20], $0x2000  }
0x9d: {  	[sflag:s20] =	ssyncset.done $0x0  }
0x9e: {  	s7 =	simm.s32 $0x2900;
	[sflag:s20] =	ssyncadd.s32 $0xFFFFE000  }
0x9f: {  	[spmem:s3] =	stream.indirect.scatter.add.f32 [tilespmem:s11], [sflag:$0x8], $0x40, s7, s17, $0xb8;
	[tilespmem:$0x1EB40] =	vst v63  }
0xa0: {  	_ =	swait.ge [sflag:s26], $0x2000  }
0xa1: {  	[sflag:s26] =	ssyncset.done $0x0  }
0xa2: {  	s8 =	simm.s32 $0x2980;
	[sflag:s26] =	ssyncadd.s32 $0xFFFFE000  }
0xa3: {  	[spmem:s3] =	stream.indirect.scatter.add.f32 [tilespmem:s23], [sflag:$0x9], $0x40, s8, s17, $0xb8;
	[tilespmem:$0x1EB40] =	vst v63  }
0xa4: {  	_ =	swait.ge [sflag:s2], $0x2000  }
0xa5: {  	[sflag:s2] =	ssyncset.done $0x0  }
0xa6: {  	s7 =	simm.s32 $0x2A00;
	[sflag:s2] =	ssyncadd.s32 $0xFFFFE000  }
0xa7: {  	[spmem:s3] =	stream.indirect.scatter.add.f32 [tilespmem:s28], [sflag:$0xA], $0x40, s7, s17, $0xb8;
	[tilespmem:$0x1EB40] =	vst v63  }
0xa8: {  	_ =	swait.ge [sflag:s30], $0x2000  }
0xa9: {  	[sflag:s30] =	ssyncset.done $0x0  }
0xaa: {  	[sflag:s30] =	ssyncadd.s32 $0xFFFFE000  }
0xab: {  	_ =	swait.ge [sflag:s22], $0x2000  }
0xac: {  	[sflag:s22] =	ssyncset.done $0x0  }
0xad: {  	[sflag:s22] =	ssyncadd.s32 $0xFFFFE000  }
0xae: {  	_ =	swait.ge [sflag:s0], $0x2000  }
0xaf: {  	[sflag:s0] =	ssyncset.done $0x0  }
0xb0: {  	[sflag:s0] =	ssyncadd.s32 $0xFFFFE000  }
0xb1: {  	_ =	swait.ge [sflag:s5], $0x2000  }
0xb2: {  	[sflag:s5] =	ssyncset.done $0x0  }
0xb3: {  	[sflag:s5] =	ssyncadd.s32 $0xFFFFE000  }
0xb4: {  	_ =	swait.ge [sflag:s6], $0x2000  }
0xb5: {  	[sflag:s6] =	ssyncset.done $0x0  }
0xb6: {  	s8 =	simm.s32 $0x280;
	[sflag:s6] =	ssyncadd.s32 $0xFFFFE000  }
0xb7: {  	[tilespmem:s9], [sflag:$0x1] =	stream.indirect.gather [hbm4b:s1+s17], $0x40, s8, s17, $0xb8;
	[tilespmem:$0x1EB40] =	vst v63  }
0xb8: {  	s7 =	simm.s32 $0x300  }
0xb9: {  	[tilespmem:s10], [sflag:$0x2] =	stream.indirect.gather [hbm4b:s1+s17], $0x40, s7, s17, $0xb8;
	[tilespmem:$0x1EB40] =	vst v63  }
0xba: {  	s8 =	simm.s32 $0x380  }
0xbb: {  	[tilespmem:s11], [sflag:$0x3] =	stream.indirect.gather [hbm4b:s1+s17], $0x40, s8, s17, $0xb8;
	[tilespmem:$0x1EB40] =	vst v63  }
0xbc: {  	s7 =	simm.s32 $0x400  }
0xbd: {  	[tilespmem:s23], [sflag:$0x4] =	stream.indirect.gather [hbm4b:s1+s17], $0x40, s7, s17, $0xb8;
	[tilespmem:$0x1EB40] =	vst v63  }
0xbe: {  	s8 =	simm.s32 $0x480  }
0xbf: {  	[tilespmem:s28], [sflag:$0x5] =	stream.indirect.gather [hbm4b:s1+s17], $0x40, s8, s17, $0xb8;
	[tilespmem:$0x1EB40] =	vst v63  }
0xc0: {  	_ =	swait.ge [sflag:s29], $0x2000  }
0xc1: {  	[sflag:s29] =	ssyncset.done $0x0  }
0xc2: {  	s7 =	simm.s32 $0x2A80;
	[sflag:s29] =	ssyncadd.s32 $0xFFFFE000  }
0xc3: {  	[spmem:s3] =	stream.indirect.scatter.add.f32 [tilespmem:s9], [sflag:$0x6], $0x40, s7, s17, $0xb8;
	[tilespmem:$0x1EB40] =	vst v63  }
0xc4: {  	_ =	swait.ge [sflag:s31], $0x2000  }
0xc5: {  	[sflag:s31] =	ssyncset.done $0x0  }
0xc6: {  	s8 =	simm.s32 $0x2B00;
	[sflag:s31] =	ssyncadd.s32 $0xFFFFE000  }
0xc7: {  	[spmem:s3] =	stream.indirect.scatter.add.f32 [tilespmem:s10], [sflag:$0x7], $0x40, s8, s17, $0xb8;
	[tilespmem:$0x1EB40] =	vst v63  }
0xc8: {  	_ =	swait.ge [sflag:s20], $0x2000  }
0xc9: {  	[sflag:s20] =	ssyncset.done $0x0  }
0xca: {  	s7 =	simm.s32 $0x2B80;
	[sflag:s20] =	ssyncadd.s32 $0xFFFFE000  }
0xcb: {  	[spmem:s3] =	stream.indirect.scatter.add.f32 [tilespmem:s11], [sflag:$0x8], $0x40, s7, s17, $0xb8;
	[tilespmem:$0x1EB40] =	vst v63  }
0xcc: {  	_ =	swait.ge [sflag:s26], $0x2000  }
0xcd: {  	[sflag:s26] =	ssyncset.done $0x0  }
0xce: {  	s8 =	simm.s32 $0x2C00;
	[sflag:s26] =	ssyncadd.s32 $0xFFFFE000  }
0xcf: {  	[spmem:s3] =	stream.indirect.scatter.add.f32 [tilespmem:s23], [sflag:$0x9], $0x40, s8, s17, $0xb8;
	[tilespmem:$0x1EB40] =	vst v63  }
0xd0: {  	_ =	swait.ge [sflag:s2], $0x2000  }
0xd1: {  	[sflag:s2] =	ssyncset.done $0x0  }
0xd2: {  	s7 =	simm.s32 $0xA00;
	s8 =	simm.s32 $0x2C80;
	[sflag:s2] =	ssyncadd.s32 $0xFFFFE000  }
.LBB2_10:
0xd3: {  	[spmem:s3] =	stream.indirect.scatter.add.f32 [tilespmem:s28], [sflag:$0xA], $0x40, s8, s17, $0xb8;
	[tilespmem:$0x1EB40] =	vst v63  }
0xd4: {  	s4 =	smov.u32 s7  }
0xd5: {  	p3 =	sne.s32 s7, $0x8C00;
	s7 =	sadd.s32 $0xA00, s7;
	_ =	swait.ge [sflag:s30], $0x2000  }
0xd6: {  	[sflag:s30] =	ssyncset.done $0x0  }
0xd7: {  	[sflag:s30] =	ssyncadd.s32 $0xFFFFE000  }
0xd8: {  	_ =	swait.ge [sflag:s22], $0x2000  }
0xd9: {  	[sflag:s22] =	ssyncset.done $0x0  }
0xda: {  	[sflag:s22] =	ssyncadd.s32 $0xFFFFE000  }
0xdb: {  	_ =	swait.ge [sflag:s0], $0x2000  }
0xdc: {  	[sflag:s0] =	ssyncset.done $0x0  }
0xdd: {  	[sflag:s0] =	ssyncadd.s32 $0xFFFFE000  }
0xde: {  	_ =	swait.ge [sflag:s5], $0x2000  }
0xdf: {  	[sflag:s5] =	ssyncset.done $0x0  }
0xe0: {  	[sflag:s5] =	ssyncadd.s32 $0xFFFFE000  }
0xe1: {  	_ =	swait.ge [sflag:s6], $0x2000  }
0xe2: {  	s8 =	sshra.s32 s4, $0x2;
	[sflag:s6] =	ssyncset.done $0x0  }
0xe3: {  	s4 =	sadd.s32 $0x280, s8;
	[sflag:s6] =	ssyncadd.s32 $0xFFFFE000  }
0xe4: {  	[tilespmem:s9], [sflag:$0x1] =	stream.indirect.gather [hbm4b:s1+s17], $0x40, s4, s17, $0xb8;
	[tilespmem:$0x1EB40] =	vst v63  }
0xe5: {  	s4 =	sadd.s32 $0x300, s8  }
0xe6: {  	[tilespmem:s10], [sflag:$0x2] =	stream.indirect.gather [hbm4b:s1+s17], $0x40, s4, s17, $0xb8;
	[tilespmem:$0x1EB40] =	vst v63  }
0xe7: {  	s4 =	sadd.s32 $0x380, s8  }
0xe8: {  	[tilespmem:s11], [sflag:$0x3] =	stream.indirect.gather [hbm4b:s1+s17], $0x40, s4, s17, $0xb8;
	[tilespmem:$0x1EB40] =	vst v63  }
0xe9: {  	s4 =	sadd.s32 $0x400, s8  }
0xea: {  	[tilespmem:s23], [sflag:$0x4] =	stream.indirect.gather [hbm4b:s1+s17], $0x40, s4, s17, $0xb8;
	[tilespmem:$0x1EB40] =	vst v63  }
0xeb: {  	s4 =	sadd.s32 $0x480, s8  }
0xec: {  	[tilespmem:s28], [sflag:$0x5] =	stream.indirect.gather [hbm4b:s1+s17], $0x40, s4, s17, $0xb8;
	[tilespmem:$0x1EB40] =	vst v63  }
0xed: {  	_ =	swait.ge [sflag:s29], $0x2000  }
0xee: {  	[sflag:s29] =	ssyncset.done $0x0  }
0xef: {  	s4 =	sadd.s32 $0x2A80, s8;
	[sflag:s29] =	ssyncadd.s32 $0xFFFFE000  }
0xf0: {  	[spmem:s3] =	stream.indirect.scatter.add.f32 [tilespmem:s9], [sflag:$0x6], $0x40, s4, s17, $0xb8;
	[tilespmem:$0x1EB40] =	vst v63  }
0xf1: {  	_ =	swait.ge [sflag:s31], $0x2000  }
0xf2: {  	[sflag:s31] =	ssyncset.done $0x0  }
0xf3: {  	s4 =	sadd.s32 $0x2B00, s8;
	[sflag:s31] =	ssyncadd.s32 $0xFFFFE000  }
0xf4: {  	[spmem:s3] =	stream.indirect.scatter.add.f32 [tilespmem:s10], [sflag:$0x7], $0x40, s4, s17, $0xb8;
	[tilespmem:$0x1EB40] =	vst v63  }
0xf5: {  	_ =	swait.ge [sflag:s20], $0x2000  }
0xf6: {  	[sflag:s20] =	ssyncset.done $0x0  }
0xf7: {  	s4 =	sadd.s32 $0x2B80, s8;
	[sflag:s20] =	ssyncadd.s32 $0xFFFFE000  }
0xf8: {  	[spmem:s3] =	stream.indirect.scatter.add.f32 [tilespmem:s11], [sflag:$0x8], $0x40, s4, s17, $0xb8;
	[tilespmem:$0x1EB40] =	vst v63  }
0xf9: {  	_ =	swait.ge [sflag:s26], $0x2000  }
0xfa: {  	[sflag:s26] =	ssyncset.done $0x0  }
.Ltmp4:
0xfb: {  	s4 =	sadd.s32 $0x2C00, s8;
	[sflag:s26] =	ssyncadd.s32 $0xFFFFE000;
	(pc) =	sbr.rel @p3 .LBB2_10-.Ltmp4, $4  }
0xfc: {  	[spmem:s3] =	stream.indirect.scatter.add.f32 [tilespmem:s23], [sflag:$0x9], $0x40, s4, s17, $0xb8;
	[tilespmem:$0x1EB40] =	vst v63  }
0xfd: {  	_ =	swait.ge [sflag:s2], $0x2000  }
0xfe: {  	[sflag:s2] =	ssyncset.done $0x0  }
0xff: {  	s8 =	sadd.s32 $0x2C80, s8;
	[sflag:s2] =	ssyncadd.s32 $0xFFFFE000  }
0x100: {  	[spmem:s3] =	stream.indirect.scatter.add.f32 [tilespmem:s28], [sflag:$0xA], $0x40, s8, s17, $0xb8;
	[tilespmem:$0x1EB40] =	vst v63  }
0x101: {  	_ =	swait.ge [sflag:s30], $0x2000  }
0x102: {  	[sflag:s30] =	ssyncset.done $0x0  }
0x103: {  	[sflag:s30] =	ssyncadd.s32 $0xFFFFE000  }
0x104: {  	_ =	swait.ge [sflag:s22], $0x2000  }
0x105: {  	[sflag:s22] =	ssyncset.done $0x0  }
0x106: {  	[sflag:s22] =	ssyncadd.s32 $0xFFFFE000  }
0x107: {  	_ =	swait.ge [sflag:s0], $0x2000  }
0x108: {  	[sflag:s0] =	ssyncset.done $0x0  }
0x109: {  	[sflag:s0] =	ssyncadd.s32 $0xFFFFE000  }
0x10a: {  	_ =	swait.ge [sflag:s5], $0x2000  }
0x10b: {  	[sflag:s5] =	ssyncset.done $0x0  }
0x10c: {  	[sflag:s5] =	ssyncadd.s32 $0xFFFFE000  }
0x10d: {  	_ =	swait.ge [sflag:s6], $0x2000  }
0x10e: {  	[sflag:s6] =	ssyncset.done $0x0  }
0x10f: {  	[sflag:s6] =	ssyncadd.s32 $0xFFFFE000  }
0x110: {  	s4 =	simm.s32 @p2 $0x1;
	s7 =	simm.s32 @p2 $0x10;
	[bflag:$0x0] =	sbarrier.arrive $0xFFFF  }
0x111: {  	s8 =	simm.s32 @p2 $0x8;
	s9 =	simm.s32 @p2 $0x1FCD;
	s10 =	rddreg [dreg:$0xf]  }
0x112: {  	[hbm:s25@s7], [sflag:s9] =	dma.strided @p2 [spmem:s10@s8], $0x1400, s4, $0x8   }
0x113: {  	s4 =	simm.s32 @p2 $0xD  }
0x114: {  	s7 =	sshll.u32 @!p2 s12, $0x6;
	s8 =	simm.s32 @!p2 $0x10;
	_ =	swait.ge @p2 [sflag:s4], $0x1400  }
0x115: {  	s9 =	simm.s32 @!p2 $0x8;
	[sflag:s4] =	ssyncset.done @p2 $0x0;
	s10 =	rddreg [dreg:$0x10]  }
0x116: {  	[sflag:s4] =	ssyncadd.s32 @p2 $0xFFFFEC00;
	s4 =	sor.u32 @!p2 $0x1C0D, s7;
	s7 =	simm.s32 @!p2 $0x1  }
0x117: {  	[hbm:s24@s8], [sflag:s4] =	dma.strided @!p2 [spmem:s10@s9], $0x1380, s7, $0x8   }
0x118: {  	s4 =	simm.s32 @!p2 $0xD  }
0x119: {  	_ =	swait.ge @!p2 [sflag:s4], $0x1380  }
0x11a: {  	s13 =	sadd.s32 $0x1, s13;
	s11 =	rddreg [dreg:$0xd]  }
0x11b: {  	p3 =	sne.s32 s13, s11  }
.Ltmp5:
0x11c: {  	_ = 	snop;
	(pc) =	sbr.rel @p3 .LBB2_1-.Ltmp5, $3  }
0x11d: {  	_ =	sdelay $0x1  }
0x11e: {  	[sflag:s4] =	ssyncset.done @!p2 $0x0  }
0x11f: {  	[sflag:s4] =	ssyncadd.s32 @!p2 $0xFFFFEC80;
	s4 =	rddreg [dreg:$0xe]  }
0x120: {  	_ =	sfence.sel $0x180000  }
0x121: {  	[bflag:$0x0] =	sbarrier.arrive $0xFFFF  }
0x122: {  	_ =	strace $0x90000047  }
0x123: {  	[bflag:$0x2] =	sbarrier.arrive $0xFFFF  }
0x124: {  	p0 =	sne.s32 s12, $0x0;
	s0 =	rddreg [dreg:$0x3]  }
0x125: {  	s0 =	sadd.s32 @!p0 $0x100000, s0  }
0x126: {  	[sflag:s0] =	ssyncadd.tile.s32 @!p0 $0x1;
	_ =	shalt  }
.Lfunc_end2:
_tile_overlayer_lowered:
.L_overlay_start_2:
0x127: {  	(tag) =	ssettag $0x2  }
0x128: {  	s0 =	rddreg [dreg:$0x0];
	s2 =	stileid.u32  }
0x129: {  	s1 =	rddreg [dreg:$0x1];
	p0 =	sne.s32 s2, $0x0  }
0x12a: {  	s3 =	rddreg [dreg:$0x2];
	[bflag:$0x3] =	sbarrier.arrive $0xFFFF;
	s2 =	simm.s32 @!p0 $0x1C0D  }
0x12b: {  	[timem:s3], [sflag:s2] =	dma.local @!p0 [hbm:s0], s1  }
0x12c: {  	s0 =	simm.s32 @!p0 $0xD  }
0x12d: {  	_ =	swait.ge @!p0 [sflag:s0], s1  }
0x12e: {  	s1 =	ssub.s32 @!p0 $0x0, s1;
	[sflag:s0] =	ssyncset.done @!p0 $0x0  }
0x12f: {  	[sflag:s0] =	ssyncadd.s32 @!p0 s1  }
0x130: {  	[bflag:$0x3] =	sbarrier.arrive $0xFFFF  }
0x131: {  	_ =	shalt  }

</sc_bundles>
